<compile_context>
chip_gen: v7x
topology: tpu7x:2x2x1
jax: 0.10.2.dev20260603
libtpu: 0.0.44.dev20260713+nightly
codegen_flags: <defaults>
</compile_context>

<pallas_src>
import functools

import jax
import jax.numpy as jnp
from jax import lax
from jax.experimental import pallas as pl
from jax.experimental.pallas import tpu as pltpu
from jax.experimental.pallas import tpu_sc as plsc

K = 1024
D = 64
TL = 4096
LANES = 16


def _vq_idx_block(x_ref, w_ref, i_ref):
    xb = x_ref[0]
    w = w_ref[...]
    scores = jax.lax.dot_general(
        w, xb, (((1,), (0,)), ((), ())),
        preferred_element_type=jnp.float32)
    wsq = jnp.sum(w * w, axis=1)
    t = 0.5 * wsq[:, None] - scores
    i_ref[0, 0] = jnp.argmin(t, axis=0)


def _tc_indices(x, W):
    B, Dd, L = x.shape
    nl = L // TL
    idx = pl.pallas_call(
        _vq_idx_block,
        grid=(B, nl),
        in_specs=[
            pl.BlockSpec((1, Dd, TL), lambda b, l: (b, 0, l)),
            pl.BlockSpec((K, Dd), lambda b, l: (0, 0)),
        ],
        out_specs=pl.BlockSpec((1, 1, TL), lambda b, l: (b * nl + l, 0, 0)),
        out_shape=jax.ShapeDtypeStruct((B * nl, 1, TL), jnp.int32),
    )(x, W)
    return idx


def _transpose_w(w_ref, wt_ref):
    wt_ref[...] = w_ref[...].T


def _tc_wt(W):
    return pl.pallas_call(
        _transpose_w,
        out_shape=jax.ShapeDtypeStruct((D, K), jnp.float32),
    )(W)


def _make_sc_gather(B, L):
    info = plsc.get_sparse_core_info()
    NC, NS = info.num_cores, info.num_subcores
    ndg = (NC * NS) // B
    dpg = D // ndg
    mesh = plsc.VectorSubcoreMesh(core_axis_name="c", subcore_axis_name="s")

    NQ = 4
    LQ = L // NQ
    ncq = LQ // LANES

    @functools.partial(
        pl.kernel, mesh=mesh,
        compiler_params=pltpu.CompilerParams(
            needs_layout_passes=False),
        out_type=jax.ShapeDtypeStruct((B, D, L), jnp.float32),
        scratch_types=[
            pltpu.VMEM((dpg, K), jnp.float32),
            pltpu.VMEM((L,), jnp.int32),
            pltpu.VMEM((dpg, L), jnp.float32),
            pltpu.SemaphoreType.DMA,
        ],
    )
    def sc_gather(wt_hbm, idx_hbm, out_hbm, wt_v, idx_v, out_v, sem):
        wid = lax.axis_index("s") * NC + lax.axis_index("c")
        b = wid // ndg
        dg = wid % ndg
        pltpu.sync_copy(wt_hbm.at[pl.ds(dg * dpg, dpg)], wt_v)
        pltpu.sync_copy(idx_hbm.at[b, 0], idx_v)

        copies = []
        for r in range(NQ):
            @plsc.parallel_loop(r * ncq, (r + 1) * ncq, unroll=8)
            def chunk(i):
                iv = idx_v[pl.ds(i * LANES, LANES)]
                for d in range(dpg):
                    dvec = jnp.full((LANES,), d, jnp.int32)
                    out_v[d, pl.ds(i * LANES, LANES)] = plsc.load_gather(
                        wt_v, [dvec, iv])

            copies.append(pltpu.async_copy(
                out_v.at[:, pl.ds(r * LQ, LQ)],
                out_hbm.at[b, pl.ds(dg * dpg, dpg), pl.ds(r * LQ, LQ)],
                sem))
        for c in copies:
            c.wait()

    return sc_gather


@jax.jit
def kernel(x, W):
    B, Dd, L = x.shape
    idx3 = _tc_indices(x, W)
    wt = _tc_wt(W)
    q = _make_sc_gather(B, L)(wt, idx3)
    return q, idx3.reshape(B, L)

# --- scband reference (transcript-rebuilt; emitter-appended) ---
"""Pipeline reference for scband-vector-quantizer-23158463660247 (READ-ONLY COPY).

The authoritative reference and input builder live on the scoring server;
editing this copy changes nothing except your own understanding.
"""

import jax, jax.numpy as jnp
import numpy as np

NUM_EMBEDDINGS = 1024
EMBEDDING_DIM = 64

def setup_inputs(seed: int = 0) -> dict:
    key = jax.random.key(seed)
    kx, kw = jax.random.split(key)
    x = jax.random.normal(kx, (8, EMBEDDING_DIM, 4096), dtype=jnp.float32)
    # nn.Embedding weight initialized uniform_(-1, 1)
    W = jax.random.uniform(kw, (NUM_EMBEDDINGS, EMBEDDING_DIM), dtype=jnp.float32, minval=-1.0, maxval=1.0)
    return {"x": x, "W": W}

def reference(x, W):
    # x: [B, D, L], W: [K, D]
    B, D, L = x.shape
    # flatten tokens: [B*L, D] (equivalent to the chunked permute/view in torch)
    x_flat = jnp.transpose(x, (0, 2, 1)).reshape(-1, D)
    # pairwise Euclidean distances (cdist). argmin over sqrt == argmin over squared dist;
    # computed via the |x|^2 + |w|^2 - 2 x.w expansion for efficiency (same math).
    x_sq = jnp.sum(x_flat * x_flat, axis=1, keepdims=True)          # [N, 1]
    w_sq = jnp.sum(W * W, axis=1)[None, :]                          # [1, K]
    d2 = x_sq + w_sq - 2.0 * (x_flat @ W.T)                          # [N, K]
    indices = jnp.argmin(d2, axis=-1)                                # [N]
    quantized = jnp.take(W, indices, axis=0)                         # [N, D] embedding gather
    quantized = jnp.transpose(quantized.reshape(B, L, D), (0, 2, 1)) # [B, D, L]
    return quantized, indices.reshape(B, L)

if __name__ == "__main__":
    import jax
    _d = setup_inputs()
    print(jax.jit(kernel)(*tuple(_d.values())))

</pallas_src>

<mosaic_0001>
#map = affine_map<(d0, d1) -> (0, 0)>
#map1 = affine_map<(d0, d1) -> (0, 0, 0)>
module attributes {stable_mosaic.version = 14 : i64} {
  func.func @sc_gather(%arg0: i32, %arg1: i32, %arg2: memref<64x1024xf32, #tpu.memory_space<hbm>>, %arg3: memref<8x1x4096xi32, #tpu.memory_space<hbm>>, %arg4: memref<8x64x4096xf32, #tpu.memory_space<hbm>>, %arg5: memref<16x1024xf32, #tpu.memory_space<vmem>>, %arg6: memref<4096xi32, #tpu.memory_space<vmem>>, %arg7: memref<16x4096xf32, #tpu.memory_space<vmem>>, %arg8: memref<!tpu.dma_semaphore, #tpu.memory_space<semaphore_mem>>) attributes {dimension_semantics = [#tpu.dimension_semantics<core_parallel>, #tpu.dimension_semantics<subcore_parallel>], iteration_bounds = array<i64: 2, 16>, scalar_prefetch = 0 : i64, scratch_operands = 4 : i64, tpu.core_type = #tpu.core_type<sc_vector_subcore>, window_params = [{transform_indices = #map}, {transform_indices = #map1}, {transform_indices = #map1}]} {
    %mul3A = arith.constant 2 : i32
    %mul3A_0 = arith.muli %arg1, %mul3A : i32
    %add3A = arith.addi %mul3A_0, %arg0 : i32
    %jit3A = arith.constant 4 : i32
    %div3A = arith.divsi %add3A, %jit3A : i32
    %sign3A = arith.constant 0 : i32
    %sign3A_1 = arith.cmpi sgt, %add3A, %sign3A : i32
    %sign3A_2 = arith.extui %sign3A_1 : i1 to i32
    %sign3A_3 = arith.constant 0 : i32
    %sign3A_4 = arith.cmpi slt, %add3A, %sign3A_3 : i32
    %sign3A_5 = arith.extui %sign3A_4 : i1 to i32
    %sign3A_6 = arith.subi %sign3A_2, %sign3A_5 : i32
    %sign3A_7 = arith.constant 0 : i32
    %sign3A_8 = arith.cmpi sgt, %jit3A, %sign3A_7 : i32
    %sign3A_9 = arith.extui %sign3A_8 : i1 to i32
    %sign3A_10 = arith.constant 0 : i32
    %sign3A_11 = arith.cmpi slt, %jit3A, %sign3A_10 : i32
    %sign3A_12 = arith.extui %sign3A_11 : i1 to i32
    %sign3A_13 = arith.subi %sign3A_9, %sign3A_12 : i32
    %ne3A = arith.cmpi ne, %sign3A_6, %sign3A_13 : i32
    %rem3A = arith.remsi %add3A, %jit3A : i32
    %ne3A_14 = arith.constant 0 : i32
    %ne3A_15 = arith.cmpi ne, %rem3A, %ne3A_14 : i32
    %and3A = arith.andi %ne3A, %ne3A_15 : i1
    %sub3A = arith.constant 1 : i32
    %sub3A_16 = arith.subi %div3A, %sub3A : i32
    %select_n3A = arith.select %and3A, %sub3A_16, %div3A : i32
    %jit3A_17 = arith.constant 4 : i32
    %eq3A = arith.constant 0 : i32
    %eq3A_18 = arith.cmpi eq, %jit3A_17, %eq3A : i32
    %jit3A_19 = arith.constant 1 : i32
    %select_n3A_20 = arith.select %eq3A_18, %jit3A_19, %jit3A_17 : i32
    %rem3A_21 = arith.remsi %add3A, %select_n3A_20 : i32
    %ne3A_22 = arith.constant 0 : i32
    %ne3A_23 = arith.cmpi ne, %rem3A_21, %ne3A_22 : i32
    %lt3A = arith.constant 0 : i32
    %lt3A_24 = arith.cmpi slt, %rem3A_21, %lt3A : i32
    %lt3A_25 = arith.constant 0 : i32
    %lt3A_26 = arith.cmpi slt, %select_n3A_20, %lt3A_25 : i32
    %ne3A_27 = arith.xori %lt3A_24, %lt3A_26 : i1
    %and3A_28 = arith.andi %ne3A_27, %ne3A_23 : i1
    %add3A_29 = arith.addi %rem3A_21, %select_n3A_20 : i32
    %select_n3A_30 = arith.select %and3A_28, %add3A_29, %rem3A_21 : i32
    %mul3A_31 = arith.constant 16 : i32
    %mul3A_32 = arith.muli %select_n3A_30, %mul3A_31 : i32
    "tpu.region"() ({
      %run_scoped3A_146 = tpu.sem_alloc : memref<!tpu.dma_semaphore, #tpu.memory_space<semaphore_mem>>
      %dma_start3A_147 = arith.constant 0 : i32
      %dma_start3A_148 = tpu.memref_slice %arg2[%mul3A_32, %dma_start3A_147] : memref<64x1024xf32, #tpu.memory_space<hbm>> -> memref<16x1024xf32, #tpu.memory_space<hbm>>
      %dma_start3A_149 = arith.constant 0 : i32
      %dma_start3A_150 = tpu.memref_slice %arg2[%mul3A_32, %dma_start3A_149] : memref<64x1024xf32, #tpu.memory_space<hbm>> -> memref<16x1024xf32, #tpu.memory_space<hbm>>
      tpu.enqueue_dma source(%dma_start3A_150 : memref<16x1024xf32, #tpu.memory_space<hbm>>) target(%arg5 : memref<16x1024xf32, #tpu.memory_space<vmem>>) target_semaphore(%run_scoped3A_146 : memref<!tpu.dma_semaphore, #tpu.memory_space<semaphore_mem>>)
      %dma_wait3A_151 = arith.constant 0 : i32
      %dma_wait3A_152 = tpu.memref_slice %arg2[%mul3A_32, %dma_wait3A_151] : memref<64x1024xf32, #tpu.memory_space<hbm>> -> memref<16x1024xf32, #tpu.memory_space<hbm>>
      %dma_wait3A_153 = arith.constant 0 : i32
      %dma_wait3A_154 = tpu.memref_slice %arg2[%mul3A_32, %dma_wait3A_153] : memref<64x1024xf32, #tpu.memory_space<hbm>> -> memref<16x1024xf32, #tpu.memory_space<hbm>>
      tpu.wait_dma2 semaphore(%run_scoped3A_146 : memref<!tpu.dma_semaphore, #tpu.memory_space<semaphore_mem>>) src(%dma_wait3A_154 : memref<16x1024xf32, #tpu.memory_space<hbm>>) dst(%arg5 : memref<16x1024xf32, #tpu.memory_space<vmem>>)
      tpu.yield
    }) : () -> ()
    %run_scoped3A = arith.constant 0 : i32
    "tpu.region"() ({
      %run_scoped3A_146 = tpu.sem_alloc : memref<!tpu.dma_semaphore, #tpu.memory_space<semaphore_mem>>
      %dma_start3A_147 = arith.constant 0 : i32
      %dma_start3A_148 = tpu.memref_slice %arg3[%select_n3A, %run_scoped3A, %dma_start3A_147] : memref<8x1x4096xi32, #tpu.memory_space<hbm>> -> memref<1x1x4096xi32, #tpu.memory_space<hbm>>
      %dma_start3A_149 = tpu.memref_squeeze %dma_start3A_148 : memref<1x1x4096xi32, #tpu.memory_space<hbm>> -> memref<4096xi32, #tpu.memory_space<hbm>>
      %dma_start3A_150 = arith.constant 0 : i32
      %dma_start3A_151 = tpu.memref_slice %arg3[%select_n3A, %run_scoped3A, %dma_start3A_150] : memref<8x1x4096xi32, #tpu.memory_space<hbm>> -> memref<1x1x4096xi32, #tpu.memory_space<hbm>>
      %dma_start3A_152 = tpu.memref_squeeze %dma_start3A_151 : memref<1x1x4096xi32, #tpu.memory_space<hbm>> -> memref<4096xi32, #tpu.memory_space<hbm>>
      tpu.enqueue_dma source(%dma_start3A_152 : memref<4096xi32, #tpu.memory_space<hbm>>) target(%arg6 : memref<4096xi32, #tpu.memory_space<vmem>>) target_semaphore(%run_scoped3A_146 : memref<!tpu.dma_semaphore, #tpu.memory_space<semaphore_mem>>)
      %dma_wait3A_153 = arith.constant 0 : i32
      %dma_wait3A_154 = tpu.memref_slice %arg3[%select_n3A, %run_scoped3A, %dma_wait3A_153] : memref<8x1x4096xi32, #tpu.memory_space<hbm>> -> memref<1x1x4096xi32, #tpu.memory_space<hbm>>
      %dma_wait3A_155 = tpu.memref_squeeze %dma_wait3A_154 : memref<1x1x4096xi32, #tpu.memory_space<hbm>> -> memref<4096xi32, #tpu.memory_space<hbm>>
      %dma_wait3A_156 = arith.constant 0 : i32
      %dma_wait3A_157 = tpu.memref_slice %arg3[%select_n3A, %run_scoped3A, %dma_wait3A_156] : memref<8x1x4096xi32, #tpu.memory_space<hbm>> -> memref<1x1x4096xi32, #tpu.memory_space<hbm>>
      %dma_wait3A_158 = tpu.memref_squeeze %dma_wait3A_157 : memref<1x1x4096xi32, #tpu.memory_space<hbm>> -> memref<4096xi32, #tpu.memory_space<hbm>>
      tpu.wait_dma2 semaphore(%run_scoped3A_146 : memref<!tpu.dma_semaphore, #tpu.memory_space<semaphore_mem>>) src(%dma_wait3A_158 : memref<4096xi32, #tpu.memory_space<hbm>>) dst(%arg6 : memref<4096xi32, #tpu.memory_space<vmem>>)
      tpu.yield
    }) : () -> ()
    %parallel_loop3A = arith.constant 0 : i32
    %parallel_loop3A_33 = arith.constant 64 : i32
    %parallel_loop3A_34 = arith.constant 1 : i32
    scf.for %parallel_loop3A_146 = %parallel_loop3A to %parallel_loop3A_33 step %parallel_loop3A_34  : i32 {
      %parallel_loop3A_147 = arith.constant 16 : i32
      %parallel_loop3A_148 = arith.muli %parallel_loop3A_146, %parallel_loop3A_147 : i32
      %parallel_loop3A_149 = arith.index_cast %parallel_loop3A_148 : i32 to index
      %parallel_loop3A_150 = tpu.vector_load %arg6[%parallel_loop3A_149] {strides = array<i32>} : memref<4096xi32, #tpu.memory_space<vmem>>, vector<16xi32>,
      %parallel_loop3A_151 = arith.constant 0 : i32
      %parallel_loop3A_152 = vector.broadcast %parallel_loop3A_151 : i32 to vector<16xi32>
      %parallel_loop3A_153 = tpu.vector_load_idx %arg5[%parallel_loop3A_152, %parallel_loop3A_150] : memref<16x1024xf32, #tpu.memory_space<vmem>>[vector<16xi32>, vector<16xi32>], vector<16xf32>,
      %parallel_loop3A_154 = arith.constant 16 : i32
      %parallel_loop3A_155 = arith.muli %parallel_loop3A_146, %parallel_loop3A_154 : i32
      %parallel_loop3A_156 = arith.constant 0 : i32
      %parallel_loop3A_157 = arith.index_cast %parallel_loop3A_156 : i32 to index
      %parallel_loop3A_158 = arith.index_cast %parallel_loop3A_155 : i32 to index
      %parallel_loop3A_159 = tpu.vector_load %arg7[%parallel_loop3A_157, %parallel_loop3A_158] {strides = array<i32>} : memref<16x4096xf32, #tpu.memory_space<vmem>>, vector<16xf32>,
      tpu.vector_store %arg7[%parallel_loop3A_157, %parallel_loop3A_158], %parallel_loop3A_153 {strides = array<i32>} : memref<16x4096xf32, #tpu.memory_space<vmem>>, vector<16xf32>,
      %parallel_loop3A_160 = arith.constant 1 : i32
      %parallel_loop3A_161 = vector.broadcast %parallel_loop3A_160 : i32 to vector<16xi32>
      %parallel_loop3A_162 = tpu.vector_load_idx %arg5[%parallel_loop3A_161, %parallel_loop3A_150] : memref<16x1024xf32, #tpu.memory_space<vmem>>[vector<16xi32>, vector<16xi32>], vector<16xf32>,
      %parallel_loop3A_163 = arith.constant 16 : i32
      %parallel_loop3A_164 = arith.muli %parallel_loop3A_146, %parallel_loop3A_163 : i32
      %parallel_loop3A_165 = arith.constant 1 : i32
      %parallel_loop3A_166 = arith.index_cast %parallel_loop3A_165 : i32 to index
      %parallel_loop3A_167 = arith.index_cast %parallel_loop3A_164 : i32 to index
      %parallel_loop3A_168 = tpu.vector_load %arg7[%parallel_loop3A_166, %parallel_loop3A_167] {strides = array<i32>} : memref<16x4096xf32, #tpu.memory_space<vmem>>, vector<16xf32>,
      tpu.vector_store %arg7[%parallel_loop3A_166, %parallel_loop3A_167], %parallel_loop3A_162 {strides = array<i32>} : memref<16x4096xf32, #tpu.memory_space<vmem>>, vector<16xf32>,
      %parallel_loop3A_169 = arith.constant 2 : i32
      %parallel_loop3A_170 = vector.broadcast %parallel_loop3A_169 : i32 to vector<16xi32>
      %parallel_loop3A_171 = tpu.vector_load_idx %arg5[%parallel_loop3A_170, %parallel_loop3A_150] : memref<16x1024xf32, #tpu.memory_space<vmem>>[vector<16xi32>, vector<16xi32>], vector<16xf32>,
      %parallel_loop3A_172 = arith.constant 16 : i32
      %parallel_loop3A_173 = arith.muli %parallel_loop3A_146, %parallel_loop3A_172 : i32
      %parallel_loop3A_174 = arith.constant 2 : i32
      %parallel_loop3A_175 = arith.index_cast %parallel_loop3A_174 : i32 to index
      %parallel_loop3A_176 = arith.index_cast %parallel_loop3A_173 : i32 to index
      %parallel_loop3A_177 = tpu.vector_load %arg7[%parallel_loop3A_175, %parallel_loop3A_176] {strides = array<i32>} : memref<16x4096xf32, #tpu.memory_space<vmem>>, vector<16xf32>,
      tpu.vector_store %arg7[%parallel_loop3A_175, %parallel_loop3A_176], %parallel_loop3A_171 {strides = array<i32>} : memref<16x4096xf32, #tpu.memory_space<vmem>>, vector<16xf32>,
      %parallel_loop3A_178 = arith.constant 3 : i32
      %parallel_loop3A_179 = vector.broadcast %parallel_loop3A_178 : i32 to vector<16xi32>
      %parallel_loop3A_180 = tpu.vector_load_idx %arg5[%parallel_loop3A_179, %parallel_loop3A_150] : memref<16x1024xf32, #tpu.memory_space<vmem>>[vector<16xi32>, vector<16xi32>], vector<16xf32>,
      %parallel_loop3A_181 = arith.constant 16 : i32
      %parallel_loop3A_182 = arith.muli %parallel_loop3A_146, %parallel_loop3A_181 : i32
      %parallel_loop3A_183 = arith.constant 3 : i32
      %parallel_loop3A_184 = arith.index_cast %parallel_loop3A_183 : i32 to index
      %parallel_loop3A_185 = arith.index_cast %parallel_loop3A_182 : i32 to index
      %parallel_loop3A_186 = tpu.vector_load %arg7[%parallel_loop3A_184, %parallel_loop3A_185] {strides = array<i32>} : memref<16x4096xf32, #tpu.memory_space<vmem>>, vector<16xf32>,
      tpu.vector_store %arg7[%parallel_loop3A_184, %parallel_loop3A_185], %parallel_loop3A_180 {strides = array<i32>} : memref<16x4096xf32, #tpu.memory_space<vmem>>, vector<16xf32>,
      %parallel_loop3A_187 = arith.constant 4 : i32
      %parallel_loop3A_188 = vector.broadcast %parallel_loop3A_187 : i32 to vector<16xi32>
      %parallel_loop3A_189 = tpu.vector_load_idx %arg5[%parallel_loop3A_188, %parallel_loop3A_150] : memref<16x1024xf32, #tpu.memory_space<vmem>>[vector<16xi32>, vector<16xi32>], vector<16xf32>,
      %parallel_loop3A_190 = arith.constant 16 : i32
      %parallel_loop3A_191 = arith.muli %parallel_loop3A_146, %parallel_loop3A_190 : i32
      %parallel_loop3A_192 = arith.constant 4 : i32
      %parallel_loop3A_193 = arith.index_cast %parallel_loop3A_192 : i32 to index
      %parallel_loop3A_194 = arith.index_cast %parallel_loop3A_191 : i32 to index
      %parallel_loop3A_195 = tpu.vector_load %arg7[%parallel_loop3A_193, %parallel_loop3A_194] {strides = array<i32>} : memref<16x4096xf32, #tpu.memory_space<vmem>>, vector<16xf32>,
      tpu.vector_store %arg7[%parallel_loop3A_193, %parallel_loop3A_194], %parallel_loop3A_189 {strides = array<i32>} : memref<16x4096xf32, #tpu.memory_space<vmem>>, vector<16xf32>,
      %parallel_loop3A_196 = arith.constant 5 : i32
      %parallel_loop3A_197 = vector.broadcast %parallel_loop3A_196 : i32 to vector<16xi32>
      %parallel_loop3A_198 = tpu.vector_load_idx %arg5[%parallel_loop3A_197, %parallel_loop3A_150] : memref<16x1024xf32, #tpu.memory_space<vmem>>[vector<16xi32>, vector<16xi32>], vector<16xf32>,
      %parallel_loop3A_199 = arith.constant 16 : i32
      %parallel_loop3A_200 = arith.muli %parallel_loop3A_146, %parallel_loop3A_199 : i32
      %parallel_loop3A_201 = arith.constant 5 : i32
      %parallel_loop3A_202 = arith.index_cast %parallel_loop3A_201 : i32 to index
      %parallel_loop3A_203 = arith.index_cast %parallel_loop3A_200 : i32 to index
      %parallel_loop3A_204 = tpu.vector_load %arg7[%parallel_loop3A_202, %parallel_loop3A_203] {strides = array<i32>} : memref<16x4096xf32, #tpu.memory_space<vmem>>, vector<16xf32>,
      tpu.vector_store %arg7[%parallel_loop3A_202, %parallel_loop3A_203], %parallel_loop3A_198 {strides = array<i32>} : memref<16x4096xf32, #tpu.memory_space<vmem>>, vector<16xf32>,
      %parallel_loop3A_205 = arith.constant 6 : i32
      %parallel_loop3A_206 = vector.broadcast %parallel_loop3A_205 : i32 to vector<16xi32>
      %parallel_loop3A_207 = tpu.vector_load_idx %arg5[%parallel_loop3A_206, %parallel_loop3A_150] : memref<16x1024xf32, #tpu.memory_space<vmem>>[vector<16xi32>, vector<16xi32>], vector<16xf32>,
      %parallel_loop3A_208 = arith.constant 16 : i32
      %parallel_loop3A_209 = arith.muli %parallel_loop3A_146, %parallel_loop3A_208 : i32
      %parallel_loop3A_210 = arith.constant 6 : i32
      %parallel_loop3A_211 = arith.index_cast %parallel_loop3A_210 : i32 to index
      %parallel_loop3A_212 = arith.index_cast %parallel_loop3A_209 : i32 to index
      %parallel_loop3A_213 = tpu.vector_load %arg7[%parallel_loop3A_211, %parallel_loop3A_212] {strides = array<i32>} : memref<16x4096xf32, #tpu.memory_space<vmem>>, vector<16xf32>,
      tpu.vector_store %arg7[%parallel_loop3A_211, %parallel_loop3A_212], %parallel_loop3A_207 {strides = array<i32>} : memref<16x4096xf32, #tpu.memory_space<vmem>>, vector<16xf32>,
      %parallel_loop3A_214 = arith.constant 7 : i32
      %parallel_loop3A_215 = vector.broadcast %parallel_loop3A_214 : i32 to vector<16xi32>
      %parallel_loop3A_216 = tpu.vector_load_idx %arg5[%parallel_loop3A_215, %parallel_loop3A_150] : memref<16x1024xf32, #tpu.memory_space<vmem>>[vector<16xi32>, vector<16xi32>], vector<16xf32>,
      %parallel_loop3A_217 = arith.constant 16 : i32
      %parallel_loop3A_218 = arith.muli %parallel_loop3A_146, %parallel_loop3A_217 : i32
      %parallel_loop3A_219 = arith.constant 7 : i32
      %parallel_loop3A_220 = arith.index_cast %parallel_loop3A_219 : i32 to index
      %parallel_loop3A_221 = arith.index_cast %parallel_loop3A_218 : i32 to index
      %parallel_loop3A_222 = tpu.vector_load %arg7[%parallel_loop3A_220, %parallel_loop3A_221] {strides = array<i32>} : memref<16x4096xf32, #tpu.memory_space<vmem>>, vector<16xf32>,
      tpu.vector_store %arg7[%parallel_loop3A_220, %parallel_loop3A_221], %parallel_loop3A_216 {strides = array<i32>} : memref<16x4096xf32, #tpu.memory_space<vmem>>, vector<16xf32>,
      %parallel_loop3A_223 = arith.constant 8 : i32
      %parallel_loop3A_224 = vector.broadcast %parallel_loop3A_223 : i32 to vector<16xi32>
      %parallel_loop3A_225 = tpu.vector_load_idx %arg5[%parallel_loop3A_224, %parallel_loop3A_150] : memref<16x1024xf32, #tpu.memory_space<vmem>>[vector<16xi32>, vector<16xi32>], vector<16xf32>,
      %parallel_loop3A_226 = arith.constant 16 : i32
      %parallel_loop3A_227 = arith.muli %parallel_loop3A_146, %parallel_loop3A_226 : i32
      %parallel_loop3A_228 = arith.constant 8 : i32
      %parallel_loop3A_229 = arith.index_cast %parallel_loop3A_228 : i32 to index
      %parallel_loop3A_230 = arith.index_cast %parallel_loop3A_227 : i32 to index
      %parallel_loop3A_231 = tpu.vector_load %arg7[%parallel_loop3A_229, %parallel_loop3A_230] {strides = array<i32>} : memref<16x4096xf32, #tpu.memory_space<vmem>>, vector<16xf32>,
      tpu.vector_store %arg7[%parallel_loop3A_229, %parallel_loop3A_230], %parallel_loop3A_225 {strides = array<i32>} : memref<16x4096xf32, #tpu.memory_space<vmem>>, vector<16xf32>,
      %parallel_loop3A_232 = arith.constant 9 : i32
      %parallel_loop3A_233 = vector.broadcast %parallel_loop3A_232 : i32 to vector<16xi32>
      %parallel_loop3A_234 = tpu.vector_load_idx %arg5[%parallel_loop3A_233, %parallel_loop3A_150] : memref<16x1024xf32, #tpu.memory_space<vmem>>[vector<16xi32>, vector<16xi32>], vector<16xf32>,
      %parallel_loop3A_235 = arith.constant 16 : i32
      %parallel_loop3A_236 = arith.muli %parallel_loop3A_146, %parallel_loop3A_235 : i32
      %parallel_loop3A_237 = arith.constant 9 : i32
      %parallel_loop3A_238 = arith.index_cast %parallel_loop3A_237 : i32 to index
      %parallel_loop3A_239 = arith.index_cast %parallel_loop3A_236 : i32 to index
      %parallel_loop3A_240 = tpu.vector_load %arg7[%parallel_loop3A_238, %parallel_loop3A_239] {strides = array<i32>} : memref<16x4096xf32, #tpu.memory_space<vmem>>, vector<16xf32>,
      tpu.vector_store %arg7[%parallel_loop3A_238, %parallel_loop3A_239], %parallel_loop3A_234 {strides = array<i32>} : memref<16x4096xf32, #tpu.memory_space<vmem>>, vector<16xf32>,
      %parallel_loop3A_241 = arith.constant 10 : i32
      %parallel_loop3A_242 = vector.broadcast %parallel_loop3A_241 : i32 to vector<16xi32>
      %parallel_loop3A_243 = tpu.vector_load_idx %arg5[%parallel_loop3A_242, %parallel_loop3A_150] : memref<16x1024xf32, #tpu.memory_space<vmem>>[vector<16xi32>, vector<16xi32>], vector<16xf32>,
      %parallel_loop3A_244 = arith.constant 16 : i32
      %parallel_loop3A_245 = arith.muli %parallel_loop3A_146, %parallel_loop3A_244 : i32
      %parallel_loop3A_246 = arith.constant 10 : i32
      %parallel_loop3A_247 = arith.index_cast %parallel_loop3A_246 : i32 to index
      %parallel_loop3A_248 = arith.index_cast %parallel_loop3A_245 : i32 to index
      %parallel_loop3A_249 = tpu.vector_load %arg7[%parallel_loop3A_247, %parallel_loop3A_248] {strides = array<i32>} : memref<16x4096xf32, #tpu.memory_space<vmem>>, vector<16xf32>,
      tpu.vector_store %arg7[%parallel_loop3A_247, %parallel_loop3A_248], %parallel_loop3A_243 {strides = array<i32>} : memref<16x4096xf32, #tpu.memory_space<vmem>>, vector<16xf32>,
      %parallel_loop3A_250 = arith.constant 11 : i32
      %parallel_loop3A_251 = vector.broadcast %parallel_loop3A_250 : i32 to vector<16xi32>
      %parallel_loop3A_252 = tpu.vector_load_idx %arg5[%parallel_loop3A_251, %parallel_loop3A_150] : memref<16x1024xf32, #tpu.memory_space<vmem>>[vector<16xi32>, vector<16xi32>], vector<16xf32>,
      %parallel_loop3A_253 = arith.constant 16 : i32
      %parallel_loop3A_254 = arith.muli %parallel_loop3A_146, %parallel_loop3A_253 : i32
      %parallel_loop3A_255 = arith.constant 11 : i32
      %parallel_loop3A_256 = arith.index_cast %parallel_loop3A_255 : i32 to index
      %parallel_loop3A_257 = arith.index_cast %parallel_loop3A_254 : i32 to index
      %parallel_loop3A_258 = tpu.vector_load %arg7[%parallel_loop3A_256, %parallel_loop3A_257] {strides = array<i32>} : memref<16x4096xf32, #tpu.memory_space<vmem>>, vector<16xf32>,
      tpu.vector_store %arg7[%parallel_loop3A_256, %parallel_loop3A_257], %parallel_loop3A_252 {strides = array<i32>} : memref<16x4096xf32, #tpu.memory_space<vmem>>, vector<16xf32>,
      %parallel_loop3A_259 = arith.constant 12 : i32
      %parallel_loop3A_260 = vector.broadcast %parallel_loop3A_259 : i32 to vector<16xi32>
      %parallel_loop3A_261 = tpu.vector_load_idx %arg5[%parallel_loop3A_260, %parallel_loop3A_150] : memref<16x1024xf32, #tpu.memory_space<vmem>>[vector<16xi32>, vector<16xi32>], vector<16xf32>,
      %parallel_loop3A_262 = arith.constant 16 : i32
      %parallel_loop3A_263 = arith.muli %parallel_loop3A_146, %parallel_loop3A_262 : i32
      %parallel_loop3A_264 = arith.constant 12 : i32
      %parallel_loop3A_265 = arith.index_cast %parallel_loop3A_264 : i32 to index
      %parallel_loop3A_266 = arith.index_cast %parallel_loop3A_263 : i32 to index
      %parallel_loop3A_267 = tpu.vector_load %arg7[%parallel_loop3A_265, %parallel_loop3A_266] {strides = array<i32>} : memref<16x4096xf32, #tpu.memory_space<vmem>>, vector<16xf32>,
      tpu.vector_store %arg7[%parallel_loop3A_265, %parallel_loop3A_266], %parallel_loop3A_261 {strides = array<i32>} : memref<16x4096xf32, #tpu.memory_space<vmem>>, vector<16xf32>,
      %parallel_loop3A_268 = arith.constant 13 : i32
      %parallel_loop3A_269 = vector.broadcast %parallel_loop3A_268 : i32 to vector<16xi32>
      %parallel_loop3A_270 = tpu.vector_load_idx %arg5[%parallel_loop3A_269, %parallel_loop3A_150] : memref<16x1024xf32, #tpu.memory_space<vmem>>[vector<16xi32>, vector<16xi32>], vector<16xf32>,
      %parallel_loop3A_271 = arith.constant 16 : i32
      %parallel_loop3A_272 = arith.muli %parallel_loop3A_146, %parallel_loop3A_271 : i32
      %parallel_loop3A_273 = arith.constant 13 : i32
      %parallel_loop3A_274 = arith.index_cast %parallel_loop3A_273 : i32 to index
      %parallel_loop3A_275 = arith.index_cast %parallel_loop3A_272 : i32 to index
      %parallel_loop3A_276 = tpu.vector_load %arg7[%parallel_loop3A_274, %parallel_loop3A_275] {strides = array<i32>} : memref<16x4096xf32, #tpu.memory_space<vmem>>, vector<16xf32>,
      tpu.vector_store %arg7[%parallel_loop3A_274, %parallel_loop3A_275], %parallel_loop3A_270 {strides = array<i32>} : memref<16x4096xf32, #tpu.memory_space<vmem>>, vector<16xf32>,
      %parallel_loop3A_277 = arith.constant 14 : i32
      %parallel_loop3A_278 = vector.broadcast %parallel_loop3A_277 : i32 to vector<16xi32>
      %parallel_loop3A_279 = tpu.vector_load_idx %arg5[%parallel_loop3A_278, %parallel_loop3A_150] : memref<16x1024xf32, #tpu.memory_space<vmem>>[vector<16xi32>, vector<16xi32>], vector<16xf32>,
      %parallel_loop3A_280 = arith.constant 16 : i32
      %parallel_loop3A_281 = arith.muli %parallel_loop3A_146, %parallel_loop3A_280 : i32
      %parallel_loop3A_282 = arith.constant 14 : i32
      %parallel_loop3A_283 = arith.index_cast %parallel_loop3A_282 : i32 to index
      %parallel_loop3A_284 = arith.index_cast %parallel_loop3A_281 : i32 to index
      %parallel_loop3A_285 = tpu.vector_load %arg7[%parallel_loop3A_283, %parallel_loop3A_284] {strides = array<i32>} : memref<16x4096xf32, #tpu.memory_space<vmem>>, vector<16xf32>,
      tpu.vector_store %arg7[%parallel_loop3A_283, %parallel_loop3A_284], %parallel_loop3A_279 {strides = array<i32>} : memref<16x4096xf32, #tpu.memory_space<vmem>>, vector<16xf32>,
      %parallel_loop3A_286 = arith.constant 15 : i32
      %parallel_loop3A_287 = vector.broadcast %parallel_loop3A_286 : i32 to vector<16xi32>
      %parallel_loop3A_288 = tpu.vector_load_idx %arg5[%parallel_loop3A_287, %parallel_loop3A_150] : memref<16x1024xf32, #tpu.memory_space<vmem>>[vector<16xi32>, vector<16xi32>], vector<16xf32>,
      %parallel_loop3A_289 = arith.constant 16 : i32
      %parallel_loop3A_290 = arith.muli %parallel_loop3A_146, %parallel_loop3A_289 : i32
      %parallel_loop3A_291 = arith.constant 15 : i32
      %parallel_loop3A_292 = arith.index_cast %parallel_loop3A_291 : i32 to index
      %parallel_loop3A_293 = arith.index_cast %parallel_loop3A_290 : i32 to index
      %parallel_loop3A_294 = tpu.vector_load %arg7[%parallel_loop3A_292, %parallel_loop3A_293] {strides = array<i32>} : memref<16x4096xf32, #tpu.memory_space<vmem>>, vector<16xf32>,
      tpu.vector_store %arg7[%parallel_loop3A_292, %parallel_loop3A_293], %parallel_loop3A_288 {strides = array<i32>} : memref<16x4096xf32, #tpu.memory_space<vmem>>, vector<16xf32>,
    } {sc.loop_unroll_factor = 8 : i64, sc.parallel_access}
    %mul3A_35 = arith.constant 16 : i32
    %mul3A_36 = arith.muli %select_n3A_30, %mul3A_35 : i32
    %dma_start3A = arith.constant 0 : i32
    %dma_start3A_37 = arith.constant 0 : i32
    %dma_start3A_38 = tpu.memref_slice %arg7[%dma_start3A, %dma_start3A_37] : memref<16x4096xf32, #tpu.memory_space<vmem>> -> memref<16x1024xf32, #tpu.memory_space<vmem>>
    %dma_start3A_39 = arith.constant 0 : i32
    %dma_start3A_40 = tpu.memref_slice %arg4[%select_n3A, %mul3A_36, %dma_start3A_39] : memref<8x64x4096xf32, #tpu.memory_space<hbm>> -> memref<1x16x1024xf32, #tpu.memory_space<hbm>>
    %dma_start3A_41 = tpu.memref_squeeze %dma_start3A_40 : memref<1x16x1024xf32, #tpu.memory_space<hbm>> -> memref<16x1024xf32, #tpu.memory_space<hbm>>
    %dma_start3A_42 = arith.constant 0 : i32
    %dma_start3A_43 = tpu.memref_slice %arg4[%select_n3A, %mul3A_36, %dma_start3A_42] : memref<8x64x4096xf32, #tpu.memory_space<hbm>> -> memref<1x16x1024xf32, #tpu.memory_space<hbm>>
    %dma_start3A_44 = tpu.memref_squeeze %dma_start3A_43 : memref<1x16x1024xf32, #tpu.memory_space<hbm>> -> memref<16x1024xf32, #tpu.memory_space<hbm>>
    %dma_start3A_45 = arith.constant 0 : i32
    %dma_start3A_46 = arith.constant 0 : i32
    %dma_start3A_47 = tpu.memref_slice %arg7[%dma_start3A_45, %dma_start3A_46] : memref<16x4096xf32, #tpu.memory_space<vmem>> -> memref<16x1024xf32, #tpu.memory_space<vmem>>
    tpu.enqueue_dma source(%dma_start3A_47 : memref<16x1024xf32, #tpu.memory_space<vmem>>) target(%dma_start3A_44 : memref<16x1024xf32, #tpu.memory_space<hbm>>) target_semaphore(%arg8 : memref<!tpu.dma_semaphore, #tpu.memory_space<semaphore_mem>>)
    %parallel_loop3A_48 = arith.constant 64 : i32
    %parallel_loop3A_49 = arith.constant 128 : i32
    %parallel_loop3A_50 = arith.constant 1 : i32
    scf.for %parallel_loop3A_146 = %parallel_loop3A_48 to %parallel_loop3A_49 step %parallel_loop3A_50  : i32 {
      %parallel_loop3A_147 = arith.constant 16 : i32
      %parallel_loop3A_148 = arith.muli %parallel_loop3A_146, %parallel_loop3A_147 : i32
      %parallel_loop3A_149 = arith.index_cast %parallel_loop3A_148 : i32 to index
      %parallel_loop3A_150 = tpu.vector_load %arg6[%parallel_loop3A_149] {strides = array<i32>} : memref<4096xi32, #tpu.memory_space<vmem>>, vector<16xi32>,
      %parallel_loop3A_151 = arith.constant 0 : i32
      %parallel_loop3A_152 = vector.broadcast %parallel_loop3A_151 : i32 to vector<16xi32>
      %parallel_loop3A_153 = tpu.vector_load_idx %arg5[%parallel_loop3A_152, %parallel_loop3A_150] : memref<16x1024xf32, #tpu.memory_space<vmem>>[vector<16xi32>, vector<16xi32>], vector<16xf32>,
      %parallel_loop3A_154 = arith.constant 16 : i32
      %parallel_loop3A_155 = arith.muli %parallel_loop3A_146, %parallel_loop3A_154 : i32
      %parallel_loop3A_156 = arith.constant 0 : i32
      %parallel_loop3A_157 = arith.index_cast %parallel_loop3A_156 : i32 to index
      %parallel_loop3A_158 = arith.index_cast %parallel_loop3A_155 : i32 to index
      %parallel_loop3A_159 = tpu.vector_load %arg7[%parallel_loop3A_157, %parallel_loop3A_158] {strides = array<i32>} : memref<16x4096xf32, #tpu.memory_space<vmem>>, vector<16xf32>,
      tpu.vector_store %arg7[%parallel_loop3A_157, %parallel_loop3A_158], %parallel_loop3A_153 {strides = array<i32>} : memref<16x4096xf32, #tpu.memory_space<vmem>>, vector<16xf32>,
      %parallel_loop3A_160 = arith.constant 1 : i32
      %parallel_loop3A_161 = vector.broadcast %parallel_loop3A_160 : i32 to vector<16xi32>
      %parallel_loop3A_162 = tpu.vector_load_idx %arg5[%parallel_loop3A_161, %parallel_loop3A_150] : memref<16x1024xf32, #tpu.memory_space<vmem>>[vector<16xi32>, vector<16xi32>], vector<16xf32>,
      %parallel_loop3A_163 = arith.constant 16 : i32
      %parallel_loop3A_164 = arith.muli %parallel_loop3A_146, %parallel_loop3A_163 : i32
      %parallel_loop3A_165 = arith.constant 1 : i32
      %parallel_loop3A_166 = arith.index_cast %parallel_loop3A_165 : i32 to index
      %parallel_loop3A_167 = arith.index_cast %parallel_loop3A_164 : i32 to index
      %parallel_loop3A_168 = tpu.vector_load %arg7[%parallel_loop3A_166, %parallel_loop3A_167] {strides = array<i32>} : memref<16x4096xf32, #tpu.memory_space<vmem>>, vector<16xf32>,
      tpu.vector_store %arg7[%parallel_loop3A_166, %parallel_loop3A_167], %parallel_loop3A_162 {strides = array<i32>} : memref<16x4096xf32, #tpu.memory_space<vmem>>, vector<16xf32>,
      %parallel_loop3A_169 = arith.constant 2 : i32
      %parallel_loop3A_170 = vector.broadcast %parallel_loop3A_169 : i32 to vector<16xi32>
      %parallel_loop3A_171 = tpu.vector_load_idx %arg5[%parallel_loop3A_170, %parallel_loop3A_150] : memref<16x1024xf32, #tpu.memory_space<vmem>>[vector<16xi32>, vector<16xi32>], vector<16xf32>,
      %parallel_loop3A_172 = arith.constant 16 : i32
      %parallel_loop3A_173 = arith.muli %parallel_loop3A_146, %parallel_loop3A_172 : i32
      %parallel_loop3A_174 = arith.constant 2 : i32
      %parallel_loop3A_175 = arith.index_cast %parallel_loop3A_174 : i32 to index
      %parallel_loop3A_176 = arith.index_cast %parallel_loop3A_173 : i32 to index
      %parallel_loop3A_177 = tpu.vector_load %arg7[%parallel_loop3A_175, %parallel_loop3A_176] {strides = array<i32>} : memref<16x4096xf32, #tpu.memory_space<vmem>>, vector<16xf32>,
      tpu.vector_store %arg7[%parallel_loop3A_175, %parallel_loop3A_176], %parallel_loop3A_171 {strides = array<i32>} : memref<16x4096xf32, #tpu.memory_space<vmem>>, vector<16xf32>,
      %parallel_loop3A_178 = arith.constant 3 : i32
      %parallel_loop3A_179 = vector.broadcast %parallel_loop3A_178 : i32 to vector<16xi32>
      %parallel_loop3A_180 = tpu.vector_load_idx %arg5[%parallel_loop3A_179, %parallel_loop3A_150] : memref<16x1024xf32, #tpu.memory_space<vmem>>[vector<16xi32>, vector<16xi32>], vector<16xf32>,
      %parallel_loop3A_181 = arith.constant 16 : i32
      %parallel_loop3A_182 = arith.muli %parallel_loop3A_146, %parallel_loop3A_181 : i32
      %parallel_loop3A_183 = arith.constant 3 : i32
      %parallel_loop3A_184 = arith.index_cast %parallel_loop3A_183 : i32 to index
      %parallel_loop3A_185 = arith.index_cast %parallel_loop3A_182 : i32 to index
      %parallel_loop3A_186 = tpu.vector_load %arg7[%parallel_loop3A_184, %parallel_loop3A_185] {strides = array<i32>} : memref<16x4096xf32, #tpu.memory_space<vmem>>, vector<16xf32>,
      tpu.vector_store %arg7[%parallel_loop3A_184, %parallel_loop3A_185], %parallel_loop3A_180 {strides = array<i32>} : memref<16x4096xf32, #tpu.memory_space<vmem>>, vector<16xf32>,
      %parallel_loop3A_187 = arith.constant 4 : i32
      %parallel_loop3A_188 = vector.broadcast %parallel_loop3A_187 : i32 to vector<16xi32>
      %parallel_loop3A_189 = tpu.vector_load_idx %arg5[%parallel_loop3A_188, %parallel_loop3A_150] : memref<16x1024xf32, #tpu.memory_space<vmem>>[vector<16xi32>, vector<16xi32>], vector<16xf32>,
      %parallel_loop3A_190 = arith.constant 16 : i32
      %parallel_loop3A_191 = arith.muli %parallel_loop3A_146, %parallel_loop3A_190 : i32
      %parallel_loop3A_192 = arith.constant 4 : i32
      %parallel_loop3A_193 = arith.index_cast %parallel_loop3A_192 : i32 to index
      %parallel_loop3A_194 = arith.index_cast %parallel_loop3A_191 : i32 to index
      %parallel_loop3A_195 = tpu.vector_load %arg7[%parallel_loop3A_193, %parallel_loop3A_194] {strides = array<i32>} : memref<16x4096xf32, #tpu.memory_space<vmem>>, vector<16xf32>,
      tpu.vector_store %arg7[%parallel_loop3A_193, %parallel_loop3A_194], %parallel_loop3A_189 {strides = array<i32>} : memref<16x4096xf32, #tpu.memory_space<vmem>>, vector<16xf32>,
      %parallel_loop3A_196 = arith.constant 5 : i32
      %parallel_loop3A_197 = vector.broadcast %parallel_loop3A_196 : i32 to vector<16xi32>
      %parallel_loop3A_198 = tpu.vector_load_idx %arg5[%parallel_loop3A_197, %parallel_loop3A_150] : memref<16x1024xf32, #tpu.memory_space<vmem>>[vector<16xi32>, vector<16xi32>], vector<16xf32>,
      %parallel_loop3A_199 = arith.constant 16 : i32
      %parallel_loop3A_200 = arith.muli %parallel_loop3A_146, %parallel_loop3A_199 : i32
      %parallel_loop3A_201 = arith.constant 5 : i32
      %parallel_loop3A_202 = arith.index_cast %parallel_loop3A_201 : i32 to index
      %parallel_loop3A_203 = arith.index_cast %parallel_loop3A_200 : i32 to index
      %parallel_loop3A_204 = tpu.vector_load %arg7[%parallel_loop3A_202, %parallel_loop3A_203] {strides = array<i32>} : memref<16x4096xf32, #tpu.memory_space<vmem>>, vector<16xf32>,
      tpu.vector_store %arg7[%parallel_loop3A_202, %parallel_loop3A_203], %parallel_loop3A_198 {strides = array<i32>} : memref<16x4096xf32, #tpu.memory_space<vmem>>, vector<16xf32>,
      %parallel_loop3A_205 = arith.constant 6 : i32
      %parallel_loop3A_206 = vector.broadcast %parallel_loop3A_205 : i32 to vector<16xi32>
      %parallel_loop3A_207 = tpu.vector_load_idx %arg5[%parallel_loop3A_206, %parallel_loop3A_150] : memref<16x1024xf32, #tpu.memory_space<vmem>>[vector<16xi32>, vector<16xi32>], vector<16xf32>,
      %parallel_loop3A_208 = arith.constant 16 : i32
      %parallel_loop3A_209 = arith.muli %parallel_loop3A_146, %parallel_loop3A_208 : i32
      %parallel_loop3A_210 = arith.constant 6 : i32
      %parallel_loop3A_211 = arith.index_cast %parallel_loop3A_210 : i32 to index
      %parallel_loop3A_212 = arith.index_cast %parallel_loop3A_209 : i32 to index
      %parallel_loop3A_213 = tpu.vector_load %arg7[%parallel_loop3A_211, %parallel_loop3A_212] {strides = array<i32>} : memref<16x4096xf32, #tpu.memory_space<vmem>>, vector<16xf32>,
      tpu.vector_store %arg7[%parallel_loop3A_211, %parallel_loop3A_212], %parallel_loop3A_207 {strides = array<i32>} : memref<16x4096xf32, #tpu.memory_space<vmem>>, vector<16xf32>,
      %parallel_loop3A_214 = arith.constant 7 : i32
      %parallel_loop3A_215 = vector.broadcast %parallel_loop3A_214 : i32 to vector<16xi32>
      %parallel_loop3A_216 = tpu.vector_load_idx %arg5[%parallel_loop3A_215, %parallel_loop3A_150] : memref<16x1024xf32, #tpu.memory_space<vmem>>[vector<16xi32>, vector<16xi32>], vector<16xf32>,
      %parallel_loop3A_217 = arith.constant 16 : i32
      %parallel_loop3A_218 = arith.muli %parallel_loop3A_146, %parallel_loop3A_217 : i32
      %parallel_loop3A_219 = arith.constant 7 : i32
      %parallel_loop3A_220 = arith.index_cast %parallel_loop3A_219 : i32 to index
      %parallel_loop3A_221 = arith.index_cast %parallel_loop3A_218 : i32 to index
      %parallel_loop3A_222 = tpu.vector_load %arg7[%parallel_loop3A_220, %parallel_loop3A_221] {strides = array<i32>} : memref<16x4096xf32, #tpu.memory_space<vmem>>, vector<16xf32>,
      tpu.vector_store %arg7[%parallel_loop3A_220, %parallel_loop3A_221], %parallel_loop3A_216 {strides = array<i32>} : memref<16x4096xf32, #tpu.memory_space<vmem>>, vector<16xf32>,
      %parallel_loop3A_223 = arith.constant 8 : i32
      %parallel_loop3A_224 = vector.broadcast %parallel_loop3A_223 : i32 to vector<16xi32>
      %parallel_loop3A_225 = tpu.vector_load_idx %arg5[%parallel_loop3A_224, %parallel_loop3A_150] : memref<16x1024xf32, #tpu.memory_space<vmem>>[vector<16xi32>, vector<16xi32>], vector<16xf32>,
      %parallel_loop3A_226 = arith.constant 16 : i32
      %parallel_loop3A_227 = arith.muli %parallel_loop3A_146, %parallel_loop3A_226 : i32
      %parallel_loop3A_228 = arith.constant 8 : i32
      %parallel_loop3A_229 = arith.index_cast %parallel_loop3A_228 : i32 to index
      %parallel_loop3A_230 = arith.index_cast %parallel_loop3A_227 : i32 to index
      %parallel_loop3A_231 = tpu.vector_load %arg7[%parallel_loop3A_229, %parallel_loop3A_230] {strides = array<i32>} : memref<16x4096xf32, #tpu.memory_space<vmem>>, vector<16xf32>,
      tpu.vector_store %arg7[%parallel_loop3A_229, %parallel_loop3A_230], %parallel_loop3A_225 {strides = array<i32>} : memref<16x4096xf32, #tpu.memory_space<vmem>>, vector<16xf32>,
      %parallel_loop3A_232 = arith.constant 9 : i32
      %parallel_loop3A_233 = vector.broadcast %parallel_loop3A_232 : i32 to vector<16xi32>
      %parallel_loop3A_234 = tpu.vector_load_idx %arg5[%parallel_loop3A_233, %parallel_loop3A_150] : memref<16x1024xf32, #tpu.memory_space<vmem>>[vector<16xi32>, vector<16xi32>], vector<16xf32>,
      %parallel_loop3A_235 = arith.constant 16 : i32
      %parallel_loop3A_236 = arith.muli %parallel_loop3A_146, %parallel_loop3A_235 : i32
      %parallel_loop3A_237 = arith.constant 9 : i32
      %parallel_loop3A_238 = arith.index_cast %parallel_loop3A_237 : i32 to index
      %parallel_loop3A_239 = arith.index_cast %parallel_loop3A_236 : i32 to index
      %parallel_loop3A_240 = tpu.vector_load %arg7[%parallel_loop3A_238, %parallel_loop3A_239] {strides = array<i32>} : memref<16x4096xf32, #tpu.memory_space<vmem>>, vector<16xf32>,
      tpu.vector_store %arg7[%parallel_loop3A_238, %parallel_loop3A_239], %parallel_loop3A_234 {strides = array<i32>} : memref<16x4096xf32, #tpu.memory_space<vmem>>, vector<16xf32>,
      %parallel_loop3A_241 = arith.constant 10 : i32
      %parallel_loop3A_242 = vector.broadcast %parallel_loop3A_241 : i32 to vector<16xi32>
      %parallel_loop3A_243 = tpu.vector_load_idx %arg5[%parallel_loop3A_242, %parallel_loop3A_150] : memref<16x1024xf32, #tpu.memory_space<vmem>>[vector<16xi32>, vector<16xi32>], vector<16xf32>,
      %parallel_loop3A_244 = arith.constant 16 : i32
      %parallel_loop3A_245 = arith.muli %parallel_loop3A_146, %parallel_loop3A_244 : i32
      %parallel_loop3A_246 = arith.constant 10 : i32
      %parallel_loop3A_247 = arith.index_cast %parallel_loop3A_246 : i32 to index
      %parallel_loop3A_248 = arith.index_cast %parallel_loop3A_245 : i32 to index
      %parallel_loop3A_249 = tpu.vector_load %arg7[%parallel_loop3A_247, %parallel_loop3A_248] {strides = array<i32>} : memref<16x4096xf32, #tpu.memory_space<vmem>>, vector<16xf32>,
      tpu.vector_store %arg7[%parallel_loop3A_247, %parallel_loop3A_248], %parallel_loop3A_243 {strides = array<i32>} : memref<16x4096xf32, #tpu.memory_space<vmem>>, vector<16xf32>,
      %parallel_loop3A_250 = arith.constant 11 : i32
      %parallel_loop3A_251 = vector.broadcast %parallel_loop3A_250 : i32 to vector<16xi32>
      %parallel_loop3A_252 = tpu.vector_load_idx %arg5[%parallel_loop3A_251, %parallel_loop3A_150] : memref<16x1024xf32, #tpu.memory_space<vmem>>[vector<16xi32>, vector<16xi32>], vector<16xf32>,
      %parallel_loop3A_253 = arith.constant 16 : i32
      %parallel_loop3A_254 = arith.muli %parallel_loop3A_146, %parallel_loop3A_253 : i32
      %parallel_loop3A_255 = arith.constant 11 : i32
      %parallel_loop3A_256 = arith.index_cast %parallel_loop3A_255 : i32 to index
      %parallel_loop3A_257 = arith.index_cast %parallel_loop3A_254 : i32 to index
      %parallel_loop3A_258 = tpu.vector_load %arg7[%parallel_loop3A_256, %parallel_loop3A_257] {strides = array<i32>} : memref<16x4096xf32, #tpu.memory_space<vmem>>, vector<16xf32>,
      tpu.vector_store %arg7[%parallel_loop3A_256, %parallel_loop3A_257], %parallel_loop3A_252 {strides = array<i32>} : memref<16x4096xf32, #tpu.memory_space<vmem>>, vector<16xf32>,
      %parallel_loop3A_259 = arith.constant 12 : i32
      %parallel_loop3A_260 = vector.broadcast %parallel_loop3A_259 : i32 to vector<16xi32>
      %parallel_loop3A_261 = tpu.vector_load_idx %arg5[%parallel_loop3A_260, %parallel_loop3A_150] : memref<16x1024xf32, #tpu.memory_space<vmem>>[vector<16xi32>, vector<16xi32>], vector<16xf32>,
      %parallel_loop3A_262 = arith.constant 16 : i32
      %parallel_loop3A_263 = arith.muli %parallel_loop3A_146, %parallel_loop3A_262 : i32
      %parallel_loop3A_264 = arith.constant 12 : i32
      %parallel_loop3A_265 = arith.index_cast %parallel_loop3A_264 : i32 to index
      %parallel_loop3A_266 = arith.index_cast %parallel_loop3A_263 : i32 to index
      %parallel_loop3A_267 = tpu.vector_load %arg7[%parallel_loop3A_265, %parallel_loop3A_266] {strides = array<i32>} : memref<16x4096xf32, #tpu.memory_space<vmem>>, vector<16xf32>,
      tpu.vector_store %arg7[%parallel_loop3A_265, %parallel_loop3A_266], %parallel_loop3A_261 {strides = array<i32>} : memref<16x4096xf32, #tpu.memory_space<vmem>>, vector<16xf32>,
      %parallel_loop3A_268 = arith.constant 13 : i32
      %parallel_loop3A_269 = vector.broadcast %parallel_loop3A_268 : i32 to vector<16xi32>
      %parallel_loop3A_270 = tpu.vector_load_idx %arg5[%parallel_loop3A_269, %parallel_loop3A_150] : memref<16x1024xf32, #tpu.memory_space<vmem>>[vector<16xi32>, vector<16xi32>], vector<16xf32>,
      %parallel_loop3A_271 = arith.constant 16 : i32
      %parallel_loop3A_272 = arith.muli %parallel_loop3A_146, %parallel_loop3A_271 : i32
      %parallel_loop3A_273 = arith.constant 13 : i32
      %parallel_loop3A_274 = arith.index_cast %parallel_loop3A_273 : i32 to index
      %parallel_loop3A_275 = arith.index_cast %parallel_loop3A_272 : i32 to index
      %parallel_loop3A_276 = tpu.vector_load %arg7[%parallel_loop3A_274, %parallel_loop3A_275] {strides = array<i32>} : memref<16x4096xf32, #tpu.memory_space<vmem>>, vector<16xf32>,
      tpu.vector_store %arg7[%parallel_loop3A_274, %parallel_loop3A_275], %parallel_loop3A_270 {strides = array<i32>} : memref<16x4096xf32, #tpu.memory_space<vmem>>, vector<16xf32>,
      %parallel_loop3A_277 = arith.constant 14 : i32
      %parallel_loop3A_278 = vector.broadcast %parallel_loop3A_277 : i32 to vector<16xi32>
      %parallel_loop3A_279 = tpu.vector_load_idx %arg5[%parallel_loop3A_278, %parallel_loop3A_150] : memref<16x1024xf32, #tpu.memory_space<vmem>>[vector<16xi32>, vector<16xi32>], vector<16xf32>,
      %parallel_loop3A_280 = arith.constant 16 : i32
      %parallel_loop3A_281 = arith.muli %parallel_loop3A_146, %parallel_loop3A_280 : i32
      %parallel_loop3A_282 = arith.constant 14 : i32
      %parallel_loop3A_283 = arith.index_cast %parallel_loop3A_282 : i32 to index
      %parallel_loop3A_284 = arith.index_cast %parallel_loop3A_281 : i32 to index
      %parallel_loop3A_285 = tpu.vector_load %arg7[%parallel_loop3A_283, %parallel_loop3A_284] {strides = array<i32>} : memref<16x4096xf32, #tpu.memory_space<vmem>>, vector<16xf32>,
      tpu.vector_store %arg7[%parallel_loop3A_283, %parallel_loop3A_284], %parallel_loop3A_279 {strides = array<i32>} : memref<16x4096xf32, #tpu.memory_space<vmem>>, vector<16xf32>,
      %parallel_loop3A_286 = arith.constant 15 : i32
      %parallel_loop3A_287 = vector.broadcast %parallel_loop3A_286 : i32 to vector<16xi32>
      %parallel_loop3A_288 = tpu.vector_load_idx %arg5[%parallel_loop3A_287, %parallel_loop3A_150] : memref<16x1024xf32, #tpu.memory_space<vmem>>[vector<16xi32>, vector<16xi32>], vector<16xf32>,
      %parallel_loop3A_289 = arith.constant 16 : i32
      %parallel_loop3A_290 = arith.muli %parallel_loop3A_146, %parallel_loop3A_289 : i32
      %parallel_loop3A_291 = arith.constant 15 : i32
      %parallel_loop3A_292 = arith.index_cast %parallel_loop3A_291 : i32 to index
      %parallel_loop3A_293 = arith.index_cast %parallel_loop3A_290 : i32 to index
      %parallel_loop3A_294 = tpu.vector_load %arg7[%parallel_loop3A_292, %parallel_loop3A_293] {strides = array<i32>} : memref<16x4096xf32, #tpu.memory_space<vmem>>, vector<16xf32>,
      tpu.vector_store %arg7[%parallel_loop3A_292, %parallel_loop3A_293], %parallel_loop3A_288 {strides = array<i32>} : memref<16x4096xf32, #tpu.memory_space<vmem>>, vector<16xf32>,
    } {sc.loop_unroll_factor = 8 : i64, sc.parallel_access}
    %mul3A_51 = arith.constant 16 : i32
    %mul3A_52 = arith.muli %select_n3A_30, %mul3A_51 : i32
    %dma_start3A_53 = arith.constant 0 : i32
    %dma_start3A_54 = arith.constant 1024 : i32
    %dma_start3A_55 = tpu.memref_slice %arg7[%dma_start3A_53, %dma_start3A_54] : memref<16x4096xf32, #tpu.memory_space<vmem>> -> memref<16x1024xf32, #tpu.memory_space<vmem>>
    %dma_start3A_56 = arith.constant 1024 : i32
    %dma_start3A_57 = tpu.memref_slice %arg4[%select_n3A, %mul3A_52, %dma_start3A_56] : memref<8x64x4096xf32, #tpu.memory_space<hbm>> -> memref<1x16x1024xf32, #tpu.memory_space<hbm>>
    %dma_start3A_58 = tpu.memref_squeeze %dma_start3A_57 : memref<1x16x1024xf32, #tpu.memory_space<hbm>> -> memref<16x1024xf32, #tpu.memory_space<hbm>>
    %dma_start3A_59 = arith.constant 1024 : i32
    %dma_start3A_60 = tpu.memref_slice %arg4[%select_n3A, %mul3A_52, %dma_start3A_59] : memref<8x64x4096xf32, #tpu.memory_space<hbm>> -> memref<1x16x1024xf32, #tpu.memory_space<hbm>>
    %dma_start3A_61 = tpu.memref_squeeze %dma_start3A_60 : memref<1x16x1024xf32, #tpu.memory_space<hbm>> -> memref<16x1024xf32, #tpu.memory_space<hbm>>
    %dma_start3A_62 = arith.constant 0 : i32
    %dma_start3A_63 = arith.constant 1024 : i32
    %dma_start3A_64 = tpu.memref_slice %arg7[%dma_start3A_62, %dma_start3A_63] : memref<16x4096xf32, #tpu.memory_space<vmem>> -> memref<16x1024xf32, #tpu.memory_space<vmem>>
    tpu.enqueue_dma source(%dma_start3A_64 : memref<16x1024xf32, #tpu.memory_space<vmem>>) target(%dma_start3A_61 : memref<16x1024xf32, #tpu.memory_space<hbm>>) target_semaphore(%arg8 : memref<!tpu.dma_semaphore, #tpu.memory_space<semaphore_mem>>)
    %parallel_loop3A_65 = arith.constant 128 : i32
    %parallel_loop3A_66 = arith.constant 192 : i32
    %parallel_loop3A_67 = arith.constant 1 : i32
    scf.for %parallel_loop3A_146 = %parallel_loop3A_65 to %parallel_loop3A_66 step %parallel_loop3A_67  : i32 {
      %parallel_loop3A_147 = arith.constant 16 : i32
      %parallel_loop3A_148 = arith.muli %parallel_loop3A_146, %parallel_loop3A_147 : i32
      %parallel_loop3A_149 = arith.index_cast %parallel_loop3A_148 : i32 to index
      %parallel_loop3A_150 = tpu.vector_load %arg6[%parallel_loop3A_149] {strides = array<i32>} : memref<4096xi32, #tpu.memory_space<vmem>>, vector<16xi32>,
      %parallel_loop3A_151 = arith.constant 0 : i32
      %parallel_loop3A_152 = vector.broadcast %parallel_loop3A_151 : i32 to vector<16xi32>
      %parallel_loop3A_153 = tpu.vector_load_idx %arg5[%parallel_loop3A_152, %parallel_loop3A_150] : memref<16x1024xf32, #tpu.memory_space<vmem>>[vector<16xi32>, vector<16xi32>], vector<16xf32>,
      %parallel_loop3A_154 = arith.constant 16 : i32
      %parallel_loop3A_155 = arith.muli %parallel_loop3A_146, %parallel_loop3A_154 : i32
      %parallel_loop3A_156 = arith.constant 0 : i32
      %parallel_loop3A_157 = arith.index_cast %parallel_loop3A_156 : i32 to index
      %parallel_loop3A_158 = arith.index_cast %parallel_loop3A_155 : i32 to index
      %parallel_loop3A_159 = tpu.vector_load %arg7[%parallel_loop3A_157, %parallel_loop3A_158] {strides = array<i32>} : memref<16x4096xf32, #tpu.memory_space<vmem>>, vector<16xf32>,
      tpu.vector_store %arg7[%parallel_loop3A_157, %parallel_loop3A_158], %parallel_loop3A_153 {strides = array<i32>} : memref<16x4096xf32, #tpu.memory_space<vmem>>, vector<16xf32>,
      %parallel_loop3A_160 = arith.constant 1 : i32
      %parallel_loop3A_161 = vector.broadcast %parallel_loop3A_160 : i32 to vector<16xi32>
      %parallel_loop3A_162 = tpu.vector_load_idx %arg5[%parallel_loop3A_161, %parallel_loop3A_150] : memref<16x1024xf32, #tpu.memory_space<vmem>>[vector<16xi32>, vector<16xi32>], vector<16xf32>,
      %parallel_loop3A_163 = arith.constant 16 : i32
      %parallel_loop3A_164 = arith.muli %parallel_loop3A_146, %parallel_loop3A_163 : i32
      %parallel_loop3A_165 = arith.constant 1 : i32
      %parallel_loop3A_166 = arith.index_cast %parallel_loop3A_165 : i32 to index
      %parallel_loop3A_167 = arith.index_cast %parallel_loop3A_164 : i32 to index
      %parallel_loop3A_168 = tpu.vector_load %arg7[%parallel_loop3A_166, %parallel_loop3A_167] {strides = array<i32>} : memref<16x4096xf32, #tpu.memory_space<vmem>>, vector<16xf32>,
      tpu.vector_store %arg7[%parallel_loop3A_166, %parallel_loop3A_167], %parallel_loop3A_162 {strides = array<i32>} : memref<16x4096xf32, #tpu.memory_space<vmem>>, vector<16xf32>,
      %parallel_loop3A_169 = arith.constant 2 : i32
      %parallel_loop3A_170 = vector.broadcast %parallel_loop3A_169 : i32 to vector<16xi32>
      %parallel_loop3A_171 = tpu.vector_load_idx %arg5[%parallel_loop3A_170, %parallel_loop3A_150] : memref<16x1024xf32, #tpu.memory_space<vmem>>[vector<16xi32>, vector<16xi32>], vector<16xf32>,
      %parallel_loop3A_172 = arith.constant 16 : i32
      %parallel_loop3A_173 = arith.muli %parallel_loop3A_146, %parallel_loop3A_172 : i32
      %parallel_loop3A_174 = arith.constant 2 : i32
      %parallel_loop3A_175 = arith.index_cast %parallel_loop3A_174 : i32 to index
      %parallel_loop3A_176 = arith.index_cast %parallel_loop3A_173 : i32 to index
      %parallel_loop3A_177 = tpu.vector_load %arg7[%parallel_loop3A_175, %parallel_loop3A_176] {strides = array<i32>} : memref<16x4096xf32, #tpu.memory_space<vmem>>, vector<16xf32>,
      tpu.vector_store %arg7[%parallel_loop3A_175, %parallel_loop3A_176], %parallel_loop3A_171 {strides = array<i32>} : memref<16x4096xf32, #tpu.memory_space<vmem>>, vector<16xf32>,
      %parallel_loop3A_178 = arith.constant 3 : i32
      %parallel_loop3A_179 = vector.broadcast %parallel_loop3A_178 : i32 to vector<16xi32>
      %parallel_loop3A_180 = tpu.vector_load_idx %arg5[%parallel_loop3A_179, %parallel_loop3A_150] : memref<16x1024xf32, #tpu.memory_space<vmem>>[vector<16xi32>, vector<16xi32>], vector<16xf32>,
      %parallel_loop3A_181 = arith.constant 16 : i32
      %parallel_loop3A_182 = arith.muli %parallel_loop3A_146, %parallel_loop3A_181 : i32
      %parallel_loop3A_183 = arith.constant 3 : i32
      %parallel_loop3A_184 = arith.index_cast %parallel_loop3A_183 : i32 to index
      %parallel_loop3A_185 = arith.index_cast %parallel_loop3A_182 : i32 to index
      %parallel_loop3A_186 = tpu.vector_load %arg7[%parallel_loop3A_184, %parallel_loop3A_185] {strides = array<i32>} : memref<16x4096xf32, #tpu.memory_space<vmem>>, vector<16xf32>,
      tpu.vector_store %arg7[%parallel_loop3A_184, %parallel_loop3A_185], %parallel_loop3A_180 {strides = array<i32>} : memref<16x4096xf32, #tpu.memory_space<vmem>>, vector<16xf32>,
      %parallel_loop3A_187 = arith.constant 4 : i32
      %parallel_loop3A_188 = vector.broadcast %parallel_loop3A_187 : i32 to vector<16xi32>
      %parallel_loop3A_189 = tpu.vector_load_idx %arg5[%parallel_loop3A_188, %parallel_loop3A_150] : memref<16x1024xf32, #tpu.memory_space<vmem>>[vector<16xi32>, vector<16xi32>], vector<16xf32>,
      %parallel_loop3A_190 = arith.constant 16 : i32
      %parallel_loop3A_191 = arith.muli %parallel_loop3A_146, %parallel_loop3A_190 : i32
      %parallel_loop3A_192 = arith.constant 4 : i32
      %parallel_loop3A_193 = arith.index_cast %parallel_loop3A_192 : i32 to index
      %parallel_loop3A_194 = arith.index_cast %parallel_loop3A_191 : i32 to index
      %parallel_loop3A_195 = tpu.vector_load %arg7[%parallel_loop3A_193, %parallel_loop3A_194] {strides = array<i32>} : memref<16x4096xf32, #tpu.memory_space<vmem>>, vector<16xf32>,
      tpu.vector_store %arg7[%parallel_loop3A_193, %parallel_loop3A_194], %parallel_loop3A_189 {strides = array<i32>} : memref<16x4096xf32, #tpu.memory_space<vmem>>, vector<16xf32>,
      %parallel_loop3A_196 = arith.constant 5 : i32
      %parallel_loop3A_197 = vector.broadcast %parallel_loop3A_196 : i32 to vector<16xi32>
      %parallel_loop3A_198 = tpu.vector_load_idx %arg5[%parallel_loop3A_197, %parallel_loop3A_150] : memref<16x1024xf32, #tpu.memory_space<vmem>>[vector<16xi32>, vector<16xi32>], vector<16xf32>,
      %parallel_loop3A_199 = arith.constant 16 : i32
      %parallel_loop3A_200 = arith.muli %parallel_loop3A_146, %parallel_loop3A_199 : i32
      %parallel_loop3A_201 = arith.constant 5 : i32
      %parallel_loop3A_202 = arith.index_cast %parallel_loop3A_201 : i32 to index
      %parallel_loop3A_203 = arith.index_cast %parallel_loop3A_200 : i32 to index
      %parallel_loop3A_204 = tpu.vector_load %arg7[%parallel_loop3A_202, %parallel_loop3A_203] {strides = array<i32>} : memref<16x4096xf32, #tpu.memory_space<vmem>>, vector<16xf32>,
      tpu.vector_store %arg7[%parallel_loop3A_202, %parallel_loop3A_203], %parallel_loop3A_198 {strides = array<i32>} : memref<16x4096xf32, #tpu.memory_space<vmem>>, vector<16xf32>,
      %parallel_loop3A_205 = arith.constant 6 : i32
      %parallel_loop3A_206 = vector.broadcast %parallel_loop3A_205 : i32 to vector<16xi32>
      %parallel_loop3A_207 = tpu.vector_load_idx %arg5[%parallel_loop3A_206, %parallel_loop3A_150] : memref<16x1024xf32, #tpu.memory_space<vmem>>[vector<16xi32>, vector<16xi32>], vector<16xf32>,
      %parallel_loop3A_208 = arith.constant 16 : i32
      %parallel_loop3A_209 = arith.muli %parallel_loop3A_146, %parallel_loop3A_208 : i32
      %parallel_loop3A_210 = arith.constant 6 : i32
      %parallel_loop3A_211 = arith.index_cast %parallel_loop3A_210 : i32 to index
      %parallel_loop3A_212 = arith.index_cast %parallel_loop3A_209 : i32 to index
      %parallel_loop3A_213 = tpu.vector_load %arg7[%parallel_loop3A_211, %parallel_loop3A_212] {strides = array<i32>} : memref<16x4096xf32, #tpu.memory_space<vmem>>, vector<16xf32>,
      tpu.vector_store %arg7[%parallel_loop3A_211, %parallel_loop3A_212], %parallel_loop3A_207 {strides = array<i32>} : memref<16x4096xf32, #tpu.memory_space<vmem>>, vector<16xf32>,
      %parallel_loop3A_214 = arith.constant 7 : i32
      %parallel_loop3A_215 = vector.broadcast %parallel_loop3A_214 : i32 to vector<16xi32>
      %parallel_loop3A_216 = tpu.vector_load_idx %arg5[%parallel_loop3A_215, %parallel_loop3A_150] : memref<16x1024xf32, #tpu.memory_space<vmem>>[vector<16xi32>, vector<16xi32>], vector<16xf32>,
      %parallel_loop3A_217 = arith.constant 16 : i32
      %parallel_loop3A_218 = arith.muli %parallel_loop3A_146, %parallel_loop3A_217 : i32
      %parallel_loop3A_219 = arith.constant 7 : i32
      %parallel_loop3A_220 = arith.index_cast %parallel_loop3A_219 : i32 to index
      %parallel_loop3A_221 = arith.index_cast %parallel_loop3A_218 : i32 to index
      %parallel_loop3A_222 = tpu.vector_load %arg7[%parallel_loop3A_220, %parallel_loop3A_221] {strides = array<i32>} : memref<16x4096xf32, #tpu.memory_space<vmem>>, vector<16xf32>,
      tpu.vector_store %arg7[%parallel_loop3A_220, %parallel_loop3A_221], %parallel_loop3A_216 {strides = array<i32>} : memref<16x4096xf32, #tpu.memory_space<vmem>>, vector<16xf32>,
      %parallel_loop3A_223 = arith.constant 8 : i32
      %parallel_loop3A_224 = vector.broadcast %parallel_loop3A_223 : i32 to vector<16xi32>
      %parallel_loop3A_225 = tpu.vector_load_idx %arg5[%parallel_loop3A_224, %parallel_loop3A_150] : memref<16x1024xf32, #tpu.memory_space<vmem>>[vector<16xi32>, vector<16xi32>], vector<16xf32>,
      %parallel_loop3A_226 = arith.constant 16 : i32
      %parallel_loop3A_227 = arith.muli %parallel_loop3A_146, %parallel_loop3A_226 : i32
      %parallel_loop3A_228 = arith.constant 8 : i32
      %parallel_loop3A_229 = arith.index_cast %parallel_loop3A_228 : i32 to index
      %parallel_loop3A_230 = arith.index_cast %parallel_loop3A_227 : i32 to index
      %parallel_loop3A_231 = tpu.vector_load %arg7[%parallel_loop3A_229, %parallel_loop3A_230] {strides = array<i32>} : memref<16x4096xf32, #tpu.memory_space<vmem>>, vector<16xf32>,
      tpu.vector_store %arg7[%parallel_loop3A_229, %parallel_loop3A_230], %parallel_loop3A_225 {strides = array<i32>} : memref<16x4096xf32, #tpu.memory_space<vmem>>, vector<16xf32>,
      %parallel_loop3A_232 = arith.constant 9 : i32
      %parallel_loop3A_233 = vector.broadcast %parallel_loop3A_232 : i32 to vector<16xi32>
      %parallel_loop3A_234 = tpu.vector_load_idx %arg5[%parallel_loop3A_233, %parallel_loop3A_150] : memref<16x1024xf32, #tpu.memory_space<vmem>>[vector<16xi32>, vector<16xi32>], vector<16xf32>,
      %parallel_loop3A_235 = arith.constant 16 : i32
      %parallel_loop3A_236 = arith.muli %parallel_loop3A_146, %parallel_loop3A_235 : i32
      %parallel_loop3A_237 = arith.constant 9 : i32
      %parallel_loop3A_238 = arith.index_cast %parallel_loop3A_237 : i32 to index
      %parallel_loop3A_239 = arith.index_cast %parallel_loop3A_236 : i32 to index
      %parallel_loop3A_240 = tpu.vector_load %arg7[%parallel_loop3A_238, %parallel_loop3A_239] {strides = array<i32>} : memref<16x4096xf32, #tpu.memory_space<vmem>>, vector<16xf32>,
      tpu.vector_store %arg7[%parallel_loop3A_238, %parallel_loop3A_239], %parallel_loop3A_234 {strides = array<i32>} : memref<16x4096xf32, #tpu.memory_space<vmem>>, vector<16xf32>,
      %parallel_loop3A_241 = arith.constant 10 : i32
      %parallel_loop3A_242 = vector.broadcast %parallel_loop3A_241 : i32 to vector<16xi32>
      %parallel_loop3A_243 = tpu.vector_load_idx %arg5[%parallel_loop3A_242, %parallel_loop3A_150] : memref<16x1024xf32, #tpu.memory_space<vmem>>[vector<16xi32>, vector<16xi32>], vector<16xf32>,
      %parallel_loop3A_244 = arith.constant 16 : i32
      %parallel_loop3A_245 = arith.muli %parallel_loop3A_146, %parallel_loop3A_244 : i32
      %parallel_loop3A_246 = arith.constant 10 : i32
      %parallel_loop3A_247 = arith.index_cast %parallel_loop3A_246 : i32 to index
      %parallel_loop3A_248 = arith.index_cast %parallel_loop3A_245 : i32 to index
      %parallel_loop3A_249 = tpu.vector_load %arg7[%parallel_loop3A_247, %parallel_loop3A_248] {strides = array<i32>} : memref<16x4096xf32, #tpu.memory_space<vmem>>, vector<16xf32>,
      tpu.vector_store %arg7[%parallel_loop3A_247, %parallel_loop3A_248], %parallel_loop3A_243 {strides = array<i32>} : memref<16x4096xf32, #tpu.memory_space<vmem>>, vector<16xf32>,
      %parallel_loop3A_250 = arith.constant 11 : i32
      %parallel_loop3A_251 = vector.broadcast %parallel_loop3A_250 : i32 to vector<16xi32>
      %parallel_loop3A_252 = tpu.vector_load_idx %arg5[%parallel_loop3A_251, %parallel_loop3A_150] : memref<16x1024xf32, #tpu.memory_space<vmem>>[vector<16xi32>, vector<16xi32>], vector<16xf32>,
      %parallel_loop3A_253 = arith.constant 16 : i32
      %parallel_loop3A_254 = arith.muli %parallel_loop3A_146, %parallel_loop3A_253 : i32
      %parallel_loop3A_255 = arith.constant 11 : i32
      %parallel_loop3A_256 = arith.index_cast %parallel_loop3A_255 : i32 to index
      %parallel_loop3A_257 = arith.index_cast %parallel_loop3A_254 : i32 to index
      %parallel_loop3A_258 = tpu.vector_load %arg7[%parallel_loop3A_256, %parallel_loop3A_257] {strides = array<i32>} : memref<16x4096xf32, #tpu.memory_space<vmem>>, vector<16xf32>,
      tpu.vector_store %arg7[%parallel_loop3A_256, %parallel_loop3A_257], %parallel_loop3A_252 {strides = array<i32>} : memref<16x4096xf32, #tpu.memory_space<vmem>>, vector<16xf32>,
      %parallel_loop3A_259 = arith.constant 12 : i32
      %parallel_loop3A_260 = vector.broadcast %parallel_loop3A_259 : i32 to vector<16xi32>
      %parallel_loop3A_261 = tpu.vector_load_idx %arg5[%parallel_loop3A_260, %parallel_loop3A_150] : memref<16x1024xf32, #tpu.memory_space<vmem>>[vector<16xi32>, vector<16xi32>], vector<16xf32>,
      %parallel_loop3A_262 = arith.constant 16 : i32
      %parallel_loop3A_263 = arith.muli %parallel_loop3A_146, %parallel_loop3A_262 : i32
      %parallel_loop3A_264 = arith.constant 12 : i32
      %parallel_loop3A_265 = arith.index_cast %parallel_loop3A_264 : i32 to index
      %parallel_loop3A_266 = arith.index_cast %parallel_loop3A_263 : i32 to index
      %parallel_loop3A_267 = tpu.vector_load %arg7[%parallel_loop3A_265, %parallel_loop3A_266] {strides = array<i32>} : memref<16x4096xf32, #tpu.memory_space<vmem>>, vector<16xf32>,
      tpu.vector_store %arg7[%parallel_loop3A_265, %parallel_loop3A_266], %parallel_loop3A_261 {strides = array<i32>} : memref<16x4096xf32, #tpu.memory_space<vmem>>, vector<16xf32>,
      %parallel_loop3A_268 = arith.constant 13 : i32
      %parallel_loop3A_269 = vector.broadcast %parallel_loop3A_268 : i32 to vector<16xi32>
      %parallel_loop3A_270 = tpu.vector_load_idx %arg5[%parallel_loop3A_269, %parallel_loop3A_150] : memref<16x1024xf32, #tpu.memory_space<vmem>>[vector<16xi32>, vector<16xi32>], vector<16xf32>,
      %parallel_loop3A_271 = arith.constant 16 : i32
      %parallel_loop3A_272 = arith.muli %parallel_loop3A_146, %parallel_loop3A_271 : i32
      %parallel_loop3A_273 = arith.constant 13 : i32
      %parallel_loop3A_274 = arith.index_cast %parallel_loop3A_273 : i32 to index
      %parallel_loop3A_275 = arith.index_cast %parallel_loop3A_272 : i32 to index
      %parallel_loop3A_276 = tpu.vector_load %arg7[%parallel_loop3A_274, %parallel_loop3A_275] {strides = array<i32>} : memref<16x4096xf32, #tpu.memory_space<vmem>>, vector<16xf32>,
      tpu.vector_store %arg7[%parallel_loop3A_274, %parallel_loop3A_275], %parallel_loop3A_270 {strides = array<i32>} : memref<16x4096xf32, #tpu.memory_space<vmem>>, vector<16xf32>,
      %parallel_loop3A_277 = arith.constant 14 : i32
      %parallel_loop3A_278 = vector.broadcast %parallel_loop3A_277 : i32 to vector<16xi32>
      %parallel_loop3A_279 = tpu.vector_load_idx %arg5[%parallel_loop3A_278, %parallel_loop3A_150] : memref<16x1024xf32, #tpu.memory_space<vmem>>[vector<16xi32>, vector<16xi32>], vector<16xf32>,
      %parallel_loop3A_280 = arith.constant 16 : i32
      %parallel_loop3A_281 = arith.muli %parallel_loop3A_146, %parallel_loop3A_280 : i32
      %parallel_loop3A_282 = arith.constant 14 : i32
      %parallel_loop3A_283 = arith.index_cast %parallel_loop3A_282 : i32 to index
      %parallel_loop3A_284 = arith.index_cast %parallel_loop3A_281 : i32 to index
      %parallel_loop3A_285 = tpu.vector_load %arg7[%parallel_loop3A_283, %parallel_loop3A_284] {strides = array<i32>} : memref<16x4096xf32, #tpu.memory_space<vmem>>, vector<16xf32>,
      tpu.vector_store %arg7[%parallel_loop3A_283, %parallel_loop3A_284], %parallel_loop3A_279 {strides = array<i32>} : memref<16x4096xf32, #tpu.memory_space<vmem>>, vector<16xf32>,
      %parallel_loop3A_286 = arith.constant 15 : i32
      %parallel_loop3A_287 = vector.broadcast %parallel_loop3A_286 : i32 to vector<16xi32>
      %parallel_loop3A_288 = tpu.vector_load_idx %arg5[%parallel_loop3A_287, %parallel_loop3A_150] : memref<16x1024xf32, #tpu.memory_space<vmem>>[vector<16xi32>, vector<16xi32>], vector<16xf32>,
      %parallel_loop3A_289 = arith.constant 16 : i32
      %parallel_loop3A_290 = arith.muli %parallel_loop3A_146, %parallel_loop3A_289 : i32
      %parallel_loop3A_291 = arith.constant 15 : i32
      %parallel_loop3A_292 = arith.index_cast %parallel_loop3A_291 : i32 to index
      %parallel_loop3A_293 = arith.index_cast %parallel_loop3A_290 : i32 to index
      %parallel_loop3A_294 = tpu.vector_load %arg7[%parallel_loop3A_292, %parallel_loop3A_293] {strides = array<i32>} : memref<16x4096xf32, #tpu.memory_space<vmem>>, vector<16xf32>,
      tpu.vector_store %arg7[%parallel_loop3A_292, %parallel_loop3A_293], %parallel_loop3A_288 {strides = array<i32>} : memref<16x4096xf32, #tpu.memory_space<vmem>>, vector<16xf32>,
    } {sc.loop_unroll_factor = 8 : i64, sc.parallel_access}
    %mul3A_68 = arith.constant 16 : i32
    %mul3A_69 = arith.muli %select_n3A_30, %mul3A_68 : i32
    %dma_start3A_70 = arith.constant 0 : i32
    %dma_start3A_71 = arith.constant 2048 : i32
    %dma_start3A_72 = tpu.memref_slice %arg7[%dma_start3A_70, %dma_start3A_71] : memref<16x4096xf32, #tpu.memory_space<vmem>> -> memref<16x1024xf32, #tpu.memory_space<vmem>>
    %dma_start3A_73 = arith.constant 2048 : i32
    %dma_start3A_74 = tpu.memref_slice %arg4[%select_n3A, %mul3A_69, %dma_start3A_73] : memref<8x64x4096xf32, #tpu.memory_space<hbm>> -> memref<1x16x1024xf32, #tpu.memory_space<hbm>>
    %dma_start3A_75 = tpu.memref_squeeze %dma_start3A_74 : memref<1x16x1024xf32, #tpu.memory_space<hbm>> -> memref<16x1024xf32, #tpu.memory_space<hbm>>
    %dma_start3A_76 = arith.constant 2048 : i32
    %dma_start3A_77 = tpu.memref_slice %arg4[%select_n3A, %mul3A_69, %dma_start3A_76] : memref<8x64x4096xf32, #tpu.memory_space<hbm>> -> memref<1x16x1024xf32, #tpu.memory_space<hbm>>
    %dma_start3A_78 = tpu.memref_squeeze %dma_start3A_77 : memref<1x16x1024xf32, #tpu.memory_space<hbm>> -> memref<16x1024xf32, #tpu.memory_space<hbm>>
    %dma_start3A_79 = arith.constant 0 : i32
    %dma_start3A_80 = arith.constant 2048 : i32
    %dma_start3A_81 = tpu.memref_slice %arg7[%dma_start3A_79, %dma_start3A_80] : memref<16x4096xf32, #tpu.memory_space<vmem>> -> memref<16x1024xf32, #tpu.memory_space<vmem>>
    tpu.enqueue_dma source(%dma_start3A_81 : memref<16x1024xf32, #tpu.memory_space<vmem>>) target(%dma_start3A_78 : memref<16x1024xf32, #tpu.memory_space<hbm>>) target_semaphore(%arg8 : memref<!tpu.dma_semaphore, #tpu.memory_space<semaphore_mem>>)
    %parallel_loop3A_82 = arith.constant 192 : i32
    %parallel_loop3A_83 = arith.constant 256 : i32
    %parallel_loop3A_84 = arith.constant 1 : i32
    scf.for %parallel_loop3A_146 = %parallel_loop3A_82 to %parallel_loop3A_83 step %parallel_loop3A_84  : i32 {
      %parallel_loop3A_147 = arith.constant 16 : i32
      %parallel_loop3A_148 = arith.muli %parallel_loop3A_146, %parallel_loop3A_147 : i32
      %parallel_loop3A_149 = arith.index_cast %parallel_loop3A_148 : i32 to index
      %parallel_loop3A_150 = tpu.vector_load %arg6[%parallel_loop3A_149] {strides = array<i32>} : memref<4096xi32, #tpu.memory_space<vmem>>, vector<16xi32>,
      %parallel_loop3A_151 = arith.constant 0 : i32
      %parallel_loop3A_152 = vector.broadcast %parallel_loop3A_151 : i32 to vector<16xi32>
      %parallel_loop3A_153 = tpu.vector_load_idx %arg5[%parallel_loop3A_152, %parallel_loop3A_150] : memref<16x1024xf32, #tpu.memory_space<vmem>>[vector<16xi32>, vector<16xi32>], vector<16xf32>,
      %parallel_loop3A_154 = arith.constant 16 : i32
      %parallel_loop3A_155 = arith.muli %parallel_loop3A_146, %parallel_loop3A_154 : i32
      %parallel_loop3A_156 = arith.constant 0 : i32
      %parallel_loop3A_157 = arith.index_cast %parallel_loop3A_156 : i32 to index
      %parallel_loop3A_158 = arith.index_cast %parallel_loop3A_155 : i32 to index
      %parallel_loop3A_159 = tpu.vector_load %arg7[%parallel_loop3A_157, %parallel_loop3A_158] {strides = array<i32>} : memref<16x4096xf32, #tpu.memory_space<vmem>>, vector<16xf32>,
      tpu.vector_store %arg7[%parallel_loop3A_157, %parallel_loop3A_158], %parallel_loop3A_153 {strides = array<i32>} : memref<16x4096xf32, #tpu.memory_space<vmem>>, vector<16xf32>,
      %parallel_loop3A_160 = arith.constant 1 : i32
      %parallel_loop3A_161 = vector.broadcast %parallel_loop3A_160 : i32 to vector<16xi32>
      %parallel_loop3A_162 = tpu.vector_load_idx %arg5[%parallel_loop3A_161, %parallel_loop3A_150] : memref<16x1024xf32, #tpu.memory_space<vmem>>[vector<16xi32>, vector<16xi32>], vector<16xf32>,
      %parallel_loop3A_163 = arith.constant 16 : i32
      %parallel_loop3A_164 = arith.muli %parallel_loop3A_146, %parallel_loop3A_163 : i32
      %parallel_loop3A_165 = arith.constant 1 : i32
      %parallel_loop3A_166 = arith.index_cast %parallel_loop3A_165 : i32 to index
      %parallel_loop3A_167 = arith.index_cast %parallel_loop3A_164 : i32 to index
      %parallel_loop3A_168 = tpu.vector_load %arg7[%parallel_loop3A_166, %parallel_loop3A_167] {strides = array<i32>} : memref<16x4096xf32, #tpu.memory_space<vmem>>, vector<16xf32>,
      tpu.vector_store %arg7[%parallel_loop3A_166, %parallel_loop3A_167], %parallel_loop3A_162 {strides = array<i32>} : memref<16x4096xf32, #tpu.memory_space<vmem>>, vector<16xf32>,
      %parallel_loop3A_169 = arith.constant 2 : i32
      %parallel_loop3A_170 = vector.broadcast %parallel_loop3A_169 : i32 to vector<16xi32>
      %parallel_loop3A_171 = tpu.vector_load_idx %arg5[%parallel_loop3A_170, %parallel_loop3A_150] : memref<16x1024xf32, #tpu.memory_space<vmem>>[vector<16xi32>, vector<16xi32>], vector<16xf32>,
      %parallel_loop3A_172 = arith.constant 16 : i32
      %parallel_loop3A_173 = arith.muli %parallel_loop3A_146, %parallel_loop3A_172 : i32
      %parallel_loop3A_174 = arith.constant 2 : i32
      %parallel_loop3A_175 = arith.index_cast %parallel_loop3A_174 : i32 to index
      %parallel_loop3A_176 = arith.index_cast %parallel_loop3A_173 : i32 to index
      %parallel_loop3A_177 = tpu.vector_load %arg7[%parallel_loop3A_175, %parallel_loop3A_176] {strides = array<i32>} : memref<16x4096xf32, #tpu.memory_space<vmem>>, vector<16xf32>,
      tpu.vector_store %arg7[%parallel_loop3A_175, %parallel_loop3A_176], %parallel_loop3A_171 {strides = array<i32>} : memref<16x4096xf32, #tpu.memory_space<vmem>>, vector<16xf32>,
      %parallel_loop3A_178 = arith.constant 3 : i32
      %parallel_loop3A_179 = vector.broadcast %parallel_loop3A_178 : i32 to vector<16xi32>
      %parallel_loop3A_180 = tpu.vector_load_idx %arg5[%parallel_loop3A_179, %parallel_loop3A_150] : memref<16x1024xf32, #tpu.memory_space<vmem>>[vector<16xi32>, vector<16xi32>], vector<16xf32>,
      %parallel_loop3A_181 = arith.constant 16 : i32
      %parallel_loop3A_182 = arith.muli %parallel_loop3A_146, %parallel_loop3A_181 : i32
      %parallel_loop3A_183 = arith.constant 3 : i32
      %parallel_loop3A_184 = arith.index_cast %parallel_loop3A_183 : i32 to index
      %parallel_loop3A_185 = arith.index_cast %parallel_loop3A_182 : i32 to index
      %parallel_loop3A_186 = tpu.vector_load %arg7[%parallel_loop3A_184, %parallel_loop3A_185] {strides = array<i32>} : memref<16x4096xf32, #tpu.memory_space<vmem>>, vector<16xf32>,
      tpu.vector_store %arg7[%parallel_loop3A_184, %parallel_loop3A_185], %parallel_loop3A_180 {strides = array<i32>} : memref<16x4096xf32, #tpu.memory_space<vmem>>, vector<16xf32>,
      %parallel_loop3A_187 = arith.constant 4 : i32
      %parallel_loop3A_188 = vector.broadcast %parallel_loop3A_187 : i32 to vector<16xi32>
      %parallel_loop3A_189 = tpu.vector_load_idx %arg5[%parallel_loop3A_188, %parallel_loop3A_150] : memref<16x1024xf32, #tpu.memory_space<vmem>>[vector<16xi32>, vector<16xi32>], vector<16xf32>,
      %parallel_loop3A_190 = arith.constant 16 : i32
      %parallel_loop3A_191 = arith.muli %parallel_loop3A_146, %parallel_loop3A_190 : i32
      %parallel_loop3A_192 = arith.constant 4 : i32
      %parallel_loop3A_193 = arith.index_cast %parallel_loop3A_192 : i32 to index
      %parallel_loop3A_194 = arith.index_cast %parallel_loop3A_191 : i32 to index
      %parallel_loop3A_195 = tpu.vector_load %arg7[%parallel_loop3A_193, %parallel_loop3A_194] {strides = array<i32>} : memref<16x4096xf32, #tpu.memory_space<vmem>>, vector<16xf32>,
      tpu.vector_store %arg7[%parallel_loop3A_193, %parallel_loop3A_194], %parallel_loop3A_189 {strides = array<i32>} : memref<16x4096xf32, #tpu.memory_space<vmem>>, vector<16xf32>,
      %parallel_loop3A_196 = arith.constant 5 : i32
      %parallel_loop3A_197 = vector.broadcast %parallel_loop3A_196 : i32 to vector<16xi32>
      %parallel_loop3A_198 = tpu.vector_load_idx %arg5[%parallel_loop3A_197, %parallel_loop3A_150] : memref<16x1024xf32, #tpu.memory_space<vmem>>[vector<16xi32>, vector<16xi32>], vector<16xf32>,
      %parallel_loop3A_199 = arith.constant 16 : i32
      %parallel_loop3A_200 = arith.muli %parallel_loop3A_146, %parallel_loop3A_199 : i32
      %parallel_loop3A_201 = arith.constant 5 : i32
      %parallel_loop3A_202 = arith.index_cast %parallel_loop3A_201 : i32 to index
      %parallel_loop3A_203 = arith.index_cast %parallel_loop3A_200 : i32 to index
      %parallel_loop3A_204 = tpu.vector_load %arg7[%parallel_loop3A_202, %parallel_loop3A_203] {strides = array<i32>} : memref<16x4096xf32, #tpu.memory_space<vmem>>, vector<16xf32>,
      tpu.vector_store %arg7[%parallel_loop3A_202, %parallel_loop3A_203], %parallel_loop3A_198 {strides = array<i32>} : memref<16x4096xf32, #tpu.memory_space<vmem>>, vector<16xf32>,
      %parallel_loop3A_205 = arith.constant 6 : i32
      %parallel_loop3A_206 = vector.broadcast %parallel_loop3A_205 : i32 to vector<16xi32>
      %parallel_loop3A_207 = tpu.vector_load_idx %arg5[%parallel_loop3A_206, %parallel_loop3A_150] : memref<16x1024xf32, #tpu.memory_space<vmem>>[vector<16xi32>, vector<16xi32>], vector<16xf32>,
      %parallel_loop3A_208 = arith.constant 16 : i32
      %parallel_loop3A_209 = arith.muli %parallel_loop3A_146, %parallel_loop3A_208 : i32
      %parallel_loop3A_210 = arith.constant 6 : i32
      %parallel_loop3A_211 = arith.index_cast %parallel_loop3A_210 : i32 to index
      %parallel_loop3A_212 = arith.index_cast %parallel_loop3A_209 : i32 to index
      %parallel_loop3A_213 = tpu.vector_load %arg7[%parallel_loop3A_211, %parallel_loop3A_212] {strides = array<i32>} : memref<16x4096xf32, #tpu.memory_space<vmem>>, vector<16xf32>,
      tpu.vector_store %arg7[%parallel_loop3A_211, %parallel_loop3A_212], %parallel_loop3A_207 {strides = array<i32>} : memref<16x4096xf32, #tpu.memory_space<vmem>>, vector<16xf32>,
      %parallel_loop3A_214 = arith.constant 7 : i32
      %parallel_loop3A_215 = vector.broadcast %parallel_loop3A_214 : i32 to vector<16xi32>
      %parallel_loop3A_216 = tpu.vector_load_idx %arg5[%parallel_loop3A_215, %parallel_loop3A_150] : memref<16x1024xf32, #tpu.memory_space<vmem>>[vector<16xi32>, vector<16xi32>], vector<16xf32>,
      %parallel_loop3A_217 = arith.constant 16 : i32
      %parallel_loop3A_218 = arith.muli %parallel_loop3A_146, %parallel_loop3A_217 : i32
      %parallel_loop3A_219 = arith.constant 7 : i32
      %parallel_loop3A_220 = arith.index_cast %parallel_loop3A_219 : i32 to index
      %parallel_loop3A_221 = arith.index_cast %parallel_loop3A_218 : i32 to index
      %parallel_loop3A_222 = tpu.vector_load %arg7[%parallel_loop3A_220, %parallel_loop3A_221] {strides = array<i32>} : memref<16x4096xf32, #tpu.memory_space<vmem>>, vector<16xf32>,
      tpu.vector_store %arg7[%parallel_loop3A_220, %parallel_loop3A_221], %parallel_loop3A_216 {strides = array<i32>} : memref<16x4096xf32, #tpu.memory_space<vmem>>, vector<16xf32>,
      %parallel_loop3A_223 = arith.constant 8 : i32
      %parallel_loop3A_224 = vector.broadcast %parallel_loop3A_223 : i32 to vector<16xi32>
      %parallel_loop3A_225 = tpu.vector_load_idx %arg5[%parallel_loop3A_224, %parallel_loop3A_150] : memref<16x1024xf32, #tpu.memory_space<vmem>>[vector<16xi32>, vector<16xi32>], vector<16xf32>,
      %parallel_loop3A_226 = arith.constant 16 : i32
      %parallel_loop3A_227 = arith.muli %parallel_loop3A_146, %parallel_loop3A_226 : i32
      %parallel_loop3A_228 = arith.constant 8 : i32
      %parallel_loop3A_229 = arith.index_cast %parallel_loop3A_228 : i32 to index
      %parallel_loop3A_230 = arith.index_cast %parallel_loop3A_227 : i32 to index
      %parallel_loop3A_231 = tpu.vector_load %arg7[%parallel_loop3A_229, %parallel_loop3A_230] {strides = array<i32>} : memref<16x4096xf32, #tpu.memory_space<vmem>>, vector<16xf32>,
      tpu.vector_store %arg7[%parallel_loop3A_229, %parallel_loop3A_230], %parallel_loop3A_225 {strides = array<i32>} : memref<16x4096xf32, #tpu.memory_space<vmem>>, vector<16xf32>,
      %parallel_loop3A_232 = arith.constant 9 : i32
      %parallel_loop3A_233 = vector.broadcast %parallel_loop3A_232 : i32 to vector<16xi32>
      %parallel_loop3A_234 = tpu.vector_load_idx %arg5[%parallel_loop3A_233, %parallel_loop3A_150] : memref<16x1024xf32, #tpu.memory_space<vmem>>[vector<16xi32>, vector<16xi32>], vector<16xf32>,
      %parallel_loop3A_235 = arith.constant 16 : i32
      %parallel_loop3A_236 = arith.muli %parallel_loop3A_146, %parallel_loop3A_235 : i32
      %parallel_loop3A_237 = arith.constant 9 : i32
      %parallel_loop3A_238 = arith.index_cast %parallel_loop3A_237 : i32 to index
      %parallel_loop3A_239 = arith.index_cast %parallel_loop3A_236 : i32 to index
      %parallel_loop3A_240 = tpu.vector_load %arg7[%parallel_loop3A_238, %parallel_loop3A_239] {strides = array<i32>} : memref<16x4096xf32, #tpu.memory_space<vmem>>, vector<16xf32>,
      tpu.vector_store %arg7[%parallel_loop3A_238, %parallel_loop3A_239], %parallel_loop3A_234 {strides = array<i32>} : memref<16x4096xf32, #tpu.memory_space<vmem>>, vector<16xf32>,
      %parallel_loop3A_241 = arith.constant 10 : i32
      %parallel_loop3A_242 = vector.broadcast %parallel_loop3A_241 : i32 to vector<16xi32>
      %parallel_loop3A_243 = tpu.vector_load_idx %arg5[%parallel_loop3A_242, %parallel_loop3A_150] : memref<16x1024xf32, #tpu.memory_space<vmem>>[vector<16xi32>, vector<16xi32>], vector<16xf32>,
      %parallel_loop3A_244 = arith.constant 16 : i32
      %parallel_loop3A_245 = arith.muli %parallel_loop3A_146, %parallel_loop3A_244 : i32
      %parallel_loop3A_246 = arith.constant 10 : i32
      %parallel_loop3A_247 = arith.index_cast %parallel_loop3A_246 : i32 to index
      %parallel_loop3A_248 = arith.index_cast %parallel_loop3A_245 : i32 to index
      %parallel_loop3A_249 = tpu.vector_load %arg7[%parallel_loop3A_247, %parallel_loop3A_248] {strides = array<i32>} : memref<16x4096xf32, #tpu.memory_space<vmem>>, vector<16xf32>,
      tpu.vector_store %arg7[%parallel_loop3A_247, %parallel_loop3A_248], %parallel_loop3A_243 {strides = array<i32>} : memref<16x4096xf32, #tpu.memory_space<vmem>>, vector<16xf32>,
      %parallel_loop3A_250 = arith.constant 11 : i32
      %parallel_loop3A_251 = vector.broadcast %parallel_loop3A_250 : i32 to vector<16xi32>
      %parallel_loop3A_252 = tpu.vector_load_idx %arg5[%parallel_loop3A_251, %parallel_loop3A_150] : memref<16x1024xf32, #tpu.memory_space<vmem>>[vector<16xi32>, vector<16xi32>], vector<16xf32>,
      %parallel_loop3A_253 = arith.constant 16 : i32
      %parallel_loop3A_254 = arith.muli %parallel_loop3A_146, %parallel_loop3A_253 : i32
      %parallel_loop3A_255 = arith.constant 11 : i32
      %parallel_loop3A_256 = arith.index_cast %parallel_loop3A_255 : i32 to index
      %parallel_loop3A_257 = arith.index_cast %parallel_loop3A_254 : i32 to index
      %parallel_loop3A_258 = tpu.vector_load %arg7[%parallel_loop3A_256, %parallel_loop3A_257] {strides = array<i32>} : memref<16x4096xf32, #tpu.memory_space<vmem>>, vector<16xf32>,
      tpu.vector_store %arg7[%parallel_loop3A_256, %parallel_loop3A_257], %parallel_loop3A_252 {strides = array<i32>} : memref<16x4096xf32, #tpu.memory_space<vmem>>, vector<16xf32>,
      %parallel_loop3A_259 = arith.constant 12 : i32
      %parallel_loop3A_260 = vector.broadcast %parallel_loop3A_259 : i32 to vector<16xi32>
      %parallel_loop3A_261 = tpu.vector_load_idx %arg5[%parallel_loop3A_260, %parallel_loop3A_150] : memref<16x1024xf32, #tpu.memory_space<vmem>>[vector<16xi32>, vector<16xi32>], vector<16xf32>,
      %parallel_loop3A_262 = arith.constant 16 : i32
      %parallel_loop3A_263 = arith.muli %parallel_loop3A_146, %parallel_loop3A_262 : i32
      %parallel_loop3A_264 = arith.constant 12 : i32
      %parallel_loop3A_265 = arith.index_cast %parallel_loop3A_264 : i32 to index
      %parallel_loop3A_266 = arith.index_cast %parallel_loop3A_263 : i32 to index
      %parallel_loop3A_267 = tpu.vector_load %arg7[%parallel_loop3A_265, %parallel_loop3A_266] {strides = array<i32>} : memref<16x4096xf32, #tpu.memory_space<vmem>>, vector<16xf32>,
      tpu.vector_store %arg7[%parallel_loop3A_265, %parallel_loop3A_266], %parallel_loop3A_261 {strides = array<i32>} : memref<16x4096xf32, #tpu.memory_space<vmem>>, vector<16xf32>,
      %parallel_loop3A_268 = arith.constant 13 : i32
      %parallel_loop3A_269 = vector.broadcast %parallel_loop3A_268 : i32 to vector<16xi32>
      %parallel_loop3A_270 = tpu.vector_load_idx %arg5[%parallel_loop3A_269, %parallel_loop3A_150] : memref<16x1024xf32, #tpu.memory_space<vmem>>[vector<16xi32>, vector<16xi32>], vector<16xf32>,
      %parallel_loop3A_271 = arith.constant 16 : i32
      %parallel_loop3A_272 = arith.muli %parallel_loop3A_146, %parallel_loop3A_271 : i32
      %parallel_loop3A_273 = arith.constant 13 : i32
      %parallel_loop3A_274 = arith.index_cast %parallel_loop3A_273 : i32 to index
      %parallel_loop3A_275 = arith.index_cast %parallel_loop3A_272 : i32 to index
      %parallel_loop3A_276 = tpu.vector_load %arg7[%parallel_loop3A_274, %parallel_loop3A_275] {strides = array<i32>} : memref<16x4096xf32, #tpu.memory_space<vmem>>, vector<16xf32>,
      tpu.vector_store %arg7[%parallel_loop3A_274, %parallel_loop3A_275], %parallel_loop3A_270 {strides = array<i32>} : memref<16x4096xf32, #tpu.memory_space<vmem>>, vector<16xf32>,
      %parallel_loop3A_277 = arith.constant 14 : i32
      %parallel_loop3A_278 = vector.broadcast %parallel_loop3A_277 : i32 to vector<16xi32>
      %parallel_loop3A_279 = tpu.vector_load_idx %arg5[%parallel_loop3A_278, %parallel_loop3A_150] : memref<16x1024xf32, #tpu.memory_space<vmem>>[vector<16xi32>, vector<16xi32>], vector<16xf32>,
      %parallel_loop3A_280 = arith.constant 16 : i32
      %parallel_loop3A_281 = arith.muli %parallel_loop3A_146, %parallel_loop3A_280 : i32
      %parallel_loop3A_282 = arith.constant 14 : i32
      %parallel_loop3A_283 = arith.index_cast %parallel_loop3A_282 : i32 to index
      %parallel_loop3A_284 = arith.index_cast %parallel_loop3A_281 : i32 to index
      %parallel_loop3A_285 = tpu.vector_load %arg7[%parallel_loop3A_283, %parallel_loop3A_284] {strides = array<i32>} : memref<16x4096xf32, #tpu.memory_space<vmem>>, vector<16xf32>,
      tpu.vector_store %arg7[%parallel_loop3A_283, %parallel_loop3A_284], %parallel_loop3A_279 {strides = array<i32>} : memref<16x4096xf32, #tpu.memory_space<vmem>>, vector<16xf32>,
      %parallel_loop3A_286 = arith.constant 15 : i32
      %parallel_loop3A_287 = vector.broadcast %parallel_loop3A_286 : i32 to vector<16xi32>
      %parallel_loop3A_288 = tpu.vector_load_idx %arg5[%parallel_loop3A_287, %parallel_loop3A_150] : memref<16x1024xf32, #tpu.memory_space<vmem>>[vector<16xi32>, vector<16xi32>], vector<16xf32>,
      %parallel_loop3A_289 = arith.constant 16 : i32
      %parallel_loop3A_290 = arith.muli %parallel_loop3A_146, %parallel_loop3A_289 : i32
      %parallel_loop3A_291 = arith.constant 15 : i32
      %parallel_loop3A_292 = arith.index_cast %parallel_loop3A_291 : i32 to index
      %parallel_loop3A_293 = arith.index_cast %parallel_loop3A_290 : i32 to index
      %parallel_loop3A_294 = tpu.vector_load %arg7[%parallel_loop3A_292, %parallel_loop3A_293] {strides = array<i32>} : memref<16x4096xf32, #tpu.memory_space<vmem>>, vector<16xf32>,
      tpu.vector_store %arg7[%parallel_loop3A_292, %parallel_loop3A_293], %parallel_loop3A_288 {strides = array<i32>} : memref<16x4096xf32, #tpu.memory_space<vmem>>, vector<16xf32>,
    } {sc.loop_unroll_factor = 8 : i64, sc.parallel_access}
    %mul3A_85 = arith.constant 16 : i32
    %mul3A_86 = arith.muli %select_n3A_30, %mul3A_85 : i32
    %dma_start3A_87 = arith.constant 0 : i32
    %dma_start3A_88 = arith.constant 3072 : i32
    %dma_start3A_89 = tpu.memref_slice %arg7[%dma_start3A_87, %dma_start3A_88] : memref<16x4096xf32, #tpu.memory_space<vmem>> -> memref<16x1024xf32, #tpu.memory_space<vmem>>
    %dma_start3A_90 = arith.constant 3072 : i32
    %dma_start3A_91 = tpu.memref_slice %arg4[%select_n3A, %mul3A_86, %dma_start3A_90] : memref<8x64x4096xf32, #tpu.memory_space<hbm>> -> memref<1x16x1024xf32, #tpu.memory_space<hbm>>
    %dma_start3A_92 = tpu.memref_squeeze %dma_start3A_91 : memref<1x16x1024xf32, #tpu.memory_space<hbm>> -> memref<16x1024xf32, #tpu.memory_space<hbm>>
    %dma_start3A_93 = arith.constant 3072 : i32
    %dma_start3A_94 = tpu.memref_slice %arg4[%select_n3A, %mul3A_86, %dma_start3A_93] : memref<8x64x4096xf32, #tpu.memory_space<hbm>> -> memref<1x16x1024xf32, #tpu.memory_space<hbm>>
    %dma_start3A_95 = tpu.memref_squeeze %dma_start3A_94 : memref<1x16x1024xf32, #tpu.memory_space<hbm>> -> memref<16x1024xf32, #tpu.memory_space<hbm>>
    %dma_start3A_96 = arith.constant 0 : i32
    %dma_start3A_97 = arith.constant 3072 : i32
    %dma_start3A_98 = tpu.memref_slice %arg7[%dma_start3A_96, %dma_start3A_97] : memref<16x4096xf32, #tpu.memory_space<vmem>> -> memref<16x1024xf32, #tpu.memory_space<vmem>>
    tpu.enqueue_dma source(%dma_start3A_98 : memref<16x1024xf32, #tpu.memory_space<vmem>>) target(%dma_start3A_95 : memref<16x1024xf32, #tpu.memory_space<hbm>>) target_semaphore(%arg8 : memref<!tpu.dma_semaphore, #tpu.memory_space<semaphore_mem>>)
    %dma_wait3A = arith.constant 0 : i32
    %dma_wait3A_99 = arith.constant 0 : i32
    %dma_wait3A_100 = tpu.memref_slice %arg7[%dma_wait3A, %dma_wait3A_99] : memref<16x4096xf32, #tpu.memory_space<vmem>> -> memref<16x1024xf32, #tpu.memory_space<vmem>>
    %dma_wait3A_101 = arith.constant 0 : i32
    %dma_wait3A_102 = tpu.memref_slice %arg4[%select_n3A, %mul3A_36, %dma_wait3A_101] : memref<8x64x4096xf32, #tpu.memory_space<hbm>> -> memref<1x16x1024xf32, #tpu.memory_space<hbm>>
    %dma_wait3A_103 = tpu.memref_squeeze %dma_wait3A_102 : memref<1x16x1024xf32, #tpu.memory_space<hbm>> -> memref<16x1024xf32, #tpu.memory_space<hbm>>
    %dma_wait3A_104 = arith.constant 0 : i32
    %dma_wait3A_105 = tpu.memref_slice %arg4[%select_n3A, %mul3A_36, %dma_wait3A_104] : memref<8x64x4096xf32, #tpu.memory_space<hbm>> -> memref<1x16x1024xf32, #tpu.memory_space<hbm>>
    %dma_wait3A_106 = tpu.memref_squeeze %dma_wait3A_105 : memref<1x16x1024xf32, #tpu.memory_space<hbm>> -> memref<16x1024xf32, #tpu.memory_space<hbm>>
    %dma_wait3A_107 = arith.constant 0 : i32
    %dma_wait3A_108 = arith.constant 0 : i32
    %dma_wait3A_109 = tpu.memref_slice %arg7[%dma_wait3A_107, %dma_wait3A_108] : memref<16x4096xf32, #tpu.memory_space<vmem>> -> memref<16x1024xf32, #tpu.memory_space<vmem>>
    tpu.wait_dma2 semaphore(%arg8 : memref<!tpu.dma_semaphore, #tpu.memory_space<semaphore_mem>>) src(%dma_wait3A_109 : memref<16x1024xf32, #tpu.memory_space<vmem>>) dst(%dma_wait3A_106 : memref<16x1024xf32, #tpu.memory_space<hbm>>)
    %dma_wait3A_110 = arith.constant 0 : i32
    %dma_wait3A_111 = arith.constant 1024 : i32
    %dma_wait3A_112 = tpu.memref_slice %arg7[%dma_wait3A_110, %dma_wait3A_111] : memref<16x4096xf32, #tpu.memory_space<vmem>> -> memref<16x1024xf32, #tpu.memory_space<vmem>>
    %dma_wait3A_113 = arith.constant 1024 : i32
    %dma_wait3A_114 = tpu.memref_slice %arg4[%select_n3A, %mul3A_52, %dma_wait3A_113] : memref<8x64x4096xf32, #tpu.memory_space<hbm>> -> memref<1x16x1024xf32, #tpu.memory_space<hbm>>
    %dma_wait3A_115 = tpu.memref_squeeze %dma_wait3A_114 : memref<1x16x1024xf32, #tpu.memory_space<hbm>> -> memref<16x1024xf32, #tpu.memory_space<hbm>>
    %dma_wait3A_116 = arith.constant 1024 : i32
    %dma_wait3A_117 = tpu.memref_slice %arg4[%select_n3A, %mul3A_52, %dma_wait3A_116] : memref<8x64x4096xf32, #tpu.memory_space<hbm>> -> memref<1x16x1024xf32, #tpu.memory_space<hbm>>
    %dma_wait3A_118 = tpu.memref_squeeze %dma_wait3A_117 : memref<1x16x1024xf32, #tpu.memory_space<hbm>> -> memref<16x1024xf32, #tpu.memory_space<hbm>>
    %dma_wait3A_119 = arith.constant 0 : i32
    %dma_wait3A_120 = arith.constant 1024 : i32
    %dma_wait3A_121 = tpu.memref_slice %arg7[%dma_wait3A_119, %dma_wait3A_120] : memref<16x4096xf32, #tpu.memory_space<vmem>> -> memref<16x1024xf32, #tpu.memory_space<vmem>>
    tpu.wait_dma2 semaphore(%arg8 : memref<!tpu.dma_semaphore, #tpu.memory_space<semaphore_mem>>) src(%dma_wait3A_121 : memref<16x1024xf32, #tpu.memory_space<vmem>>) dst(%dma_wait3A_118 : memref<16x1024xf32, #tpu.memory_space<hbm>>)
    %dma_wait3A_122 = arith.constant 0 : i32
    %dma_wait3A_123 = arith.constant 2048 : i32
    %dma_wait3A_124 = tpu.memref_slice %arg7[%dma_wait3A_122, %dma_wait3A_123] : memref<16x4096xf32, #tpu.memory_space<vmem>> -> memref<16x1024xf32, #tpu.memory_space<vmem>>
    %dma_wait3A_125 = arith.constant 2048 : i32
    %dma_wait3A_126 = tpu.memref_slice %arg4[%select_n3A, %mul3A_69, %dma_wait3A_125] : memref<8x64x4096xf32, #tpu.memory_space<hbm>> -> memref<1x16x1024xf32, #tpu.memory_space<hbm>>
    %dma_wait3A_127 = tpu.memref_squeeze %dma_wait3A_126 : memref<1x16x1024xf32, #tpu.memory_space<hbm>> -> memref<16x1024xf32, #tpu.memory_space<hbm>>
    %dma_wait3A_128 = arith.constant 2048 : i32
    %dma_wait3A_129 = tpu.memref_slice %arg4[%select_n3A, %mul3A_69, %dma_wait3A_128] : memref<8x64x4096xf32, #tpu.memory_space<hbm>> -> memref<1x16x1024xf32, #tpu.memory_space<hbm>>
    %dma_wait3A_130 = tpu.memref_squeeze %dma_wait3A_129 : memref<1x16x1024xf32, #tpu.memory_space<hbm>> -> memref<16x1024xf32, #tpu.memory_space<hbm>>
    %dma_wait3A_131 = arith.constant 0 : i32
    %dma_wait3A_132 = arith.constant 2048 : i32
    %dma_wait3A_133 = tpu.memref_slice %arg7[%dma_wait3A_131, %dma_wait3A_132] : memref<16x4096xf32, #tpu.memory_space<vmem>> -> memref<16x1024xf32, #tpu.memory_space<vmem>>
    tpu.wait_dma2 semaphore(%arg8 : memref<!tpu.dma_semaphore, #tpu.memory_space<semaphore_mem>>) src(%dma_wait3A_133 : memref<16x1024xf32, #tpu.memory_space<vmem>>) dst(%dma_wait3A_130 : memref<16x1024xf32, #tpu.memory_space<hbm>>)
    %dma_wait3A_134 = arith.constant 0 : i32
    %dma_wait3A_135 = arith.constant 3072 : i32
    %dma_wait3A_136 = tpu.memref_slice %arg7[%dma_wait3A_134, %dma_wait3A_135] : memref<16x4096xf32, #tpu.memory_space<vmem>> -> memref<16x1024xf32, #tpu.memory_space<vmem>>
    %dma_wait3A_137 = arith.constant 3072 : i32
    %dma_wait3A_138 = tpu.memref_slice %arg4[%select_n3A, %mul3A_86, %dma_wait3A_137] : memref<8x64x4096xf32, #tpu.memory_space<hbm>> -> memref<1x16x1024xf32, #tpu.memory_space<hbm>>
    %dma_wait3A_139 = tpu.memref_squeeze %dma_wait3A_138 : memref<1x16x1024xf32, #tpu.memory_space<hbm>> -> memref<16x1024xf32, #tpu.memory_space<hbm>>
    %dma_wait3A_140 = arith.constant 3072 : i32
    %dma_wait3A_141 = tpu.memref_slice %arg4[%select_n3A, %mul3A_86, %dma_wait3A_140] : memref<8x64x4096xf32, #tpu.memory_space<hbm>> -> memref<1x16x1024xf32, #tpu.memory_space<hbm>>
    %dma_wait3A_142 = tpu.memref_squeeze %dma_wait3A_141 : memref<1x16x1024xf32, #tpu.memory_space<hbm>> -> memref<16x1024xf32, #tpu.memory_space<hbm>>
    %dma_wait3A_143 = arith.constant 0 : i32
    %dma_wait3A_144 = arith.constant 3072 : i32
    %dma_wait3A_145 = tpu.memref_slice %arg7[%dma_wait3A_143, %dma_wait3A_144] : memref<16x4096xf32, #tpu.memory_space<vmem>> -> memref<16x1024xf32, #tpu.memory_space<vmem>>
    tpu.wait_dma2 semaphore(%arg8 : memref<!tpu.dma_semaphore, #tpu.memory_space<semaphore_mem>>) src(%dma_wait3A_145 : memref<16x1024xf32, #tpu.memory_space<vmem>>) dst(%dma_wait3A_142 : memref<16x1024xf32, #tpu.memory_space<hbm>>)
    return
  }
}

module attributes {stable_mosaic.version = 14 : i64} {
  func.func @_transpose_w(%arg0: memref<1024x64xf32, #tpu.memory_space<vmem>>, %arg1: memref<64x1024xf32, #tpu.memory_space<vmem>>) attributes {dimension_semantics = [], scalar_prefetch = 0 : i64, scratch_operands = 0 : i64, tpu.core_type = #tpu.core_type<tc>} {
    %get3A = arith.constant 0 : index
    %get3A_0 = arith.constant 0 : index
    %get3A_1 = vector.load %arg0[%get3A, %get3A_0] : memref<1024x64xf32, #tpu.memory_space<vmem>>, vector<1024x64xf32>
    %transpose3A = tpu.transpose %get3A_1, [1, 0] : vector<1024x64xf32> -> vector<64x1024xf32>
    %swap3A = arith.constant 0 : index
    %swap3A_2 = arith.constant 0 : index
    %swap3A_3 = vector.load %arg1[%swap3A, %swap3A_2] : memref<64x1024xf32, #tpu.memory_space<vmem>>, vector<64x1024xf32>
    tpu.vector_store %arg1[%swap3A, %swap3A_2], %transpose3A {strides = array<i32>} : memref<64x1024xf32, #tpu.memory_space<vmem>>, vector<64x1024xf32>,
    return
  }
}

module attributes {stable_mosaic.version = 14 : i64} {
  func.func @_vq_idx_block(%arg0: i32, %arg1: i32, %arg2: memref<1x64x4096xf32, #tpu.memory_space<vmem>>, %arg3: memref<1024x64xf32, #tpu.memory_space<vmem>>, %arg4: memref<1x1x4096xi32, #tpu.memory_space<vmem>>) attributes {dimension_semantics = [#tpu.dimension_semantics<arbitrary>, #tpu.dimension_semantics<arbitrary>], iteration_bounds = array<i64: 8, 1>, scalar_prefetch = 0 : i64, scratch_operands = 0 : i64, tpu.core_type = #tpu.core_type<tc>, window_params = [{transform_indices = @transform_0, window_bounds = array<i64: 1, 64, 4096>}, {pipeline_mode = #tpu.pipeline_mode<synchronous>, transform_indices = @transform_1, window_bounds = array<i64: 1024, 64>}, {transform_indices = @transform_2, window_bounds = array<i64: 1, 1, 4096>}]} {
    %get3A = arith.constant 0 : index
    %get3A_0 = arith.constant 0 : index
    %get3A_1 = arith.constant 0 : index
    %get3A_2 = vector.load %arg2[%get3A, %get3A_0, %get3A_1] : memref<1x64x4096xf32, #tpu.memory_space<vmem>>, vector<1x64x4096xf32>
    %get3A_3 = vector.shape_cast %get3A_2 : vector<1x64x4096xf32> to vector<64x4096xf32>
    %get3A_4 = arith.constant 0 : index
    %get3A_5 = arith.constant 0 : index
    %get3A_6 = vector.load %arg3[%get3A_4, %get3A_5] : memref<1024x64xf32, #tpu.memory_space<vmem>>, vector<1024x64xf32>
    %dot_general3A = arith.constant dense<0.000000e+00> : vector<1024x4096xf32>
    %dot_general3A_7 = tpu.matmul %get3A_6, %get3A_3, %dot_general3A {dimension_numbers = #tpu.dot_dimension_numbers<[1], [0], [0], [1], [0, 0, 1, 1], [], []>, transpose_lhs_hint = false} : vector<1024x64xf32>, vector<64x4096xf32>, vector<1024x4096xf32> -> vector<1024x4096xf32>
    %mul3A = arith.mulf %get3A_6, %get3A_6 : vector<1024x64xf32>
    %reduce_sum3A = arith.constant dense<0.000000e+00> : vector<1024xf32>
    %reduce_sum3A_8 = vector.multi_reduction <add>, %mul3A, %reduce_sum3A [1] : vector<1024x64xf32> to vector<1024xf32>
    %broadcast_in_dim3A = vector.shape_cast %reduce_sum3A_8 : vector<1024xf32> to vector<1024x1xf32>
    %mul3A_9 = arith.constant 5.000000e-01 : f32
    %mul3A_10 = vector.broadcast %mul3A_9 : f32 to vector<1024x1xf32>
    %mul3A_11 = arith.mulf %mul3A_10, %broadcast_in_dim3A : vector<1024x1xf32>
    %sub3A = vector.broadcast %mul3A_11 : vector<1024x1xf32> to vector<1024x4096xf32>
    %sub3A_12 = arith.subf %sub3A, %dot_general3A_7 : vector<1024x4096xf32>
    %argmin3A = tpu.reduce_index %sub3A_12 {axis = 0 : i32, kind = #tpu.reduction_kind<arg_min>} : vector<1024x4096xf32> -> vector<4096xi32>
    %swap3A = arith.constant 0 : index
    %swap3A_13 = arith.constant 0 : index
    %swap3A_14 = arith.constant 0 : index
    %swap3A_15 = vector.load %arg4[%swap3A, %swap3A_13, %swap3A_14] : memref<1x1x4096xi32, #tpu.memory_space<vmem>>, vector<1x1x4096xi32>
    %swap3A_16 = vector.shape_cast %swap3A_15 : vector<1x1x4096xi32> to vector<4096xi32>
    %swap3A_17 = vector.shape_cast %argmin3A : vector<4096xi32> to vector<1x1x4096xi32>
    tpu.vector_store %arg4[%swap3A, %swap3A_13, %swap3A_14], %swap3A_17 {strides = array<i32>} : memref<1x1x4096xi32, #tpu.memory_space<vmem>>, vector<1x1x4096xi32>,
    return
  }
  func.func @transform_0(%arg0: i32, %arg1: i32) -> (i32, i32, i32) {
    %c0_i32 = arith.constant 0 : i32
    %c0_i32_0 = arith.constant 0 : i32
    return %arg0, %c0_i32, %arg1 : i32, i32, i32
  }
  func.func @transform_1(%arg0: i32, %arg1: i32) -> (i32, i32) {
    %c0_i32 = arith.constant 0 : i32
    %c0_i32_0 = arith.constant 0 : i32
    %c0_i32_1 = arith.constant 0 : i32
    return %c0_i32, %c0_i32_0 : i32, i32
  }
  func.func @transform_2(%arg0: i32, %arg1: i32) -> (i32, i32, i32) {
    %mul3A = arith.constant 1 : i32
    %mul3A_0 = arith.muli %arg0, %mul3A : i32
    %add3A = arith.addi %mul3A_0, %arg1 : i32
    %c0_i32 = arith.constant 0 : i32
    %c0_i32_1 = arith.constant 0 : i32
    %c0_i32_2 = arith.constant 0 : i32
    return %add3A, %c0_i32, %c0_i32_1 : i32, i32, i32
  }
}

</mosaic_0001>

<sc_bundles>
// kernel: kernel.5.cloned.1.call-start
scs
__scs_entry_jumppad:
0x0: {  	(pc) =	sbr.rel $0x88, $3  }
0x1: {  	(tag) =	ssettag $0x0;
	lr =	simm.s32 $0x1  }
0x2: {  	[smem:$0x3F9F] =	sst lr;
	_ =	strace $0xD0000000  }
0x3: {  	_ = 	snop  }
0x4: {  	_ = 	snop  }
0x5: {  	_ = 	snop  }
0x6: {  	_ = 	snop  }
0x7: {  	_ = 	snop  }
__scs_overlays_trampoline_lowered:
0x8: {  	[smem:$0x3FAE] =	sst s0  }
0x9: {  	[smem:$0x3FAF] =	sst s1  }
0xa: {  	[smem:$0x3FB0] =	sst s2  }
0xb: {  	[smem:$0x3FB1] =	sst s3  }
0xc: {  	[smem:$0x3FB2] =	sst s4  }
0xd: {  	[smem:$0x3FB3] =	sst s5  }
0xe: {  	[smem:$0x3FB4] =	sst s6  }
0xf: {  	[smem:$0x3FB5] =	sst s7  }
0x10: {  	[smem:$0x3FB6] =	sst s8  }
0x11: {  	[smem:$0x3FB7] =	sst s9;
	s0 =	simm.s32 @!p0 $0x0  }
0x12: {  	s1 =	sld [smem:$0x3F9D];
	s0 =	simm.s32 @p0 $0x1  }
0x13: {  	[smem:$0x3FB8] =	sst s0;
	s0 =	simm.s32 @!p1 $0x0  }
0x14: {  	s2 =	sld [smem:$0x3F9C];
	s0 =	simm.s32 @p1 $0x1  }
0x15: {  	[smem:$0x3FB9] =	sst s0;
	s0 =	simm.s32 @!p2 $0x0  }
0x16: {  	s3 =	sld [smem:$0x3FDB];
	s0 =	simm.s32 @p2 $0x1  }
0x17: {  	s4 =	simm.s32 $0x1BF5;
	[smem:$0x3FBB] =	sst s0  }
0x18: {  	s0 =	sld [smem:$0x3F9E];
	_ =	swait.ge [sflag:s4], $0x0  }
0x19: {  	s7 =	sld [smem:$0x3F9F]  }
0x1a: {  	s8 =	sadd.s32 $0xFFFFE003, lr  }
0x1b: {  	s9 =	sadd.s32 $0xFFFFFEF7, lr;
	s5 =	simm.s32 $0xFFFFFFFF;
	p2 =	slt.u32 s8, $0xFFFFF086  }
0x1c: {  	p1 =	slt.u32 s9, $0xF7A;
	s5 =	simm.s32 @!p2 $0x0  }
0x1d: {  	s5 =	simm.s32 @p1 $0x1;
	p0 =	seq.s32 s7, s2  }
0x1e: {  	s7 =	smul.u32 @!p0 $0xF7A, s2;
	p2 =	seq.s32 @!p0 s5, $0x0  }
0x1f: {  	s9 =	smul.u32 $0xF7A, s1;
	s8 =	simm.s32 @!p0 $0x1BF5;
	p2 =	por !p2, p0  }
0x20: {  	[sflag:s8] =	ssyncset.s32 @!p0 $0xFFFFF086;
	s6 =	sadd.s32 @!p0 s3, s7;
	s7 =	simm.s32 @!p0 $0x108  }
0x21: {  	s3 =	sadd.s32 s3, s9;
	s6 =	sadd.s32 @!p0 $0x88, s6;
	s7 =	simm.s32 @p2 $0x1082  }
0x22: {  	[simem:s7], [sflag:s8] =	dma.local @!p0 [hbm:s6], $0xF7A  }
0x23: {  	s9 =	sor.u32 $0xD0000000, s2;
	s6 =	simm.s32 $0x108;
	_ =	swait.ge @!p0 [sflag:s8], $0x0  }
0x24: {  	s3 =	sadd.s32 $0x88, s3;
	s6 =	simm.s32 @!p1 $0x1082;
	[sflag:s4] =	ssyncset.s32 $0xFFFFF086  }
0x25: {  	[simem:s6], [sflag:s4] =	dma.local [hbm:s3], $0xF7A  }
0x26: {  	[smem:$0x3F9F] =	sst s1;
	(tag) =	ssettag s2;
	_ =	strace s9  }
0x27: {  	s1 =	sld [smem:$0x3FAF]  }
0x28: {  	s2 =	sld [smem:$0x3FB0]  }
0x29: {  	s4 =	sld [smem:$0x3FB2]  }
0x2a: {  	p0 =	seq.s32 s5, $0x0;
	s5 =	sld [smem:$0x3FB3]  }
0x2b: {  	s6 =	sld [smem:$0x3FB4]  }
0x2c: {  	s7 =	sld [smem:$0x3FB5]  }
0x2d: {  	s3 =	simm.s32 $0x108;
	s8 =	sld [smem:$0x3FB6]  }
0x2e: {  	s3 =	simm.s32 @!p0 $0x1082;
	s9 =	sld [smem:$0x3FB7]  }
0x2f: {  	lr =	sadd.s32 s0, s3;
	s0 =	sld [smem:$0x3FAE]  }
0x30: {  	s3 =	sld [smem:$0x3FB1]  }
0x31: {  	[smem:$0x3FBA] =	sst s10  }
0x32: {  	s10 =	sld [smem:$0x3FB8];
	_ =	sdelay $0x3  }
0x33: {  	p0 =	seq.s32 s10, $0x1;
	s10 =	sld [smem:$0x3FBA];
	_ =	sdelay $0x3  }
0x34: {  	[smem:$0x3FBA] =	sst s10  }
0x35: {  	s10 =	sld [smem:$0x3FB9];
	_ =	sdelay $0x3  }
0x36: {  	p1 =	seq.s32 s10, $0x1;
	s10 =	sld [smem:$0x3FBA];
	_ =	sdelay $0x3  }
0x37: {  	[smem:$0x3FBA] =	sst s10  }
0x38: {  	s10 =	sld [smem:$0x3FBB]  }
0x39: {  	_ = 	snop;
	(pc) =	sbr.ind lr, $3  }
0x3a: {  	_ = 	snop  }
0x3b: {  	_ = 	snop  }
0x3c: {  	p2 =	seq.s32 s10, $0x1;
	s10 =	sld [smem:$0x3FBA]  }
0x3d: {  	_ =	shalt  }
0x3e: {  	_ =	shalt  }
0x3f: {  	_ =	shalt  }
0x40: {  	_ =	shalt  }
0x41: {  	_ =	shalt  }
0x42: {  	_ =	shalt  }
0x43: {  	_ =	shalt  }
0x44: {  	_ =	shalt  }
0x45: {  	_ =	shalt  }
0x46: {  	_ =	shalt  }
0x47: {  	_ =	shalt  }
0x48: {  	_ =	shalt  }
0x49: {  	_ =	shalt  }
0x4a: {  	_ =	shalt  }
0x4b: {  	_ =	shalt  }
0x4c: {  	_ =	shalt  }
0x4d: {  	_ =	shalt  }
0x4e: {  	_ =	shalt  }
0x4f: {  	_ =	shalt  }
0x50: {  	_ =	shalt  }
0x51: {  	_ =	shalt  }
0x52: {  	_ =	shalt  }
0x53: {  	_ =	shalt  }
0x54: {  	_ =	shalt  }
0x55: {  	_ =	shalt  }
0x56: {  	_ =	shalt  }
0x57: {  	_ =	shalt  }
0x58: {  	_ =	shalt  }
0x59: {  	_ =	shalt  }
0x5a: {  	_ =	shalt  }
0x5b: {  	_ =	shalt  }
0x5c: {  	_ =	shalt  }
0x5d: {  	_ =	shalt  }
0x5e: {  	_ =	shalt  }
0x5f: {  	_ =	shalt  }
0x60: {  	_ =	shalt  }
0x61: {  	_ =	shalt  }
0x62: {  	_ =	shalt  }
0x63: {  	_ =	shalt  }
0x64: {  	_ =	shalt  }
0x65: {  	_ =	shalt  }
0x66: {  	_ =	shalt  }
0x67: {  	_ =	shalt  }
0x68: {  	_ =	shalt  }
0x69: {  	_ =	shalt  }
0x6a: {  	_ =	shalt  }
0x6b: {  	_ =	shalt  }
0x6c: {  	_ =	shalt  }
0x6d: {  	_ =	shalt  }
0x6e: {  	_ =	shalt  }
0x6f: {  	_ =	shalt  }
0x70: {  	_ =	shalt  }
0x71: {  	_ =	shalt  }
0x72: {  	_ =	shalt  }
0x73: {  	_ =	shalt  }
0x74: {  	_ =	shalt  }
0x75: {  	_ =	shalt  }
0x76: {  	_ =	shalt  }
0x77: {  	_ =	shalt  }
0x78: {  	_ =	shalt  }
0x79: {  	_ =	shalt  }
0x7a: {  	_ =	shalt  }
0x7b: {  	_ =	shalt  }
0x7c: {  	_ =	shalt  }
0x7d: {  	_ =	shalt  }
0x7e: {  	_ =	shalt  }
0x7f: {  	_ =	shalt  }
0x80: {  	_ =	shalt  }
0x81: {  	_ =	shalt  }
0x82: {  	_ =	shalt  }
0x83: {  	_ =	shalt  }
0x84: {  	_ =	shalt  }
0x85: {  	_ =	shalt  }
0x86: {  	_ =	shalt  }
0x87: {  	_ =	shalt  }
.Lfunc_end0:
.L_simem_size_0:
called_computation_lowered:
.L_overlay_start_0:
0x88: {  	s2 =	sld [smem:$0x3FD9]  }
0x89: {  	s3 =	sld [smem:$0x3FFE];
	_ =	sdelay $0x1  }
0x8a: {  	s1 =	srdreg.scid  }
0x8b: {  	s0 =	sand.u32 $0x1, s1  }
0x8c: {  	s14 =	sshll.u32 s0, $0xA;
	s2 =	sadd.s32 s3, s2  }
0x8d: {  	s2 =	sadd.s32 s2, s14  }
0x8e: {  	[smem:$0x3FC6] =	sst s2  }
0x8f: {  	_ = 	snop  }
0x90: {  	s2 =	sld [smem:$0x3FD0];
	_ =	sdelay $0x2  }
0x91: {  	s15 =	simm.s32 $0xA;
	s4 =	simm.s32 $0x10  }
0x92: {  	[smem:s4], [sflag:s15] =	dma.local [hbm:s2], $0x1  }
0x93: {  	_ =	swait.eq [sflag:s15], $0x1  }
0x94: {  	[sflag:s15] =	ssyncset.done $0x0  }
0x95: {  	[sflag:s15] =	ssyncadd.s32 $0xFFFFFFFF  }
0x96: {  	s16 =	sld [smem:$0x10];
	(tm) =	ssettm $0x1  }
0x97: {  	s17 =	sld [smem:$0x3FFB];
	_ =	sdelay $0x3  }
0x98: {  	_ =	strace s17  }
0x99: {  	s3 =	sld [smem:$0x3FFC];
	_ =	sdelay $0x3  }
0x9a: {  	_ =	strace s3  }
0x9b: {  	s3 =	sld [smem:$0x3FFD];
	_ =	sdelay $0x3  }
0x9c: {  	_ =	strace s3  }
0x9d: {  	_ =	strace $0x8FFFFFFF  }
0x9e: {  	s18 =	sld [smem:$0x3FDB];
	_ =	sdelay $0x1  }
0x9f: {  	s19 =	simm.s32 $_scs_section_size  }
0xa0: {  	s5 =	simm.s32 $_size__tile_overlayer_lowered;
	s6 =	simm.s32 $_tile_overlayer_lowered  }
0xa1: {  	s22 =	simm.s32 $0x1BFF;
	s21 =	sshll.u32 s6, $0x1;
	s3 =	sadd.s32 s19, s18  }
0xa2: {  	s7 =	simm.s32 $0x0;
	s20 =	sshll.u32 s5, $0x1;
	s5 =	sadd.s32 s21, s3  }
0xa3: {  	[timem:s7], [sflag:s22] =	dma.local [hbm:s5], s20  }
0xa4: {  	_ =	swait.ge [sflag:s22], s20  }
0xa5: {  	s4 =	ssub.s32 $0x0, s20;
	[sflag:s22] =	ssyncset.done $0x0  }
0xa6: {  	[sflag:s22] =	ssyncadd.s32 s4;
	_ =	sdelay $0x1  }
0xa7: {  	s23 =	simm.s32 $0x1B8B  }
0xa8: {  	_ =	swait.ge [sflag:s23], $0x1  }
0xa9: {  	[sflag:s23] =	ssyncset.done $0x0  }
0xaa: {  	s25 =	simm.s32 $0x1B8E;
	s24 =	sld [smem:$0x3FFE];
	[sflag:s23] =	ssyncadd.s32 $0xFFFFFFFF  }
0xab: {  	s26 =	simm.s32 $execute0_lowered;
	[smem:$0x3FD2] =	sst s25  }
0xac: {  	s5 =	sshll.u32 s26, $0x1;
	_ =	strace $0x80000046;
	[dreg:$0x1] =	wrdreg $0xFFFFFFFF  }
0xad: {  	s28 =	simm.s32 $_size_execute0_lowered;
	s3 =	sadd.s32 s3, s5;
	[dreg:$0x0] =	wrdreg $0x0  }
0xae: {  	s5 =	sshll.u32 s28, $0x1;
	[dreg:$0x2] =	wrdreg s3  }
0xaf: {  	[dreg:$0x3] =	wrdreg s5  }
0xb0: {  	[dreg:$0x4] =	wrdreg $0xC0  }
0xb1: {  	_ =	task [dreg:s7], $0x5FFFF  }
0xb2: {  	[dreg:$0x1] =	wrdreg $0xFFFFFFFF  }
0xb3: {  	[dreg:$0x0] =	wrdreg $0x60  }
0xb4: {  	[dreg:$0x2] =	wrdreg s24  }
0xb5: {  	[dreg:$0x3] =	wrdreg s16  }
0xb6: {  	[dreg:$0x4] =	wrdreg $0x9  }
0xb7: {  	_ =	task.clear_ibuf [dreg:s7], $0x5FFFF;
	_ =	strace $0x90000046  }
0xb8: {  	s29 =	simm.s32 $0x9;
	_ =	strace $0x80000048  }
0xb9: {  	_ =	swait.ge [sflag:s29], $0x1  }
0xba: {  	[sflag:s29] =	ssyncadd.s32 $0xFFFFFFFF  }
0xbb: {  	_ =	strace $0x90000048  }
0xbc: {  	_ =	sfence  }
0xbd: {  	s30 =	sld [smem:$0x0];
	_ =	sdelay $0x2  }
0xbe: {  	s31 =	sshll.u32 s1, $0xD;
	s1 =	sshrl.u32 s1, $0x2  }
0xbf: {  	s3 =	sand.u32 $0x4000, s31;
	s1 =	sadd.s32 s1, s30  }
0xc0: {  	s0 =	sor.u32 s3, s0;
	s1 =	sshll.u32 s1, $0x11  }
0xc1: {  	s0 =	sor.u32 s1, s0  }
0xc2: {  	s0 =	sadd.s32 $0x8F2B, s0  }
0xc3: {  	[sflag:s0] =	ssyncadd.remote.s32 $0x1  }
0xc4: {  	_ =	sfence.sel $0xFFFF  }
0xc5: {  	[dreg:$0x0] =	wrdreg $0xFFFFFFFF;
	(pc) =	sbr.abs _section_cstart, $3  }
0xc6: {  	[dreg:$0x1] =	wrdreg $0xFFFFFFFF  }
0xc7: {  	_ =	task.clear_ibuf [dreg:s7], $0x2FFFF;
	_ =	strace $0x9FFFFFFF  }
0xc8: {  	(tm) =	ssettm $0x7FFFFFFF  }
0xc9: {  	_ =	shalt  }
tec
execute0_lowered:
.L_overlay_start_1:
0x0: {  	(tag) =	ssettag $0x1  }
0x1: {  	s0 =	stileid.u32;
	s3 =	rddreg [dreg:$0x0]  }
0x2: {  	s1 =	srdreg.scid;
	s4 =	rddreg [dreg:$0x1]  }
0x3: {  	s11 =	simm.s32 $0x4000;
	s12 =	simm.s32 $0x5000;
	s14 =	simm.s32 $0xD000  }
0x4: {  	s15 =	simm.s32 $0x7000;
	s16 =	simm.s32 $0xF000;
	s17 =	simm.s32 $0x9000  }
0x5: {  	s18 =	simm.s32 $0x11000;
	s19 =	simm.s32 $0xB000;
	s20 =	simm.s32 $0x13000  }
0x6: {  	s21 =	simm.s32 $0x1;
	s22 =	simm.s32 $0x0;
	s2 =	sshll.u32 s0, $0x1  }
0x7: {  	s5 =	sand.u32 $0x1, s1;
	s1 =	rddreg [dreg:$0x2];
	s8 =	sshrl.u32 s0, $0x1  }
0x8: {  	s6 =	sand.u32 $0x2, s2;
	s2 =	simm.s32 $0x0;
	s9 =	sshll.u32 s8, $0x9  }
0x9: {  	s8 =	sshll.u32 s8, $0xF;
	s6 =	sor.u32 s5, s6;
	[smem:$0x7FF] =	sst s2  }
0xa: {  	s5 =	ssub.s32 $0x2, s5;
	s9 =	sadd.s32 s9, s3;
	s7 =	sshll.u32 s6, $0xB  }
0xb: {  	_ =	strace $0x80000047;
	s6 =	sshll.u32 s6, $0xD;
	s31 =	sshrl.u32 s5, $0x1  }
0xc: {  	s7 =	sadd.s32 s7, s3;
	s6 =	sor.u32 s8, s6;
	s10 =	ssub.s32 s5, s31  }
0xd: {  	s5 =	sadd.s32 $0x2C00, s9;
	s3 =	sadd.s32 $0xC00, s7;
	s4 =	sadd.s32 s4, s6  }
0xe: {  	s9 =	smax.u32 s10, $0x1;
	s10 =	simm.s32 $0x2;
	s6 =	sadd.s32 $0x400, s4  }
0xf: {  	s7 =	sadd.s32 $0x800, s4;
	s8 =	sadd.s32 $0xC00, s4;
	s13 =	sadd.s32 $0x1000, s4  }
.LBB2_1:
0x10: {  	[tilespmem:s2], [sflag:$0x2] =	stream.linear.gather [hbm4b:s3+s2], $0x4000, $0x38;
	[tilespmem:$0x15000] =	vst v63  }
0x11: {  	_ =	swait.ge [sflag:s10], $0x4000  }
0x12: {  	[sflag:s10] =	ssyncset.done $0x0  }
0x13: {  	[sflag:s10] =	ssyncadd.s32 $0xFFFFC000  }
0x14: {  	[tilespmem:s11], [sflag:$0x2] =	stream.linear.gather [hbm4b:s5+s2], $0x1000, $0x38;
	[tilespmem:$0x15000] =	vst v63  }
0x15: {  	_ =	swait.ge [sflag:s10], $0x1000  }
0x16: {  	[sflag:s10] =	ssyncset.done $0x0  }
0x17: {  	s23 =	simm.s32 $0x4040;
	[sflag:s10] =	ssyncadd.s32 $0xFFFFF000  }
0x18: {  	v0 =	vld [tilespmem:s23+$0x30];
	_ =	sdelay $0x2  }
0x19: {  	v1 =	vld [tilespmem:s23+$0xFFFFFFD0]  }
0x1a: {  	v3 =	vld [tilespmem:s23+$0xFFFFFFE0]  }
0x1b: {  	v5 =	vld [tilespmem:s23+$0xFFFFFFC0];
	v2 =	vshll.u32 v0, $0x3  }
0x1c: {  	v0 =	vand.u32 $0x7F, v0;
	v2 =	vand.u32 $0xFFFFFC00, v2  }
0x1d: {  	v4 =	vor.u32 v0, v2  }
0x1e: {  	v2 =	vld [tilespmem:s23+$0xFFFFFFF0]  }
0x1f: {  	v7 =	vld [tilespmem:s23+$0x10];
	v8 =	vshll.u32 v3, $0x3;
	v9 =	vand.u32 $0x7F, v1  }
0x20: {  	v6 =	vld [tilespmem:s23+$0x0];
	v3 =	vand.u32 $0x7F, v3;
	v0 =	vshll.u32 v1, $0x3;
	v1 =	vshll.u32 v5, $0x3  }
0x21: {  	v8 =	vand.u32 $0xFFFFFC00, v8;
	v5 =	vand.u32 $0x7F, v5;
	v1 =	vand.u32 $0xFFFFFC00, v1  }
0x22: {  	v0 =	vand.u32 $0xFFFFFC00, v0;
	v11 =	vor.u32 $0x80, v4;
	v1 =	vor.u32 v5, v1;
	v10 =	vld.idx.msk [tilespmem:v4+s2+$0x0], $0xffff  }
0x23: {  	v12 =	vld [tilespmem:s23+$0x20];
	v0 =	vor.u32 v9, v0;
	v13 =	vshll.u32 v2, $0x3;
	v9 =	vand.u32 $0x7F, v2  }
0x24: {  	v2 =	vor.u32 v3, v8;
	v8 =	vshll.u32 v7, $0x3;
	v7 =	vand.u32 $0x7F, v7  }
0x25: {  	v5 =	vand.u32 $0xFFFFFC00, v13;
	v13 =	vshll.u32 v6, $0x3;
	v6 =	vand.u32 $0x7F, v6  }
0x26: {  	v13 =	vand.u32 $0xFFFFFC00, v13;
	v3 =	vor.u32 v9, v5;
	v5 =	vand.u32 $0xFFFFFC00, v8  }
0x27: {  	v6 =	vor.u32 v6, v13;
	v7 =	vor.u32 v7, v5;
	v5 =	vld.idx.msk [tilespmem:v1+s2+$0x0], $0xffff;
	[tilespmem:s12+$0x70] =	vst v10  }
0x28: {  	v9 =	vshll.u32 v12, $0x3;
	v8 =	vld.idx.msk [tilespmem:v11+s2+$0x0], $0xffff  }
0x29: {  	v9 =	vand.u32 $0xFFFFFC00, v9;
	v13 =	vor.u32 $0x80, v1;
	v10 =	vand.u32 $0x7F, v12;
	v11 =	vld.idx.msk [tilespmem:v0+s2+$0x0], $0xffff  }
0x2a: {  	v9 =	vor.u32 v10, v9;
	v10 =	vld.idx.msk [tilespmem:v2+s2+$0x0], $0xffff  }
0x2b: {  	v12 =	vor.u32 $0x100, v4;
	v14 =	vld.idx.msk [tilespmem:v3+s2+$0x0], $0xffff  }
0x2c: {  	v16 =	vld.idx.msk [tilespmem:v6+s2+$0x0], $0xffff  }
0x2d: {  	v15 =	vor.u32 $0x80, v0;
	v18 =	vld.idx.msk [tilespmem:v7+s2+$0x0], $0xffff;
	[tilespmem:s12+$0x0] =	vst v5  }
0x2e: {  	v17 =	vor.u32 $0x80, v2;
	v13 =	vld.idx.msk [tilespmem:v13+s2+$0x0], $0xffff;
	[tilespmem:s12+$0xF0] =	vst v8  }
0x2f: {  	v8 =	vor.u32 $0x80, v3;
	[tilespmem:s12+$0x10] =	vst v11;
	v11 =	vld.idx.msk [tilespmem:v9+s2+$0x0], $0xffff  }
0x30: {  	[tilespmem:s12+$0x20] =	vst v10;
	v5 =	vld.idx.msk [tilespmem:v12+s2+$0x0], $0xffff;
	v12 =	vor.u32 $0x80, v6  }
0x31: {  	[tilespmem:s12+$0x30] =	vst v14;
	v14 =	vor.u32 $0x80, v7  }
0x32: {  	v10 =	vor.u32 $0x180, v4;
	v15 =	vld.idx.msk [tilespmem:v15+s2+$0x0], $0xffff;
	[tilespmem:s12+$0x40] =	vst v16  }
0x33: {  	v17 =	vld.idx.msk [tilespmem:v17+s2+$0x0], $0xffff;
	v16 =	vor.u32 $0x80, v9;
	[tilespmem:s12+$0x50] =	vst v18  }
0x34: {  	v18 =	vor.u32 $0x100, v1;
	[tilespmem:s12+$0x80] =	vst v13;
	v8 =	vld.idx.msk [tilespmem:v8+s2+$0x0], $0xffff  }
0x35: {  	[tilespmem:s12+$0x60] =	vst v11;
	v11 =	vor.u32 $0x100, v2;
	v12 =	vld.idx.msk [tilespmem:v12+s2+$0x0], $0xffff  }
0x36: {  	[tilespmem:s12+$0x170] =	vst v5;
	v5 =	vor.u32 $0x100, v0;
	v14 =	vld.idx.msk [tilespmem:v14+s2+$0x0], $0xffff  }
0x37: {  	v13 =	vor.u32 $0x100, v3;
	[tilespmem:s12+$0x90] =	vst v15;
	v10 =	vld.idx.msk [tilespmem:v10+s2+$0x0], $0xffff  }
0x38: {  	[tilespmem:s12+$0xA0] =	vst v17;
	v17 =	vor.u32 $0x100, v6;
	v15 =	vld.idx.msk [tilespmem:v16+s2+$0x0], $0xffff  }
0x39: {  	v16 =	vor.u32 $0x200, v4;
	v18 =	vld.idx.msk [tilespmem:v18+s2+$0x0], $0xffff  }
0x3a: {  	[tilespmem:s12+$0xB0] =	vst v8;
	v8 =	vor.u32 $0x100, v7;
	v11 =	vld.idx.msk [tilespmem:v11+s2+$0x0], $0xffff  }
0x3b: {  	v5 =	vld.idx.msk [tilespmem:v5+s2+$0x0], $0xffff;
	[tilespmem:s12+$0xC0] =	vst v12;
	v12 =	vor.u32 $0x100, v9  }
0x3c: {  	v13 =	vld.idx.msk [tilespmem:v13+s2+$0x0], $0xffff;
	[tilespmem:s12+$0x1F0] =	vst v10;
	v10 =	vor.u32 $0x180, v1  }
0x3d: {  	[tilespmem:s12+$0xD0] =	vst v14;
	v14 =	vor.u32 $0x180, v0;
	v17 =	vld.idx.msk [tilespmem:v17+s2+$0x0], $0xffff  }
0x3e: {  	[tilespmem:s12+$0xE0] =	vst v15;
	v15 =	vor.u32 $0x180, v2;
	v16 =	vld.idx.msk [tilespmem:v16+s2+$0x0], $0xffff  }
0x3f: {  	[tilespmem:s12+$0x100] =	vst v18;
	v18 =	vor.u32 $0x280, v4;
	v8 =	vld.idx.msk [tilespmem:v8+s2+$0x0], $0xffff  }
0x40: {  	[tilespmem:s12+$0x120] =	vst v11;
	v11 =	vor.u32 $0x180, v6;
	v12 =	vld.idx.msk [tilespmem:v12+s2+$0x0], $0xffff  }
0x41: {  	[tilespmem:s12+$0x110] =	vst v5;
	v5 =	vor.u32 $0x180, v3;
	v10 =	vld.idx.msk [tilespmem:v10+s2+$0x0], $0xffff  }
0x42: {  	[tilespmem:s12+$0x130] =	vst v13;
	v13 =	vor.u32 $0x180, v7;
	v14 =	vld.idx.msk [tilespmem:v14+s2+$0x0], $0xffff  }
0x43: {  	v15 =	vld.idx.msk [tilespmem:v15+s2+$0x0], $0xffff;
	[tilespmem:s12+$0x270] =	vst v16;
	v16 =	vor.u32 $0x180, v9  }
0x44: {  	[tilespmem:s12+$0x140] =	vst v17;
	v17 =	vor.u32 $0x200, v1;
	v18 =	vld.idx.msk [tilespmem:v18+s2+$0x0], $0xffff  }
0x45: {  	[tilespmem:s12+$0x150] =	vst v8;
	v8 =	vor.u32 $0x200, v0;
	v11 =	vld.idx.msk [tilespmem:v11+s2+$0x0], $0xffff  }
0x46: {  	v5 =	vld.idx.msk [tilespmem:v5+s2+$0x0], $0xffff;
	[tilespmem:s12+$0x160] =	vst v12;
	v12 =	vor.u32 $0x300, v4  }
0x47: {  	v13 =	vld.idx.msk [tilespmem:v13+s2+$0x0], $0xffff;
	[tilespmem:s12+$0x180] =	vst v10;
	v10 =	vor.u32 $0x200, v2  }
0x48: {  	[tilespmem:s12+$0x190] =	vst v14;
	v14 =	vor.u32 $0x200, v3;
	v16 =	vld.idx.msk [tilespmem:v16+s2+$0x0], $0xffff  }
0x49: {  	[tilespmem:s12+$0x1A0] =	vst v15;
	v15 =	vor.u32 $0x200, v6;
	v17 =	vld.idx.msk [tilespmem:v17+s2+$0x0], $0xffff  }
0x4a: {  	[tilespmem:s12+$0x2F0] =	vst v18;
	v18 =	vor.u32 $0x200, v7;
	v8 =	vld.idx.msk [tilespmem:v8+s2+$0x0], $0xffff  }
0x4b: {  	[tilespmem:s12+$0x1C0] =	vst v11;
	v11 =	vor.u32 $0x280, v1;
	v12 =	vld.idx.msk [tilespmem:v12+s2+$0x0], $0xffff  }
0x4c: {  	[tilespmem:s12+$0x1B0] =	vst v5;
	v5 =	vor.u32 $0x200, v9;
	v10 =	vld.idx.msk [tilespmem:v10+s2+$0x0], $0xffff  }
0x4d: {  	[tilespmem:s12+$0x1D0] =	vst v13;
	v13 =	vor.u32 $0x380, v4;
	v14 =	vld.idx.msk [tilespmem:v14+s2+$0x0], $0xffff  }
0x4e: {  	v15 =	vld.idx.msk [tilespmem:v15+s2+$0x0], $0xffff;
	[tilespmem:s12+$0x1E0] =	vst v16;
	v16 =	vor.u32 $0x280, v0  }
0x4f: {  	[tilespmem:s12+$0x200] =	vst v17;
	v17 =	vor.u32 $0x280, v2;
	v18 =	vld.idx.msk [tilespmem:v18+s2+$0x0], $0xffff  }
0x50: {  	[tilespmem:s12+$0x210] =	vst v8;
	v8 =	vor.u32 $0x280, v3;
	v11 =	vld.idx.msk [tilespmem:v11+s2+$0x0], $0xffff  }
0x51: {  	v5 =	vld.idx.msk [tilespmem:v5+s2+$0x0], $0xffff;
	[tilespmem:s12+$0x370] =	vst v12;
	v12 =	vor.u32 $0x280, v6  }
0x52: {  	[tilespmem:s12+$0x220] =	vst v10;
	v10 =	vor.u32 $0x280, v7;
	v13 =	vld.idx.msk [tilespmem:v13+s2+$0x0], $0xffff  }
0x53: {  	[tilespmem:s12+$0x230] =	vst v14;
	v14 =	vor.u32 $0x280, v9;
	v16 =	vld.idx.msk [tilespmem:v16+s2+$0x0], $0xffff  }
0x54: {  	[tilespmem:s12+$0x240] =	vst v15;
	v15 =	vadd.s32 $0x2000, v4;
	v17 =	vld.idx.msk [tilespmem:v17+s2+$0x0], $0xffff  }
0x55: {  	[tilespmem:s12+$0x250] =	vst v18;
	v18 =	vor.u32 $0x300, v1;
	v8 =	vld.idx.msk [tilespmem:v8+s2+$0x0], $0xffff  }
0x56: {  	[tilespmem:s12+$0x280] =	vst v11;
	v11 =	vor.u32 $0x300, v2;
	v12 =	vld.idx.msk [tilespmem:v12+s2+$0x0], $0xffff  }
0x57: {  	[tilespmem:s12+$0x260] =	vst v5;
	v5 =	vor.u32 $0x300, v0;
	v10 =	vld.idx.msk [tilespmem:v10+s2+$0x0], $0xffff  }
0x58: {  	[tilespmem:s12+$0x3F0] =	vst v13;
	v13 =	vor.u32 $0x300, v3;
	v14 =	vld.idx.msk [tilespmem:v14+s2+$0x0], $0xffff  }
0x59: {  	[tilespmem:s12+$0x290] =	vst v16;
	v16 =	vor.u32 $0x300, v6;
	v15 =	vld.idx.msk [tilespmem:v15+s2+$0x0], $0xffff  }
0x5a: {  	[tilespmem:s12+$0x2A0] =	vst v17;
	v17 =	vor.u32 $0x300, v7;
	v18 =	vld.idx.msk [tilespmem:v18+s2+$0x0], $0xffff  }
0x5b: {  	[tilespmem:s12+$0x2B0] =	vst v8;
	v8 =	vadd.s32 $0x2080, v4;
	v11 =	vld.idx.msk [tilespmem:v11+s2+$0x0], $0xffff  }
0x5c: {  	v5 =	vld.idx.msk [tilespmem:v5+s2+$0x0], $0xffff;
	[tilespmem:s12+$0x2C0] =	vst v12;
	v12 =	vor.u32 $0x300, v9  }
0x5d: {  	[tilespmem:s12+$0x2D0] =	vst v10;
	v10 =	vor.u32 $0x380, v1;
	v13 =	vld.idx.msk [tilespmem:v13+s2+$0x0], $0xffff  }
0x5e: {  	[tilespmem:s12+$0x2E0] =	vst v14;
	v14 =	vor.u32 $0x380, v0;
	v16 =	vld.idx.msk [tilespmem:v16+s2+$0x0], $0xffff  }
0x5f: {  	[tilespmem:s12+$0x8070] =	vst v15;
	v15 =	vor.u32 $0x380, v2;
	v17 =	vld.idx.msk [tilespmem:v17+s2+$0x0], $0xffff  }
0x60: {  	[tilespmem:s12+$0x300] =	vst v18;
	v18 =	vor.u32 $0x380, v3;
	v8 =	vld.idx.msk [tilespmem:v8+s2+$0x0], $0xffff  }
0x61: {  	[tilespmem:s12+$0x310] =	vst v5;
	v5 =	vor.u32 $0x380, v6;
	v12 =	vld.idx.msk [tilespmem:v12+s2+$0x0], $0xffff  }
0x62: {  	[tilespmem:s12+$0x320] =	vst v11;
	v11 =	vadd.s32 $0x2100, v4;
	v10 =	vld.idx.msk [tilespmem:v10+s2+$0x0], $0xffff  }
0x63: {  	[tilespmem:s12+$0x330] =	vst v13;
	v13 =	vor.u32 $0x380, v7;
	v14 =	vld.idx.msk [tilespmem:v14+s2+$0x0], $0xffff  }
0x64: {  	[tilespmem:s12+$0x340] =	vst v16;
	v16 =	vor.u32 $0x380, v9;
	v15 =	vld.idx.msk [tilespmem:v15+s2+$0x0], $0xffff  }
0x65: {  	[tilespmem:s12+$0x350] =	vst v17;
	v17 =	vadd.s32 $0x2000, v1;
	v18 =	vld.idx.msk [tilespmem:v18+s2+$0x0], $0xffff  }
0x66: {  	[tilespmem:s12+$0x80F0] =	vst v8;
	v8 =	vadd.s32 $0x2000, v0;
	v5 =	vld.idx.msk [tilespmem:v5+s2+$0x0], $0xffff  }
0x67: {  	[tilespmem:s12+$0x360] =	vst v12;
	v12 =	vadd.s32 $0x2000, v2;
	v11 =	vld.idx.msk [tilespmem:v11+s2+$0x0], $0xffff  }
0x68: {  	[tilespmem:s12+$0x380] =	vst v10;
	v10 =	vadd.s32 $0x2000, v3;
	v13 =	vld.idx.msk [tilespmem:v13+s2+$0x0], $0xffff  }
0x69: {  	[tilespmem:s12+$0x390] =	vst v14;
	v14 =	vld.idx.msk [tilespmem:v16+s2+$0x0], $0xffff;
	v16 =	vadd.s32 $0x2180, v4  }
0x6a: {  	[tilespmem:s12+$0x3A0] =	vst v15;
	v15 =	vadd.s32 $0x2000, v6;
	v17 =	vld.idx.msk [tilespmem:v17+s2+$0x0], $0xffff  }
0x6b: {  	[tilespmem:s12+$0x3B0] =	vst v18;
	v18 =	vadd.s32 $0x2000, v7;
	v8 =	vld.idx.msk [tilespmem:v8+s2+$0x0], $0xffff  }
0x6c: {  	[tilespmem:s12+$0x3C0] =	vst v5;
	v5 =	vadd.s32 $0x2000, v9;
	v12 =	vld.idx.msk [tilespmem:v12+s2+$0x0], $0xffff  }
0x6d: {  	[tilespmem:s12+$0x8170] =	vst v11;
	v11 =	vadd.s32 $0x2080, v1;
	v10 =	vld.idx.msk [tilespmem:v10+s2+$0x0], $0xffff  }
0x6e: {  	[tilespmem:s12+$0x3D0] =	vst v13;
	v13 =	vadd.s32 $0x2080, v0;
	v16 =	vld.idx.msk [tilespmem:v16+s2+$0x0], $0xffff  }
0x6f: {  	[tilespmem:s12+$0x3E0] =	vst v14;
	v14 =	vadd.s32 $0x2080, v2;
	v15 =	vld.idx.msk [tilespmem:v15+s2+$0x0], $0xffff  }
0x70: {  	[tilespmem:s12+$0x8000] =	vst v17;
	v17 =	vld.idx.msk [tilespmem:v18+s2+$0x0], $0xffff;
	v18 =	vadd.s32 $0x2200, v4  }
0x71: {  	[tilespmem:s12+$0x8010] =	vst v8;
	v8 =	vadd.s32 $0x2080, v3;
	v5 =	vld.idx.msk [tilespmem:v5+s2+$0x0], $0xffff  }
0x72: {  	[tilespmem:s12+$0x8020] =	vst v12;
	v12 =	vadd.s32 $0x2080, v6;
	v11 =	vld.idx.msk [tilespmem:v11+s2+$0x0], $0xffff  }
0x73: {  	[tilespmem:s12+$0x8030] =	vst v10;
	v10 =	vadd.s32 $0x2080, v7;
	v13 =	vld.idx.msk [tilespmem:v13+s2+$0x0], $0xffff  }
0x74: {  	[tilespmem:s12+$0x81F0] =	vst v16;
	v16 =	vadd.s32 $0x2080, v9;
	v14 =	vld.idx.msk [tilespmem:v14+s2+$0x0], $0xffff  }
0x75: {  	[tilespmem:s12+$0x8040] =	vst v15;
	v15 =	vadd.s32 $0x2100, v1;
	v18 =	vld.idx.msk [tilespmem:v18+s2+$0x0], $0xffff  }
0x76: {  	[tilespmem:s12+$0x8050] =	vst v17;
	v17 =	vadd.s32 $0x2100, v0;
	v8 =	vld.idx.msk [tilespmem:v8+s2+$0x0], $0xffff  }
0x77: {  	v12 =	vld.idx.msk [tilespmem:v12+s2+$0x0], $0xffff;
	[tilespmem:s12+$0x8060] =	vst v5;
	v5 =	vadd.s32 $0x2280, v4  }
0x78: {  	[tilespmem:s12+$0x8080] =	vst v11;
	v11 =	vadd.s32 $0x2100, v2;
	v10 =	vld.idx.msk [tilespmem:v10+s2+$0x0], $0xffff  }
0x79: {  	[tilespmem:s12+$0x8090] =	vst v13;
	v13 =	vadd.s32 $0x2100, v3;
	v16 =	vld.idx.msk [tilespmem:v16+s2+$0x0], $0xffff  }
0x7a: {  	[tilespmem:s12+$0x80A0] =	vst v14;
	v14 =	vadd.s32 $0x2100, v6;
	v15 =	vld.idx.msk [tilespmem:v15+s2+$0x0], $0xffff  }
0x7b: {  	[tilespmem:s12+$0x8270] =	vst v18;
	v18 =	vadd.s32 $0x2100, v7;
	v17 =	vld.idx.msk [tilespmem:v17+s2+$0x0], $0xffff  }
0x7c: {  	[tilespmem:s12+$0x80B0] =	vst v8;
	v8 =	vadd.s32 $0x2100, v9;
	v5 =	vld.idx.msk [tilespmem:v5+s2+$0x0], $0xffff  }
0x7d: {  	[tilespmem:s12+$0x80C0] =	vst v12;
	v12 =	vadd.s32 $0x2180, v1;
	v11 =	vld.idx.msk [tilespmem:v11+s2+$0x0], $0xffff  }
0x7e: {  	v13 =	vld.idx.msk [tilespmem:v13+s2+$0x0], $0xffff;
	[tilespmem:s12+$0x80D0] =	vst v10;
	v10 =	vadd.s32 $0x2300, v4  }
0x7f: {  	[tilespmem:s12+$0x80E0] =	vst v16;
	v16 =	vadd.s32 $0x2180, v0;
	v14 =	vld.idx.msk [tilespmem:v14+s2+$0x0], $0xffff  }
0x80: {  	[tilespmem:s12+$0x8100] =	vst v15;
	v15 =	vadd.s32 $0x2180, v2;
	v18 =	vld.idx.msk [tilespmem:v18+s2+$0x0], $0xffff  }
0x81: {  	[tilespmem:s12+$0x8110] =	vst v17;
	v17 =	vadd.s32 $0x2180, v3;
	v8 =	vld.idx.msk [tilespmem:v8+s2+$0x0], $0xffff  }
0x82: {  	[tilespmem:s12+$0x82F0] =	vst v5;
	v5 =	vadd.s32 $0x2180, v6;
	v12 =	vld.idx.msk [tilespmem:v12+s2+$0x0], $0xffff  }
0x83: {  	[tilespmem:s12+$0x8120] =	vst v11;
	v11 =	vadd.s32 $0x2180, v7;
	v10 =	vld.idx.msk [tilespmem:v10+s2+$0x0], $0xffff  }
0x84: {  	[tilespmem:s12+$0x8130] =	vst v13;
	v13 =	vadd.s32 $0x2180, v9;
	v16 =	vld.idx.msk [tilespmem:v16+s2+$0x0], $0xffff  }
0x85: {  	v4 =	vadd.s32 $0x2380, v4;
	[tilespmem:s12+$0x8140] =	vst v14;
	v14 =	vld.idx.msk [tilespmem:v15+s2+$0x0], $0xffff  }
0x86: {  	v15 =	vadd.s32 $0x2200, v1;
	[tilespmem:s12+$0x8150] =	vst v18;
	v17 =	vld.idx.msk [tilespmem:v17+s2+$0x0], $0xffff  }
0x87: {  	[tilespmem:s12+$0x8160] =	vst v8;
	v8 =	vadd.s32 $0x2200, v0;
	v5 =	vld.idx.msk [tilespmem:v5+s2+$0x0], $0xffff  }
0x88: {  	[tilespmem:s12+$0x8180] =	vst v12;
	v12 =	vadd.s32 $0x2200, v2;
	v11 =	vld.idx.msk [tilespmem:v11+s2+$0x0], $0xffff  }
0x89: {  	[tilespmem:s12+$0x8370] =	vst v10;
	v10 =	vadd.s32 $0x2200, v3;
	v13 =	vld.idx.msk [tilespmem:v13+s2+$0x0], $0xffff  }
0x8a: {  	[tilespmem:s12+$0x8190] =	vst v16;
	v16 =	vadd.s32 $0x2200, v6;
	v4 =	vld.idx.msk [tilespmem:v4+s2+$0x0], $0xffff  }
0x8b: {  	[tilespmem:s12+$0x81A0] =	vst v14;
	v14 =	vadd.s32 $0x2200, v7;
	v15 =	vld.idx.msk [tilespmem:v15+s2+$0x0], $0xffff  }
0x8c: {  	[tilespmem:s12+$0x81B0] =	vst v17;
	v17 =	vadd.s32 $0x2200, v9;
	v8 =	vld.idx.msk [tilespmem:v8+s2+$0x0], $0xffff  }
0x8d: {  	[tilespmem:s12+$0x81C0] =	vst v5;
	v5 =	vadd.s32 $0x2280, v1;
	v12 =	vld.idx.msk [tilespmem:v12+s2+$0x0], $0xffff  }
0x8e: {  	[tilespmem:s12+$0x81D0] =	vst v11;
	v11 =	vadd.s32 $0x2280, v0;
	v10 =	vld.idx.msk [tilespmem:v10+s2+$0x0], $0xffff  }
0x8f: {  	[tilespmem:s12+$0x81E0] =	vst v13;
	v13 =	vadd.s32 $0x2280, v2;
	v16 =	vld.idx.msk [tilespmem:v16+s2+$0x0], $0xffff  }
0x90: {  	[tilespmem:s12+$0x83F0] =	vst v4;
	v4 =	vadd.s32 $0x2280, v3;
	v14 =	vld.idx.msk [tilespmem:v14+s2+$0x0], $0xffff  }
0x91: {  	[tilespmem:s12+$0x8200] =	vst v15;
	v15 =	vadd.s32 $0x2280, v6;
	v17 =	vld.idx.msk [tilespmem:v17+s2+$0x0], $0xffff  }
0x92: {  	[tilespmem:s12+$0x8210] =	vst v8;
	v8 =	vadd.s32 $0x2280, v7;
	v5 =	vld.idx.msk [tilespmem:v5+s2+$0x0], $0xffff  }
0x93: {  	[tilespmem:s12+$0x8220] =	vst v12;
	v12 =	vadd.s32 $0x2280, v9;
	v11 =	vld.idx.msk [tilespmem:v11+s2+$0x0], $0xffff  }
0x94: {  	[tilespmem:s12+$0x8230] =	vst v10;
	v10 =	vadd.s32 $0x2300, v1;
	v18 =	vld.idx.msk [tilespmem:v13+s2+$0x0], $0xffff  }
0x95: {  	v13 =	vadd.s32 $0x2300, v0;
	[tilespmem:s12+$0x8240] =	vst v16;
	v4 =	vld.idx.msk [tilespmem:v4+s2+$0x0], $0xffff  }
0x96: {  	[tilespmem:s12+$0x8250] =	vst v14;
	v16 =	vadd.s32 $0x2300, v2;
	v19 =	vld.idx.msk [tilespmem:v15+s2+$0x0], $0xffff  }
0x97: {  	[tilespmem:s12+$0x8260] =	vst v17;
	v17 =	vadd.s32 $0x2300, v3;
	v20 =	vld.idx.msk [tilespmem:v8+s2+$0x0], $0xffff  }
0x98: {  	v21 =	vadd.s32 $0x2300, v6;
	[tilespmem:s12+$0x8280] =	vst v5;
	v15 =	vld.idx.msk [tilespmem:v12+s2+$0x0], $0xffff  }
0x99: {  	[tilespmem:s12+$0x8290] =	vst v11;
	v14 =	vld.idx.msk [tilespmem:v10+s2+$0x0], $0xffff  }
0x9a: {  	v13 =	vld.idx.msk [tilespmem:v13+s2+$0x0], $0xffff;
	[tilespmem:s12+$0x82A0] =	vst v18  }
0x9b: {  	v43 =	vadd.s32 $0x2380, v9;
	v8 =	vadd.s32 $0x2380, v0;
	v12 =	vadd.s32 $0x2300, v7;
	[tilespmem:s12+$0x82B0] =	vst v4;
	v16 =	vld.idx.msk [tilespmem:v16+s2+$0x0], $0xffff  }
0x9c: {  	s25 =	simm.s32 $0x0;
	v11 =	vadd.s32 $0x2300, v9;
	v5 =	vadd.s32 $0x2380, v3;
	v3 =	vadd.s32 $0x2380, v6;
	[tilespmem:s12+$0x82C0] =	vst v19;
	v0 =	vld.idx.msk [tilespmem:v17+s2+$0x0], $0xffff  }
0x9d: {  	s26 =	simm.s32 $0x40C0;
	s24 =	simm.s32 $0x5000;
	s23 =	simm.s32 $0x5000;
	v10 =	vadd.s32 $0x2380, v1;
	v4 =	vadd.s32 $0x2380, v2;
	v2 =	vadd.s32 $0x2380, v7;
	[tilespmem:s12+$0x82D0] =	vst v20;
	v6 =	vld.idx.msk [tilespmem:v21+s2+$0x0], $0xffff  }
.LBB2_2:
0x9e: {  	v7 =	vld [tilespmem:s26+$0x30]  }
0x9f: {  	v9 =	vld [tilespmem:s26+$0xFFFFFFD0]  }
0xa0: {  	[tilespmem:s24+$0x8300] =	vst v14;
	v14 =	vld [tilespmem:s26+$0xFFFFFFE0]  }
0xa1: {  	[tilespmem:s24+$0x82E0] =	vst v15;
	v15 =	vld [tilespmem:s26+$0x0]  }
0xa2: {  	v12 =	vld.idx.msk [tilespmem:v12+s2+$0x0], $0xffff  }
0xa3: {  	v17 =	vld [tilespmem:s26+$0x20]  }
0xa4: {  	v18 =	vld [tilespmem:s26+$0xFFFFFFC0]  }
0xa5: {  	v11 =	vld.idx.msk [tilespmem:v11+s2+$0x0], $0xffff;
	[tilespmem:s24+$0x8310] =	vst v13  }
0xa6: {  	v13 =	vld [tilespmem:s26+$0xFFFFFFF0];
	[tilespmem:s24+$0x8330] =	vst v0  }
0xa7: {  	v10 =	vld.idx.msk [tilespmem:v10+s2+$0x0], $0xffff;
	[tilespmem:s24+$0x8340] =	vst v6;
	v0 =	vshll.u32 v7, $0x3;
	v6 =	vshll.u32 v9, $0x3;
	v7 =	vand.u32 $0x7F, v7  }
0xa8: {  	[tilespmem:s24+$0x8320] =	vst v16;
	v19 =	vshll.u32 v14, $0x3;
	v14 =	vand.u32 $0x7F, v14;
	v20 =	vshll.u32 v15, $0x3;
	v23 =	vld.idx.msk [tilespmem:v8+s2+$0x0], $0xffff  }
0xa9: {  	v15 =	vand.u32 $0x7F, v15;
	v25 =	vld.idx.msk [tilespmem:v4+s2+$0x0], $0xffff;
	v0 =	vand.u32 $0xFFFFFC00, v0;
	v6 =	vand.u32 $0xFFFFFC00, v6  }
0xaa: {  	v16 =	vld [tilespmem:s26+$0x10];
	[tilespmem:s24+$0x8350] =	vst v12;
	v20 =	vand.u32 $0xFFFFFC00, v20;
	v8 =	vand.u32 $0x7F, v18;
	v18 =	vshll.u32 v18, $0x3  }
0xab: {  	v22 =	vshll.u32 v17, $0x3;
	[tilespmem:s24+$0x8360] =	vst v11;
	v1 =	vor.u32 v7, v0;
	v18 =	vand.u32 $0xFFFFFC00, v18  }
0xac: {  	[tilespmem:s24+$0x8380] =	vst v10;
	v7 =	vand.u32 $0x7F, v9;
	v52 =	vor.u32 v15, v20;
	v15 =	vld.idx.msk [tilespmem:v43+s2+$0x0], $0xffff;
	v8 =	vor.u32 v8, v18  }
0xad: {  	v17 =	vand.u32 $0x7F, v17;
	v9 =	vand.u32 $0xFFFFFC00, v19;
	v4 =	vor.u32 v7, v6;
	v7 =	vld.idx.msk [tilespmem:v5+s2+$0x0], $0xffff;
	[tilespmem:s23+$0x8390] =	vst v23  }
0xae: {  	v22 =	vand.u32 $0xFFFFFC00, v22;
	v59 =	vor.u32 v14, v9;
	v9 =	vld.idx.msk [tilespmem:v3+s2+$0x0], $0xffff;
	v0 =	vadd.s32 $0x2000, v8;
	[tilespmem:s23+$0x83A0] =	vst v25  }
0xaf: {  	v56 =	vor.u32 v17, v22;
	v14 =	vld.idx.msk [tilespmem:v2+s2+$0x0], $0xffff;
	v19 =	vshll.u32 v13, $0x3;
	v10 =	vadd.s32 $0x2080, v4;
	[tilespmem:$0x1FDC0] =	vst v0  }
0xb0: {  	v13 =	vand.u32 $0x7F, v13;
	v21 =	vshll.u32 v16, $0x3;
	v19 =	vand.u32 $0xFFFFFC00, v19;
	[tilespmem:$0x1FDD0] =	vst v10;
	v24 =	vld.idx.msk [tilespmem:v1+s2+$0x0], $0xffff  }
0xb1: {  	v16 =	vand.u32 $0x7F, v16;
	v21 =	vand.u32 $0xFFFFFC00, v21;
	v5 =	vor.u32 v13, v19;
	[tilespmem:s23+$0x83E0] =	vst v15;
	v62 =	vld.idx.msk [tilespmem:v8+s2+$0x0], $0xffff  }
0xb2: {  	v58 =	vor.u32 v16, v21;
	[tilespmem:s23+$0x83B0] =	vst v7;
	v23 =	vld.idx.msk [tilespmem:v4+s2+$0x0], $0xffff  }
0xb3: {  	v6 =	vor.u32 $0x80, v1;
	v26 =	vld.idx.msk [tilespmem:v59+s2+$0x0], $0xffff;
	[tilespmem:s23+$0x83C0] =	vst v9  }
0xb4: {  	s24 =	sadd.s32 $0x400, s24;
	v27 =	vor.u32 $0x80, v8;
	[tilespmem:s23+$0x83D0] =	vst v14;
	v47 =	vld.idx.msk [tilespmem:v56+s2+$0x0], $0xffff  }
0xb5: {  	v28 =	vor.u32 $0x80, v4;
	v35 =	vld.idx.msk [tilespmem:v52+s2+$0x0], $0xffff;
	[tilespmem:s24+$0x70] =	vst v24  }
0xb6: {  	v29 =	vor.u32 $0x80, v59;
	v34 =	vld.idx.msk [tilespmem:v5+s2+$0x0], $0xffff;
	[tilespmem:s24+$0x0] =	vst v62  }
0xb7: {  	v40 =	vor.u32 $0x80, v56;
	v37 =	vld.idx.msk [tilespmem:v58+s2+$0x0], $0xffff;
	[tilespmem:s24+$0x10] =	vst v23  }
0xb8: {  	v38 =	vor.u32 $0x80, v52;
	v17 =	vld.idx.msk [tilespmem:v6+s2+$0x0], $0xffff;
	[tilespmem:s24+$0x20] =	vst v26  }
0xb9: {  	[tilespmem:s24+$0x60] =	vst v47;
	v48 =	vld.idx.msk [tilespmem:v27+s2+$0x0], $0xffff  }
0xba: {  	v33 =	vor.u32 $0x80, v5;
	v50 =	vld.idx.msk [tilespmem:v28+s2+$0x0], $0xffff;
	[tilespmem:s24+$0x40] =	vst v35  }
0xbb: {  	v53 =	vld.idx.msk [tilespmem:v29+s2+$0x0], $0xffff;
	[tilespmem:s24+$0x30] =	vst v34  }
0xbc: {  	v39 =	vor.u32 $0x80, v58;
	v40 =	vld.idx.msk [tilespmem:v40+s2+$0x0], $0xffff;
	[tilespmem:s24+$0x50] =	vst v37  }
0xbd: {  	v7 =	vld.idx.msk [tilespmem:v38+s2+$0x0], $0xffff;
	[tilespmem:s24+$0xF0] =	vst v17  }
0xbe: {  	[tilespmem:s24+$0x80] =	vst v48  }
0xbf: {  	v63 =	vor.u32 $0x100, v1;
	v6 =	vld.idx.msk [tilespmem:v33+s2+$0x0], $0xffff;
	[tilespmem:s24+$0x90] =	vst v50  }
0xc0: {  	[tilespmem:s24+$0xA0] =	vst v53  }
0xc1: {  	v2 =	vld.idx.msk [tilespmem:v39+s2+$0x0], $0xffff;
	[tilespmem:s24+$0xE0] =	vst v40  }
0xc2: {  	[tilespmem:s24+$0xC0] =	vst v7;
	v7 =	vadd.s32 $0x2100, v59  }
0xc3: {  	[tilespmem:$0x1FE40] =	vst v7  }
0xc4: {  	v41 =	vor.u32 $0x100, v8;
	v46 =	vld.idx.msk [tilespmem:v63+s2+$0x0], $0xffff;
	v7 =	vadd.s32 $0x2100, v5;
	[tilespmem:s24+$0xB0] =	vst v6  }
0xc5: {  	v42 =	vor.u32 $0x100, v4;
	[tilespmem:$0x1FE50] =	vst v7  }
0xc6: {  	v43 =	vor.u32 $0x100, v59;
	v6 =	vadd.s32 $0x2080, v5;
	[tilespmem:s24+$0xD0] =	vst v2  }
0xc7: {  	v2 =	vadd.s32 $0x2100, v58;
	[tilespmem:$0x1FDE0] =	vst v6  }
0xc8: {  	[tilespmem:$0x1FE70] =	vst v2  }
0xc9: {  	v9 =	vld.idx.msk [tilespmem:v41+s2+$0x0], $0xffff;
	v6 =	vadd.s32 $0x2080, v52;
	[tilespmem:s24+$0x170] =	vst v46  }
0xca: {  	v10 =	vld.idx.msk [tilespmem:v42+s2+$0x0], $0xffff;
	v2 =	vadd.s32 $0x2100, v56;
	[tilespmem:$0x1FDF0] =	vst v6  }
0xcb: {  	v43 =	vld.idx.msk [tilespmem:v43+s2+$0x0], $0xffff;
	v6 =	vadd.s32 $0x2100, v8;
	[tilespmem:$0x1FE80] =	vst v2  }
0xcc: {  	v2 =	vadd.s32 $0x2180, v8;
	[tilespmem:$0x1FE20] =	vst v6  }
0xcd: {  	[tilespmem:$0x1FE90] =	vst v2  }
0xce: {  	v11 =	vor.u32 $0x100, v5;
	[tilespmem:s24+$0x100] =	vst v9  }
0xcf: {  	[tilespmem:s24+$0x110] =	vst v10  }
0xd0: {  	v49 =	vor.u32 $0x180, v1;
	v6 =	vadd.s32 $0x2080, v58;
	[tilespmem:s24+$0x120] =	vst v43  }
0xd1: {  	v12 =	vor.u32 $0x100, v52;
	v2 =	vadd.s32 $0x2180, v4;
	[tilespmem:$0x1FE00] =	vst v6  }
0xd2: {  	v16 =	vor.u32 $0x100, v56;
	v10 =	vadd.s32 $0x2180, v58;
	[tilespmem:$0x1FEA0] =	vst v2  }
0xd3: {  	v11 =	vld.idx.msk [tilespmem:v11+s2+$0x0], $0xffff;
	v6 =	vadd.s32 $0x2080, v56;
	[tilespmem:$0x1FEE0] =	vst v10  }
0xd4: {  	v2 =	vadd.s32 $0x2180, v59;
	[tilespmem:$0x1FE10] =	vst v6  }
0xd5: {  	v3 =	vld.idx.msk [tilespmem:v49+s2+$0x0], $0xffff;
	v6 =	vadd.s32 $0x2100, v4;
	[tilespmem:$0x1FEB0] =	vst v2  }
0xd6: {  	v2 =	vld.idx.msk [tilespmem:v12+s2+$0x0], $0xffff;
	v12 =	vadd.s32 $0x2200, v8;
	[tilespmem:$0x1FE30] =	vst v6  }
0xd7: {  	v10 =	vld.idx.msk [tilespmem:v16+s2+$0x0], $0xffff;
	[tilespmem:$0x1FF00] =	vst v12  }
0xd8: {  	v12 =	vadd.s32 $0x2180, v56;
	[tilespmem:s24+$0x130] =	vst v11  }
0xd9: {  	v0 =	vor.u32 $0x200, v1;
	[tilespmem:$0x1FEF0] =	vst v12  }
0xda: {  	v13 =	vor.u32 $0x100, v58;
	[tilespmem:s24+$0x1F0] =	vst v3;
	v3 =	vadd.s32 $0x2100, v52  }
0xdb: {  	[tilespmem:$0x1FE60] =	vst v3  }
0xdc: {  	v21 =	vor.u32 $0x180, v59;
	v3 =	vadd.s32 $0x2180, v5;
	[tilespmem:s24+$0x160] =	vst v10  }
0xdd: {  	v18 =	vor.u32 $0x180, v8;
	[tilespmem:$0x1FEC0] =	vst v3  }
0xde: {  	v0 =	vld.idx.msk [tilespmem:v0+s2+$0x0], $0xffff;
	v3 =	vadd.s32 $0x2180, v52;
	[tilespmem:s24+$0x140] =	vst v2  }
0xdf: {  	v24 =	vor.u32 $0x180, v52;
	[tilespmem:$0x1FED0] =	vst v3;
	v3 =	vld.idx.msk [tilespmem:v13+s2+$0x0], $0xffff;
	v13 =	vadd.s32 $0x2200, v4  }
0xe0: {  	v19 =	vor.u32 $0x180, v4;
	v7 =	vld [tilespmem:$0x1FDF0];
	[tilespmem:$0x1FF10] =	vst v13;
	v13 =	vadd.s32 $0x2200, v59  }
0xe1: {  	v9 =	vor.u32 $0x280, v1;
	v16 =	vld.idx.msk [tilespmem:v21+s2+$0x0], $0xffff;
	[tilespmem:$0x1FF20] =	vst v13;
	v13 =	vadd.s32 $0x2200, v5  }
0xe2: {  	v22 =	vor.u32 $0x180, v5;
	v12 =	vld.idx.msk [tilespmem:v18+s2+$0x0], $0xffff;
	[tilespmem:$0x1FF30] =	vst v13  }
0xe3: {  	v14 =	vor.u32 $0x200, v8;
	v6 =	vld [tilespmem:$0x1FDC0];
	[tilespmem:s24+$0x270] =	vst v0;
	v0 =	vadd.s32 $0x2280, v5  }
0xe4: {  	v30 =	vor.u32 $0x180, v58;
	v18 =	vld.idx.msk [tilespmem:v24+s2+$0x0], $0xffff;
	[tilespmem:$0x1FFA0] =	vst v0;
	v0 =	vadd.s32 $0x2280, v52  }
0xe5: {  	v31 =	vor.u32 $0x180, v56;
	v13 =	vld.idx.msk [tilespmem:v19+s2+$0x0], $0xffff;
	[tilespmem:$0x1FFB0] =	vst v0;
	v0 =	vadd.s32 $0x2280, v58  }
0xe6: {  	v32 =	vor.u32 $0x200, v4;
	[tilespmem:$0x1FFC0] =	vst v0;
	v0 =	vld.idx.msk [tilespmem:v9+s2+$0x0], $0xffff  }
0xe7: {  	v36 =	vor.u32 $0x200, v59;
	[tilespmem:s24+$0x180] =	vst v12;
	v9 =	vld.idx.msk [tilespmem:v22+s2+$0x0], $0xffff  }
0xe8: {  	v14 =	vld.idx.msk [tilespmem:v14+s2+$0x0], $0xffff;
	v19 =	vor.u32 $0x300, v1;
	[tilespmem:s24+$0x150] =	vst v3  }
0xe9: {  	v15 =	vor.u32 $0x200, v5;
	[tilespmem:s24+$0x1A0] =	vst v16;
	v30 =	vld.idx.msk [tilespmem:v30+s2+$0x0], $0xffff  }
0xea: {  	v44 =	vor.u32 $0x200, v52;
	[tilespmem:s24+$0x190] =	vst v13;
	v13 =	vld.idx.msk [tilespmem:v31+s2+$0x0], $0xffff  }
0xeb: {  	v45 =	vor.u32 $0x200, v58;
	v16 =	vld.idx.msk [tilespmem:v32+s2+$0x0], $0xffff;
	[tilespmem:s24+$0x2F0] =	vst v0  }
0xec: {  	v17 =	vor.u32 $0x200, v56;
	[tilespmem:s24+$0x1B0] =	vst v9;
	v9 =	vld.idx.msk [tilespmem:v36+s2+$0x0], $0xffff  }
0xed: {  	v20 =	vor.u32 $0x280, v8;
	[tilespmem:s24+$0x1C0] =	vst v18;
	v0 =	vld.idx.msk [tilespmem:v19+s2+$0x0], $0xffff  }
0xee: {  	v51 =	vor.u32 $0x280, v4;
	[tilespmem:s24+$0x200] =	vst v14;
	v15 =	vld.idx.msk [tilespmem:v15+s2+$0x0], $0xffff  }
0xef: {  	v23 =	vor.u32 $0x280, v59;
	[tilespmem:s24+$0x1D0] =	vst v30;
	v19 =	vld.idx.msk [tilespmem:v44+s2+$0x0], $0xffff  }
0xf0: {  	v18 =	vor.u32 $0x380, v1;
	[tilespmem:s24+$0x1E0] =	vst v13;
	v13 =	vld.idx.msk [tilespmem:v45+s2+$0x0], $0xffff  }
0xf1: {  	v25 =	vor.u32 $0x280, v5;
	[tilespmem:s24+$0x210] =	vst v16;
	v14 =	vld.idx.msk [tilespmem:v17+s2+$0x0], $0xffff  }
0xf2: {  	v54 =	vor.u32 $0x280, v52;
	v16 =	vld.idx.msk [tilespmem:v20+s2+$0x0], $0xffff;
	[tilespmem:s24+$0x220] =	vst v9  }
0xf3: {  	v26 =	vor.u32 $0x280, v58;
	v9 =	vld.idx.msk [tilespmem:v51+s2+$0x0], $0xffff;
	[tilespmem:s24+$0x370] =	vst v0  }
0xf4: {  	v27 =	vor.u32 $0x280, v56;
	[tilespmem:s24+$0x230] =	vst v15;
	v15 =	vld.idx.msk [tilespmem:v23+s2+$0x0], $0xffff  }
0xf5: {  	v55 =	vor.u32 $0x300, v8;
	[tilespmem:s24+$0x240] =	vst v19;
	v0 =	vld.idx.msk [tilespmem:v18+s2+$0x0], $0xffff  }
0xf6: {  	v28 =	vor.u32 $0x300, v4;
	v18 =	vld.idx.msk [tilespmem:v25+s2+$0x0], $0xffff;
	[tilespmem:s24+$0x250] =	vst v13  }
0xf7: {  	v57 =	vor.u32 $0x300, v59;
	v13 =	vld.idx.msk [tilespmem:v54+s2+$0x0], $0xffff;
	[tilespmem:s24+$0x260] =	vst v14  }
0xf8: {  	v17 =	vadd.s32 $0x2000, v1;
	[tilespmem:s24+$0x280] =	vst v16;
	v14 =	vld.idx.msk [tilespmem:v26+s2+$0x0], $0xffff  }
0xf9: {  	v29 =	vor.u32 $0x300, v5;
	v16 =	vld.idx.msk [tilespmem:v27+s2+$0x0], $0xffff;
	[tilespmem:s24+$0x290] =	vst v9  }
0xfa: {  	v34 =	vor.u32 $0x300, v52;
	v9 =	vld.idx.msk [tilespmem:v55+s2+$0x0], $0xffff;
	[tilespmem:s24+$0x2A0] =	vst v15  }
0xfb: {  	v35 =	vor.u32 $0x300, v58;
	v15 =	vld.idx.msk [tilespmem:v28+s2+$0x0], $0xffff;
	[tilespmem:s24+$0x3F0] =	vst v0  }
0xfc: {  	v33 =	vor.u32 $0x300, v56;
	[tilespmem:s24+$0x2B0] =	vst v18;
	v18 =	vld.idx.msk [tilespmem:v57+s2+$0x0], $0xffff  }
0xfd: {  	v60 =	vor.u32 $0x380, v8;
	[tilespmem:s24+$0x2C0] =	vst v13;
	v0 =	vld.idx.msk [tilespmem:v17+s2+$0x0], $0xffff  }
0xfe: {  	v62 =	vor.u32 $0x380, v4;
	v13 =	vld.idx.msk [tilespmem:v29+s2+$0x0], $0xffff;
	[tilespmem:s24+$0x2D0] =	vst v14  }
0xff: {  	v37 =	vor.u32 $0x380, v59;
	v14 =	vld.idx.msk [tilespmem:v34+s2+$0x0], $0xffff;
	[tilespmem:s24+$0x2E0] =	vst v16  }
0x100: {  	v17 =	vadd.s32 $0x2080, v1;
	v16 =	vld.idx.msk [tilespmem:v35+s2+$0x0], $0xffff;
	[tilespmem:s24+$0x300] =	vst v9  }
0x101: {  	v61 =	vor.u32 $0x380, v5;
	v9 =	vld.idx.msk [tilespmem:v33+s2+$0x0], $0xffff;
	[tilespmem:s24+$0x310] =	vst v15  }
0x102: {  	v63 =	vor.u32 $0x380, v52;
	v15 =	vld.idx.msk [tilespmem:v60+s2+$0x0], $0xffff;
	[tilespmem:s24+$0x320] =	vst v18  }
0x103: {  	v38 =	vor.u32 $0x380, v58;
	v18 =	vld.idx.msk [tilespmem:v62+s2+$0x0], $0xffff;
	[tilespmem:s24+$0x8070] =	vst v0  }
0x104: {  	v46 =	vor.u32 $0x380, v56;
	[tilespmem:s24+$0x330] =	vst v13;
	v13 =	vld.idx.msk [tilespmem:v37+s2+$0x0], $0xffff  }
0x105: {  	v0 =	vld.idx.msk [tilespmem:v17+s2+$0x0], $0xffff  }
0x106: {  	[tilespmem:s24+$0x340] =	vst v14;
	v14 =	vld.idx.msk [tilespmem:v61+s2+$0x0], $0xffff  }
0x107: {  	v47 =	vadd.s32 $0x2000, v4;
	[tilespmem:s24+$0x350] =	vst v16;
	v16 =	vld.idx.msk [tilespmem:v63+s2+$0x0], $0xffff  }
0x108: {  	v48 =	vadd.s32 $0x2000, v59;
	[tilespmem:s24+$0x360] =	vst v9;
	v9 =	vld.idx.msk [tilespmem:v38+s2+$0x0], $0xffff  }
0x109: {  	v17 =	vadd.s32 $0x2100, v1;
	[tilespmem:s24+$0x380] =	vst v15;
	v15 =	vld.idx.msk [tilespmem:v46+s2+$0x0], $0xffff  }
0x10a: {  	v49 =	vadd.s32 $0x2000, v5;
	[tilespmem:s24+$0x390] =	vst v18;
	v18 =	vld.idx.msk [tilespmem:v6+s2+$0x0], $0xffff  }
0x10b: {  	v39 =	vadd.s32 $0x2000, v52;
	v6 =	vld [tilespmem:$0x1FDD0];
	[tilespmem:s24+$0x3A0] =	vst v13  }
0x10c: {  	v50 =	vadd.s32 $0x2000, v58;
	v13 =	vld.idx.msk [tilespmem:v47+s2+$0x0], $0xffff;
	[tilespmem:s24+$0x80F0] =	vst v0  }
0x10d: {  	v53 =	vadd.s32 $0x2000, v56;
	[tilespmem:s24+$0x3B0] =	vst v14;
	v14 =	vld.idx.msk [tilespmem:v48+s2+$0x0], $0xffff  }
0x10e: {  	v41 =	vadd.s32 $0x2080, v8;
	[tilespmem:s24+$0x3C0] =	vst v16;
	v0 =	vld.idx.msk [tilespmem:v17+s2+$0x0], $0xffff  }
0x10f: {  	v16 =	vld.idx.msk [tilespmem:v49+s2+$0x0], $0xffff;
	[tilespmem:s24+$0x3D0] =	vst v9  }
0x110: {  	v42 =	vadd.s32 $0x2080, v59;
	v9 =	vld.idx.msk [tilespmem:v39+s2+$0x0], $0xffff;
	[tilespmem:s24+$0x3E0] =	vst v15  }
0x111: {  	v15 =	vld.idx.msk [tilespmem:v50+s2+$0x0], $0xffff;
	[tilespmem:s24+$0x8000] =	vst v18  }
0x112: {  	v17 =	vadd.s32 $0x2180, v1;
	[tilespmem:s24+$0x8010] =	vst v13;
	v13 =	vld.idx.msk [tilespmem:v53+s2+$0x0], $0xffff  }
0x113: {  	v18 =	vld.idx.msk [tilespmem:v41+s2+$0x0], $0xffff  }
0x114: {  	[tilespmem:s24+$0x8020] =	vst v14;
	v14 =	vld.idx.msk [tilespmem:v6+s2+$0x0], $0xffff  }
0x115: {  	[tilespmem:s24+$0x8030] =	vst v16;
	v16 =	vld.idx.msk [tilespmem:v42+s2+$0x0], $0xffff  }
0x116: {  	[tilespmem:s24+$0x8170] =	vst v0;
	v6 =	vld [tilespmem:$0x1FDE0]  }
0x117: {  	[tilespmem:s24+$0x8040] =	vst v9;
	v0 =	vld.idx.msk [tilespmem:v17+s2+$0x0], $0xffff  }
0x118: {  	v9 =	vld.idx.msk [tilespmem:v7+s2+$0x0], $0xffff  }
0x119: {  	v7 =	vld [tilespmem:$0x1FE00]  }
0x11a: {  	v17 =	vadd.s32 $0x2200, v1;
	[tilespmem:s24+$0x8050] =	vst v15;
	v15 =	vld [tilespmem:$0x1FE20]  }
0x11b: {  	[tilespmem:s24+$0x8090] =	vst v14;
	v14 =	vld [tilespmem:$0x1FE10]  }
0x11c: {  	[tilespmem:s24+$0x80A0] =	vst v16;
	v16 =	vld [tilespmem:$0x1FE30]  }
0x11d: {  	[tilespmem:s24+$0x81F0] =	vst v0  }
0x11e: {  	[tilespmem:s24+$0x80C0] =	vst v9;
	v9 =	vld [tilespmem:$0x1FE50]  }
0x11f: {  	v0 =	vld.idx.msk [tilespmem:v17+s2+$0x0], $0xffff  }
0x120: {  	[tilespmem:s24+$0x8060] =	vst v13;
	v13 =	vadd.s32 $0x2280, v1;
	v6 =	vld.idx.msk [tilespmem:v6+s2+$0x0], $0xffff  }
0x121: {  	[tilespmem:s24+$0x8080] =	vst v18;
	v7 =	vld.idx.msk [tilespmem:v7+s2+$0x0], $0xffff  }
0x122: {  	v15 =	vld.idx.msk [tilespmem:v15+s2+$0x0], $0xffff  }
0x123: {  	v14 =	vld.idx.msk [tilespmem:v14+s2+$0x0], $0xffff  }
0x124: {  	[tilespmem:s24+$0x8270] =	vst v0;
	v16 =	vld.idx.msk [tilespmem:v16+s2+$0x0], $0xffff  }
0x125: {  	v0 =	vld.idx.msk [tilespmem:v13+s2+$0x0], $0xffff  }
0x126: {  	[tilespmem:s24+$0x80B0] =	vst v6;
	v6 =	vld [tilespmem:$0x1FE40]  }
0x127: {  	v13 =	vld [tilespmem:$0x1FE60];
	[tilespmem:s24+$0x80D0] =	vst v7;
	v7 =	vadd.s32 $0x2300, v1  }
0x128: {  	[tilespmem:s24+$0x8100] =	vst v15;
	v15 =	vld [tilespmem:$0x1FE80]  }
0x129: {  	v9 =	vld.idx.msk [tilespmem:v9+s2+$0x0], $0xffff;
	[tilespmem:s24+$0x80E0] =	vst v14  }
0x12a: {  	v14 =	vld [tilespmem:$0x1FE70];
	[tilespmem:s24+$0x8110] =	vst v16  }
0x12b: {  	v16 =	vld [tilespmem:$0x1FE90];
	[tilespmem:s24+$0x82F0] =	vst v0  }
0x12c: {  	v0 =	vld.idx.msk [tilespmem:v7+s2+$0x0], $0xffff  }
0x12d: {  	v1 =	vadd.s32 $0x2380, v1;
	v7 =	vld [tilespmem:$0x1FEB0]  }
0x12e: {  	[tilespmem:s24+$0x8130] =	vst v9;
	v9 =	vld [tilespmem:$0x1FEC0]  }
0x12f: {  	v13 =	vld.idx.msk [tilespmem:v13+s2+$0x0], $0xffff  }
0x130: {  	v15 =	vld.idx.msk [tilespmem:v15+s2+$0x0], $0xffff  }
0x131: {  	v6 =	vld.idx.msk [tilespmem:v6+s2+$0x0], $0xffff;
	[tilespmem:s24+$0x8370] =	vst v0  }
0x132: {  	v0 =	vld.idx.msk [tilespmem:v1+s2+$0x0], $0xffff  }
0x133: {  	v1 =	vld [tilespmem:$0x1FF00]  }
0x134: {  	[tilespmem:s24+$0x8140] =	vst v13;
	v13 =	vld [tilespmem:$0x1FED0]  }
0x135: {  	v11 =	vadd.s32 $0x2200, v52;
	[tilespmem:s24+$0x8160] =	vst v15;
	v15 =	vld [tilespmem:$0x1FEF0]  }
0x136: {  	[tilespmem:$0x1FF40] =	vst v11;
	v14 =	vld.idx.msk [tilespmem:v14+s2+$0x0], $0xffff  }
0x137: {  	v11 =	vadd.s32 $0x2200, v58;
	[tilespmem:s24+$0x8120] =	vst v6;
	v6 =	vld [tilespmem:$0x1FEA0]  }
0x138: {  	[tilespmem:$0x1FF50] =	vst v11;
	v11 =	vadd.s32 $0x2200, v56;
	v7 =	vld.idx.msk [tilespmem:v7+s2+$0x0], $0xffff  }
0x139: {  	[tilespmem:$0x1FF60] =	vst v11;
	v9 =	vld.idx.msk [tilespmem:v9+s2+$0x0], $0xffff  }
0x13a: {  	[tilespmem:s24+$0x83F0] =	vst v0;
	v0 =	vld [tilespmem:$0x1FF60]  }
0x13b: {  	[tilespmem:s24+$0x8150] =	vst v14;
	v14 =	vld [tilespmem:$0x1FEE0]  }
0x13c: {  	v13 =	vld.idx.msk [tilespmem:v13+s2+$0x0], $0xffff  }
0x13d: {  	v15 =	vld.idx.msk [tilespmem:v15+s2+$0x0], $0xffff  }
0x13e: {  	v16 =	vld.idx.msk [tilespmem:v16+s2+$0x0], $0xffff  }
0x13f: {  	[tilespmem:s24+$0x81A0] =	vst v7;
	v7 =	vld [tilespmem:$0x1FF20]  }
0x140: {  	[tilespmem:s24+$0x81B0] =	vst v9;
	v6 =	vld.idx.msk [tilespmem:v6+s2+$0x0], $0xffff  }
0x141: {  	[tilespmem:s24+$0x81C0] =	vst v13;
	v13 =	vld [tilespmem:$0x1FF40]  }
0x142: {  	v9 =	vld [tilespmem:$0x1FF30];
	[tilespmem:s24+$0x81E0] =	vst v15  }
0x143: {  	v11 =	vadd.s32 $0x2280, v8;
	[tilespmem:s24+$0x8180] =	vst v16;
	v0 =	vld.idx.msk [tilespmem:v0+s2+$0x0], $0xffff  }
0x144: {  	[tilespmem:$0x1FF70] =	vst v11;
	v2 =	vadd.s32 $0x2300, v8;
	v1 =	vld.idx.msk [tilespmem:v1+s2+$0x0], $0xffff  }
0x145: {  	[tilespmem:$0x1FFE0] =	vst v2;
	v14 =	vld.idx.msk [tilespmem:v14+s2+$0x0], $0xffff  }
0x146: {  	v2 =	vadd.s32 $0x2280, v56;
	[tilespmem:s24+$0x8190] =	vst v6;
	v6 =	vld [tilespmem:$0x1FF10]  }
0x147: {  	[tilespmem:$0x1FFD0] =	vst v2;
	v7 =	vld.idx.msk [tilespmem:v7+s2+$0x0], $0xffff  }
0x148: {  	v11 =	vadd.s32 $0x2280, v4;
	[tilespmem:s24+$0x8260] =	vst v0;
	v0 =	vld [tilespmem:$0x1FFD0]  }
0x149: {  	[tilespmem:$0x1FF80] =	vst v11;
	v13 =	vld.idx.msk [tilespmem:v13+s2+$0x0], $0xffff  }
0x14a: {  	v11 =	vadd.s32 $0x2280, v59;
	[tilespmem:s24+$0x8200] =	vst v1;
	v1 =	vld [tilespmem:$0x1FF70]  }
0x14b: {  	[tilespmem:$0x1FF90] =	vst v11;
	v9 =	vld.idx.msk [tilespmem:v9+s2+$0x0], $0xffff  }
0x14c: {  	[tilespmem:s24+$0x81D0] =	vst v14;
	v14 =	vld [tilespmem:$0x1FF50]  }
0x14d: {  	[tilespmem:s24+$0x8220] =	vst v7;
	v7 =	vld [tilespmem:$0x1FF90]  }
0x14e: {  	[tilespmem:s24+$0x8240] =	vst v13;
	v13 =	vld [tilespmem:$0x1FFB0]  }
0x14f: {  	v6 =	vld.idx.msk [tilespmem:v6+s2+$0x0], $0xffff  }
0x150: {  	[tilespmem:s24+$0x8230] =	vst v9;
	v9 =	vld [tilespmem:$0x1FFA0]  }
0x151: {  	v15 =	vld.idx.msk [tilespmem:v0+s2+$0x0], $0xffff  }
0x152: {  	v0 =	vld [tilespmem:$0x1FFE0]  }
0x153: {  	v1 =	vld.idx.msk [tilespmem:v1+s2+$0x0], $0xffff  }
0x154: {  	[tilespmem:s24+$0x8210] =	vst v6;
	v6 =	vld [tilespmem:$0x1FF80]  }
0x155: {  	v14 =	vld.idx.msk [tilespmem:v14+s2+$0x0], $0xffff  }
0x156: {  	v17 =	vld.idx.msk [tilespmem:v13+s2+$0x0], $0xffff  }
0x157: {  	v2 =	vadd.s32 $0x2300, v59;
	v13 =	vld [tilespmem:$0x1FFC0]  }
0x158: {  	[tilespmem:$0x1FFF0] =	vst v2  }
0x159: {  	[tilespmem:s24+$0x8280] =	vst v1  }
0x15a: {  	[tilespmem:s24+$0x8250] =	vst v14;
	v14 =	vld.idx.msk [tilespmem:v0+s2+$0x0], $0xffff  }
0x15b: {  	v0 =	vld [tilespmem:$0x1FFF0]  }
0x15c: {  	v24 =	vadd.s32 $0x2300, v52;
	v6 =	vld.idx.msk [tilespmem:v6+s2+$0x0], $0xffff  }
0x15d: {  	v40 =	vadd.s32 $0x2300, v4;
	v7 =	vld.idx.msk [tilespmem:v7+s2+$0x0], $0xffff  }
0x15e: {  	s25 =	sadd.s32 $0x8, s25;
	v9 =	vld.idx.msk [tilespmem:v9+s2+$0x0], $0xffff  }
0x15f: {  	p0 =	slt.u32 s25, $0x38;
	v22 =	vadd.s32 $0x2300, v5;
	v18 =	vld.idx.msk [tilespmem:v13+s2+$0x0], $0xffff  }
.Ltmp0:
0x160: {  	[tilespmem:s24+$0x82C0] =	vst v17;
	(pc) =	sbr.rel @p0 .LBB2_2-.Ltmp0, $4  }
0x161: {  	[tilespmem:s24+$0x8290] =	vst v6;
	v6 =	vld.idx.msk [tilespmem:v24+s2+$0x0], $0xffff  }
0x162: {  	v43 =	vadd.s32 $0x2380, v56;
	v10 =	vadd.s32 $0x2380, v8;
	v8 =	vadd.s32 $0x2380, v4;
	[tilespmem:s24+$0x82A0] =	vst v7;
	v13 =	vld.idx.msk [tilespmem:v40+s2+$0x0], $0xffff  }
0x163: {  	v4 =	vadd.s32 $0x2380, v59;
	v12 =	vadd.s32 $0x2300, v58;
	v11 =	vadd.s32 $0x2300, v56;
	[tilespmem:s24+$0x82B0] =	vst v9;
	v16 =	vld.idx.msk [tilespmem:v0+s2+$0x0], $0xffff  }
0x164: {  	s26 =	sadd.s32 $0x80, s26;
	s23 =	smov.u32 s24;
	v2 =	vadd.s32 $0x2380, v58;
	v3 =	vadd.s32 $0x2380, v52;
	v5 =	vadd.s32 $0x2380, v5;
	v0 =	vld.idx.msk [tilespmem:v22+s2+$0x0], $0xffff;
	[tilespmem:s24+$0x82D0] =	vst v18  }
0x165: {  	_ =	sdelay $0x2  }
0x166: {  	[tilespmem:s24+$0x82E0] =	vst v15  }
0x167: {  	[tilespmem:s24+$0x8300] =	vst v14;
	v1 =	vld.idx.msk [tilespmem:v12+s2+$0x0], $0xffff  }
0x168: {  	v7 =	vld.idx.msk [tilespmem:v11+s2+$0x0], $0xffff;
	[tilespmem:s24+$0x8310] =	vst v13  }
0x169: {  	v9 =	vld.idx.msk [tilespmem:v10+s2+$0x0], $0xffff;
	[tilespmem:s24+$0x8320] =	vst v16  }
0x16a: {  	[tilespmem:s24+$0x8330] =	vst v0;
	v0 =	vld.idx.msk [tilespmem:v8+s2+$0x0], $0xffff  }
0x16b: {  	[tilespmem:s24+$0x8340] =	vst v6;
	v4 =	vld.idx.msk [tilespmem:v4+s2+$0x0], $0xffff  }
0x16c: {  	v5 =	vld.idx.msk [tilespmem:v5+s2+$0x0], $0xffff;
	[tilespmem:s24+$0x8350] =	vst v1  }
0x16d: {  	v1 =	vld.idx.msk [tilespmem:v3+s2+$0x0], $0xffff;
	[tilespmem:s24+$0x8360] =	vst v7  }
0x16e: {  	[tilespmem:s24+$0x8380] =	vst v9;
	v2 =	vld.idx.msk [tilespmem:v2+s2+$0x0], $0xffff  }
0x16f: {  	[tilespmem:s23+$0x8390] =	vst v0;
	v0 =	vld.idx.msk [tilespmem:v43+s2+$0x0], $0xffff  }
0x170: {  	[tilespmem:s23+$0x83A0] =	vst v4  }
0x171: {  	[tilespmem:s23+$0x83B0] =	vst v5  }
0x172: {  	[tilespmem:s23+$0x83C0] =	vst v1  }
0x173: {  	[tilespmem:s23+$0x83D0] =	vst v2  }
0x174: {  	[tilespmem:s23+$0x83E0] =	vst v0  }
0x175: {  	[hbm4b:s4+s2] =	stream.linear.scatter [tilespmem:s12], [sflag:$0x1], $0x2000, $0x38;
	[tilespmem:$0x15000] =	vst v63  }
0x176: {  	s31 =	simm.s32 $0x4470  }
0x177: {  	[hbm4b:s13+s2] =	stream.linear.scatter [tilespmem:s14], [sflag:$0x1], $0x2000, $0x38;
	[tilespmem:$0x15000] =	vst v63  }
0x178: {  	v0 =	vld [tilespmem:s31+$0x0];
	_ =	sdelay $0x2  }
0x179: {  	v1 =	vld [tilespmem:s31+$0xFFFFFFA0]  }
0x17a: {  	v3 =	vld [tilespmem:s31+$0xFFFFFFB0]  }
0x17b: {  	v5 =	vld [tilespmem:s31+$0xFFFFFF90];
	v2 =	vshll.u32 v0, $0x3  }
0x17c: {  	v0 =	vand.u32 $0x7F, v0;
	v2 =	vand.u32 $0xFFFFFC00, v2  }
0x17d: {  	v4 =	vor.u32 v0, v2  }
0x17e: {  	v2 =	vld [tilespmem:s31+$0xFFFFFFC0];
	v0 =	vshll.u32 v1, $0x3  }
0x17f: {  	v7 =	vld [tilespmem:s31+$0xFFFFFFE0];
	v8 =	vand.u32 $0xFFFFFC00, v0;
	v0 =	vshll.u32 v3, $0x3  }
0x180: {  	v6 =	vld [tilespmem:s31+$0xFFFFFFD0];
	v9 =	vand.u32 $0xFFFFFC00, v0;
	v0 =	vshll.u32 v5, $0x3  }
0x181: {  	v1 =	vand.u32 $0x7F, v1;
	v5 =	vand.u32 $0x7F, v5;
	v0 =	vand.u32 $0xFFFFFC00, v0  }
0x182: {  	v11 =	vor.u32 $0x80, v4;
	v3 =	vand.u32 $0x7F, v3;
	v0 =	vor.u32 v5, v0;
	v10 =	vld.idx.msk [tilespmem:v4+s2+$0x0], $0xffff  }
0x183: {  	v12 =	vld [tilespmem:s31+$0xFFFFFFF0];
	v1 =	vor.u32 v1, v8;
	v13 =	vshll.u32 v2, $0x3;
	v8 =	vand.u32 $0x7F, v2  }
0x184: {  	v2 =	vor.u32 v3, v9;
	v9 =	vshll.u32 v7, $0x3;
	v7 =	vand.u32 $0x7F, v7  }
0x185: {  	v5 =	vand.u32 $0xFFFFFC00, v13;
	v13 =	vshll.u32 v6, $0x3;
	v6 =	vand.u32 $0x7F, v6  }
0x186: {  	s23 =	simm.s32 $0xF000;
	v13 =	vand.u32 $0xFFFFFC00, v13;
	v3 =	vor.u32 v8, v5;
	v5 =	vand.u32 $0xFFFFFC00, v9  }
0x187: {  	v6 =	vor.u32 v6, v13;
	v7 =	vor.u32 v7, v5;
	v5 =	vld.idx.msk [tilespmem:v0+s2+$0x0], $0xffff;
	[tilespmem:s23+$0xFFFF8070] =	vst v10  }
0x188: {  	v9 =	vshll.u32 v12, $0x3;
	v8 =	vld.idx.msk [tilespmem:v11+s2+$0x0], $0xffff  }
0x189: {  	v9 =	vand.u32 $0xFFFFFC00, v9;
	v13 =	vor.u32 $0x80, v0;
	v10 =	vand.u32 $0x7F, v12;
	v11 =	vld.idx.msk [tilespmem:v1+s2+$0x0], $0xffff  }
0x18a: {  	v9 =	vor.u32 v10, v9;
	v10 =	vld.idx.msk [tilespmem:v2+s2+$0x0], $0xffff  }
0x18b: {  	v12 =	vor.u32 $0x100, v4;
	v14 =	vld.idx.msk [tilespmem:v3+s2+$0x0], $0xffff  }
0x18c: {  	v16 =	vld.idx.msk [tilespmem:v6+s2+$0x0], $0xffff  }
0x18d: {  	v15 =	vor.u32 $0x80, v1;
	v18 =	vld.idx.msk [tilespmem:v7+s2+$0x0], $0xffff;
	[tilespmem:s23+$0xFFFF8000] =	vst v5  }
0x18e: {  	v17 =	vor.u32 $0x80, v2;
	v13 =	vld.idx.msk [tilespmem:v13+s2+$0x0], $0xffff;
	[tilespmem:s23+$0xFFFF80F0] =	vst v8  }
0x18f: {  	v8 =	vor.u32 $0x80, v3;
	[tilespmem:s23+$0xFFFF8010] =	vst v11;
	v11 =	vld.idx.msk [tilespmem:v9+s2+$0x0], $0xffff  }
0x190: {  	[tilespmem:s23+$0xFFFF8020] =	vst v10;
	v5 =	vld.idx.msk [tilespmem:v12+s2+$0x0], $0xffff;
	v12 =	vor.u32 $0x80, v6  }
0x191: {  	[tilespmem:s23+$0xFFFF8030] =	vst v14;
	v14 =	vor.u32 $0x80, v7  }
0x192: {  	v10 =	vor.u32 $0x180, v4;
	v15 =	vld.idx.msk [tilespmem:v15+s2+$0x0], $0xffff;
	[tilespmem:s23+$0xFFFF8040] =	vst v16  }
0x193: {  	v17 =	vld.idx.msk [tilespmem:v17+s2+$0x0], $0xffff;
	v16 =	vor.u32 $0x80, v9;
	[tilespmem:s23+$0xFFFF8050] =	vst v18  }
0x194: {  	v18 =	vor.u32 $0x100, v0;
	[tilespmem:s23+$0xFFFF8080] =	vst v13;
	v8 =	vld.idx.msk [tilespmem:v8+s2+$0x0], $0xffff  }
0x195: {  	[tilespmem:s23+$0xFFFF8060] =	vst v11;
	v11 =	vor.u32 $0x100, v2;
	v12 =	vld.idx.msk [tilespmem:v12+s2+$0x0], $0xffff  }
0x196: {  	[tilespmem:s23+$0xFFFF8170] =	vst v5;
	v5 =	vor.u32 $0x100, v1;
	v14 =	vld.idx.msk [tilespmem:v14+s2+$0x0], $0xffff  }
0x197: {  	v13 =	vor.u32 $0x100, v3;
	[tilespmem:s23+$0xFFFF8090] =	vst v15;
	v10 =	vld.idx.msk [tilespmem:v10+s2+$0x0], $0xffff  }
0x198: {  	[tilespmem:s23+$0xFFFF80A0] =	vst v17;
	v17 =	vor.u32 $0x100, v6;
	v15 =	vld.idx.msk [tilespmem:v16+s2+$0x0], $0xffff  }
0x199: {  	v16 =	vor.u32 $0x200, v4;
	v18 =	vld.idx.msk [tilespmem:v18+s2+$0x0], $0xffff  }
0x19a: {  	[tilespmem:s23+$0xFFFF80B0] =	vst v8;
	v8 =	vor.u32 $0x100, v7;
	v11 =	vld.idx.msk [tilespmem:v11+s2+$0x0], $0xffff  }
0x19b: {  	v5 =	vld.idx.msk [tilespmem:v5+s2+$0x0], $0xffff;
	[tilespmem:s23+$0xFFFF80C0] =	vst v12;
	v12 =	vor.u32 $0x100, v9  }
0x19c: {  	v13 =	vld.idx.msk [tilespmem:v13+s2+$0x0], $0xffff;
	[tilespmem:s23+$0xFFFF81F0] =	vst v10;
	v10 =	vor.u32 $0x180, v0  }
0x19d: {  	[tilespmem:s23+$0xFFFF80D0] =	vst v14;
	v14 =	vor.u32 $0x180, v1;
	v17 =	vld.idx.msk [tilespmem:v17+s2+$0x0], $0xffff  }
0x19e: {  	[tilespmem:s23+$0xFFFF80E0] =	vst v15;
	v15 =	vor.u32 $0x180, v2;
	v16 =	vld.idx.msk [tilespmem:v16+s2+$0x0], $0xffff  }
0x19f: {  	[tilespmem:s23+$0xFFFF8100] =	vst v18;
	v18 =	vor.u32 $0x280, v4;
	v8 =	vld.idx.msk [tilespmem:v8+s2+$0x0], $0xffff  }
0x1a0: {  	[tilespmem:s23+$0xFFFF8120] =	vst v11;
	v11 =	vor.u32 $0x180, v6;
	v12 =	vld.idx.msk [tilespmem:v12+s2+$0x0], $0xffff  }
0x1a1: {  	[tilespmem:s23+$0xFFFF8110] =	vst v5;
	v5 =	vor.u32 $0x180, v3;
	v10 =	vld.idx.msk [tilespmem:v10+s2+$0x0], $0xffff  }
0x1a2: {  	[tilespmem:s23+$0xFFFF8130] =	vst v13;
	v13 =	vor.u32 $0x180, v7;
	v14 =	vld.idx.msk [tilespmem:v14+s2+$0x0], $0xffff  }
0x1a3: {  	v15 =	vld.idx.msk [tilespmem:v15+s2+$0x0], $0xffff;
	[tilespmem:s23+$0xFFFF8270] =	vst v16;
	v16 =	vor.u32 $0x180, v9  }
0x1a4: {  	[tilespmem:s23+$0xFFFF8140] =	vst v17;
	v17 =	vor.u32 $0x200, v0;
	v18 =	vld.idx.msk [tilespmem:v18+s2+$0x0], $0xffff  }
0x1a5: {  	[tilespmem:s23+$0xFFFF8150] =	vst v8;
	v8 =	vor.u32 $0x200, v1;
	v11 =	vld.idx.msk [tilespmem:v11+s2+$0x0], $0xffff  }
0x1a6: {  	v5 =	vld.idx.msk [tilespmem:v5+s2+$0x0], $0xffff;
	[tilespmem:s23+$0xFFFF8160] =	vst v12;
	v12 =	vor.u32 $0x300, v4  }
0x1a7: {  	v13 =	vld.idx.msk [tilespmem:v13+s2+$0x0], $0xffff;
	[tilespmem:s23+$0xFFFF8180] =	vst v10;
	v10 =	vor.u32 $0x200, v2  }
0x1a8: {  	[tilespmem:s23+$0xFFFF8190] =	vst v14;
	v14 =	vor.u32 $0x200, v3;
	v16 =	vld.idx.msk [tilespmem:v16+s2+$0x0], $0xffff  }
0x1a9: {  	[tilespmem:s23+$0xFFFF81A0] =	vst v15;
	v15 =	vor.u32 $0x200, v6;
	v17 =	vld.idx.msk [tilespmem:v17+s2+$0x0], $0xffff  }
0x1aa: {  	[tilespmem:s23+$0xFFFF82F0] =	vst v18;
	v18 =	vor.u32 $0x200, v7;
	v8 =	vld.idx.msk [tilespmem:v8+s2+$0x0], $0xffff  }
0x1ab: {  	[tilespmem:s23+$0xFFFF81C0] =	vst v11;
	v11 =	vor.u32 $0x280, v0;
	v12 =	vld.idx.msk [tilespmem:v12+s2+$0x0], $0xffff  }
0x1ac: {  	[tilespmem:s23+$0xFFFF81B0] =	vst v5;
	v5 =	vor.u32 $0x200, v9;
	v10 =	vld.idx.msk [tilespmem:v10+s2+$0x0], $0xffff  }
0x1ad: {  	[tilespmem:s23+$0xFFFF81D0] =	vst v13;
	v13 =	vor.u32 $0x380, v4;
	v14 =	vld.idx.msk [tilespmem:v14+s2+$0x0], $0xffff  }
0x1ae: {  	v15 =	vld.idx.msk [tilespmem:v15+s2+$0x0], $0xffff;
	[tilespmem:s23+$0xFFFF81E0] =	vst v16;
	v16 =	vor.u32 $0x280, v1  }
0x1af: {  	[tilespmem:s23+$0xFFFF8200] =	vst v17;
	v17 =	vor.u32 $0x280, v2;
	v18 =	vld.idx.msk [tilespmem:v18+s2+$0x0], $0xffff  }
0x1b0: {  	[tilespmem:s23+$0xFFFF8210] =	vst v8;
	v8 =	vor.u32 $0x280, v3;
	v11 =	vld.idx.msk [tilespmem:v11+s2+$0x0], $0xffff  }
0x1b1: {  	v5 =	vld.idx.msk [tilespmem:v5+s2+$0x0], $0xffff;
	[tilespmem:s23+$0xFFFF8370] =	vst v12;
	v12 =	vor.u32 $0x280, v6  }
0x1b2: {  	[tilespmem:s23+$0xFFFF8220] =	vst v10;
	v10 =	vor.u32 $0x280, v7;
	v13 =	vld.idx.msk [tilespmem:v13+s2+$0x0], $0xffff  }
0x1b3: {  	[tilespmem:s23+$0xFFFF8230] =	vst v14;
	v14 =	vor.u32 $0x280, v9;
	v16 =	vld.idx.msk [tilespmem:v16+s2+$0x0], $0xffff  }
0x1b4: {  	[tilespmem:s23+$0xFFFF8240] =	vst v15;
	v15 =	vadd.s32 $0x2000, v4;
	v17 =	vld.idx.msk [tilespmem:v17+s2+$0x0], $0xffff  }
0x1b5: {  	[tilespmem:s23+$0xFFFF8250] =	vst v18;
	v18 =	vor.u32 $0x300, v0;
	v8 =	vld.idx.msk [tilespmem:v8+s2+$0x0], $0xffff  }
0x1b6: {  	[tilespmem:s23+$0xFFFF8280] =	vst v11;
	v11 =	vor.u32 $0x300, v2;
	v12 =	vld.idx.msk [tilespmem:v12+s2+$0x0], $0xffff  }
0x1b7: {  	[tilespmem:s23+$0xFFFF8260] =	vst v5;
	v5 =	vor.u32 $0x300, v1;
	v10 =	vld.idx.msk [tilespmem:v10+s2+$0x0], $0xffff  }
0x1b8: {  	[tilespmem:s23+$0xFFFF83F0] =	vst v13;
	v13 =	vor.u32 $0x300, v3;
	v14 =	vld.idx.msk [tilespmem:v14+s2+$0x0], $0xffff  }
0x1b9: {  	[tilespmem:s23+$0xFFFF8290] =	vst v16;
	v16 =	vor.u32 $0x300, v6;
	v15 =	vld.idx.msk [tilespmem:v15+s2+$0x0], $0xffff  }
0x1ba: {  	[tilespmem:s23+$0xFFFF82A0] =	vst v17;
	v17 =	vor.u32 $0x300, v7;
	v18 =	vld.idx.msk [tilespmem:v18+s2+$0x0], $0xffff  }
0x1bb: {  	[tilespmem:s23+$0xFFFF82B0] =	vst v8;
	v8 =	vadd.s32 $0x2080, v4;
	v11 =	vld.idx.msk [tilespmem:v11+s2+$0x0], $0xffff  }
0x1bc: {  	v5 =	vld.idx.msk [tilespmem:v5+s2+$0x0], $0xffff;
	[tilespmem:s23+$0xFFFF82C0] =	vst v12;
	v12 =	vor.u32 $0x300, v9  }
0x1bd: {  	[tilespmem:s23+$0xFFFF82D0] =	vst v10;
	v10 =	vor.u32 $0x380, v0;
	v13 =	vld.idx.msk [tilespmem:v13+s2+$0x0], $0xffff  }
0x1be: {  	[tilespmem:s23+$0xFFFF82E0] =	vst v14;
	v14 =	vor.u32 $0x380, v1;
	v16 =	vld.idx.msk [tilespmem:v16+s2+$0x0], $0xffff  }
0x1bf: {  	[tilespmem:s23+$0x70] =	vst v15;
	v15 =	vor.u32 $0x380, v2;
	v17 =	vld.idx.msk [tilespmem:v17+s2+$0x0], $0xffff  }
0x1c0: {  	[tilespmem:s23+$0xFFFF8300] =	vst v18;
	v18 =	vor.u32 $0x380, v3;
	v8 =	vld.idx.msk [tilespmem:v8+s2+$0x0], $0xffff  }
0x1c1: {  	[tilespmem:s23+$0xFFFF8310] =	vst v5;
	v5 =	vor.u32 $0x380, v6;
	v12 =	vld.idx.msk [tilespmem:v12+s2+$0x0], $0xffff  }
0x1c2: {  	[tilespmem:s23+$0xFFFF8320] =	vst v11;
	v11 =	vadd.s32 $0x2100, v4;
	v10 =	vld.idx.msk [tilespmem:v10+s2+$0x0], $0xffff  }
0x1c3: {  	[tilespmem:s23+$0xFFFF8330] =	vst v13;
	v13 =	vor.u32 $0x380, v7;
	v14 =	vld.idx.msk [tilespmem:v14+s2+$0x0], $0xffff  }
0x1c4: {  	[tilespmem:s23+$0xFFFF8340] =	vst v16;
	v16 =	vor.u32 $0x380, v9;
	v15 =	vld.idx.msk [tilespmem:v15+s2+$0x0], $0xffff  }
0x1c5: {  	[tilespmem:s23+$0xFFFF8350] =	vst v17;
	v17 =	vadd.s32 $0x2000, v0;
	v18 =	vld.idx.msk [tilespmem:v18+s2+$0x0], $0xffff  }
0x1c6: {  	[tilespmem:s23+$0xF0] =	vst v8;
	v8 =	vadd.s32 $0x2000, v1;
	v5 =	vld.idx.msk [tilespmem:v5+s2+$0x0], $0xffff  }
0x1c7: {  	[tilespmem:s23+$0xFFFF8360] =	vst v12;
	v12 =	vadd.s32 $0x2000, v2;
	v11 =	vld.idx.msk [tilespmem:v11+s2+$0x0], $0xffff  }
0x1c8: {  	[tilespmem:s23+$0xFFFF8380] =	vst v10;
	v10 =	vadd.s32 $0x2000, v3;
	v13 =	vld.idx.msk [tilespmem:v13+s2+$0x0], $0xffff  }
0x1c9: {  	[tilespmem:s23+$0xFFFF8390] =	vst v14;
	v14 =	vld.idx.msk [tilespmem:v16+s2+$0x0], $0xffff;
	v16 =	vadd.s32 $0x2180, v4  }
0x1ca: {  	[tilespmem:s23+$0xFFFF83A0] =	vst v15;
	v15 =	vadd.s32 $0x2000, v6;
	v17 =	vld.idx.msk [tilespmem:v17+s2+$0x0], $0xffff  }
0x1cb: {  	[tilespmem:s23+$0xFFFF83B0] =	vst v18;
	v18 =	vadd.s32 $0x2000, v7;
	v8 =	vld.idx.msk [tilespmem:v8+s2+$0x0], $0xffff  }
0x1cc: {  	[tilespmem:s23+$0xFFFF83C0] =	vst v5;
	v5 =	vadd.s32 $0x2000, v9;
	v12 =	vld.idx.msk [tilespmem:v12+s2+$0x0], $0xffff  }
0x1cd: {  	[tilespmem:s23+$0x170] =	vst v11;
	v11 =	vadd.s32 $0x2080, v0;
	v10 =	vld.idx.msk [tilespmem:v10+s2+$0x0], $0xffff  }
0x1ce: {  	[tilespmem:s23+$0xFFFF83D0] =	vst v13;
	v13 =	vadd.s32 $0x2080, v1;
	v16 =	vld.idx.msk [tilespmem:v16+s2+$0x0], $0xffff  }
0x1cf: {  	[tilespmem:s23+$0xFFFF83E0] =	vst v14;
	v14 =	vadd.s32 $0x2080, v2;
	v15 =	vld.idx.msk [tilespmem:v15+s2+$0x0], $0xffff  }
0x1d0: {  	[tilespmem:s23+$0x0] =	vst v17;
	v17 =	vld.idx.msk [tilespmem:v18+s2+$0x0], $0xffff;
	v18 =	vadd.s32 $0x2200, v4  }
0x1d1: {  	[tilespmem:s23+$0x10] =	vst v8;
	v8 =	vadd.s32 $0x2080, v3;
	v5 =	vld.idx.msk [tilespmem:v5+s2+$0x0], $0xffff  }
0x1d2: {  	[tilespmem:s23+$0x20] =	vst v12;
	v12 =	vadd.s32 $0x2080, v6;
	v11 =	vld.idx.msk [tilespmem:v11+s2+$0x0], $0xffff  }
0x1d3: {  	[tilespmem:s23+$0x30] =	vst v10;
	v10 =	vadd.s32 $0x2080, v7;
	v13 =	vld.idx.msk [tilespmem:v13+s2+$0x0], $0xffff  }
0x1d4: {  	[tilespmem:s23+$0x1F0] =	vst v16;
	v16 =	vadd.s32 $0x2080, v9;
	v14 =	vld.idx.msk [tilespmem:v14+s2+$0x0], $0xffff  }
0x1d5: {  	[tilespmem:s23+$0x40] =	vst v15;
	v15 =	vadd.s32 $0x2100, v0;
	v18 =	vld.idx.msk [tilespmem:v18+s2+$0x0], $0xffff  }
0x1d6: {  	[tilespmem:s23+$0x50] =	vst v17;
	v17 =	vadd.s32 $0x2100, v1;
	v8 =	vld.idx.msk [tilespmem:v8+s2+$0x0], $0xffff  }
0x1d7: {  	v12 =	vld.idx.msk [tilespmem:v12+s2+$0x0], $0xffff;
	[tilespmem:s23+$0x60] =	vst v5;
	v5 =	vadd.s32 $0x2280, v4  }
0x1d8: {  	[tilespmem:s23+$0x80] =	vst v11;
	v11 =	vadd.s32 $0x2100, v2;
	v10 =	vld.idx.msk [tilespmem:v10+s2+$0x0], $0xffff  }
0x1d9: {  	[tilespmem:s23+$0x90] =	vst v13;
	v13 =	vadd.s32 $0x2100, v3;
	v16 =	vld.idx.msk [tilespmem:v16+s2+$0x0], $0xffff  }
0x1da: {  	[tilespmem:s23+$0xA0] =	vst v14;
	v14 =	vadd.s32 $0x2100, v6;
	v15 =	vld.idx.msk [tilespmem:v15+s2+$0x0], $0xffff  }
0x1db: {  	[tilespmem:s23+$0x270] =	vst v18;
	v18 =	vadd.s32 $0x2100, v7;
	v17 =	vld.idx.msk [tilespmem:v17+s2+$0x0], $0xffff  }
0x1dc: {  	[tilespmem:s23+$0xB0] =	vst v8;
	v8 =	vadd.s32 $0x2100, v9;
	v5 =	vld.idx.msk [tilespmem:v5+s2+$0x0], $0xffff  }
0x1dd: {  	[tilespmem:s23+$0xC0] =	vst v12;
	v12 =	vadd.s32 $0x2180, v0;
	v11 =	vld.idx.msk [tilespmem:v11+s2+$0x0], $0xffff  }
0x1de: {  	v13 =	vld.idx.msk [tilespmem:v13+s2+$0x0], $0xffff;
	[tilespmem:s23+$0xD0] =	vst v10;
	v10 =	vadd.s32 $0x2300, v4  }
0x1df: {  	[tilespmem:s23+$0xE0] =	vst v16;
	v16 =	vadd.s32 $0x2180, v1;
	v14 =	vld.idx.msk [tilespmem:v14+s2+$0x0], $0xffff  }
0x1e0: {  	[tilespmem:s23+$0x100] =	vst v15;
	v15 =	vadd.s32 $0x2180, v2;
	v18 =	vld.idx.msk [tilespmem:v18+s2+$0x0], $0xffff  }
0x1e1: {  	[tilespmem:s23+$0x110] =	vst v17;
	v17 =	vadd.s32 $0x2180, v3;
	v8 =	vld.idx.msk [tilespmem:v8+s2+$0x0], $0xffff  }
0x1e2: {  	[tilespmem:s23+$0x2F0] =	vst v5;
	v5 =	vadd.s32 $0x2180, v6;
	v12 =	vld.idx.msk [tilespmem:v12+s2+$0x0], $0xffff  }
0x1e3: {  	[tilespmem:s23+$0x120] =	vst v11;
	v11 =	vadd.s32 $0x2180, v7;
	v10 =	vld.idx.msk [tilespmem:v10+s2+$0x0], $0xffff  }
0x1e4: {  	[tilespmem:s23+$0x130] =	vst v13;
	v13 =	vadd.s32 $0x2180, v9;
	v16 =	vld.idx.msk [tilespmem:v16+s2+$0x0], $0xffff  }
0x1e5: {  	v4 =	vadd.s32 $0x2380, v4;
	[tilespmem:s23+$0x140] =	vst v14;
	v14 =	vld.idx.msk [tilespmem:v15+s2+$0x0], $0xffff  }
0x1e6: {  	v15 =	vadd.s32 $0x2200, v0;
	[tilespmem:s23+$0x150] =	vst v18;
	v17 =	vld.idx.msk [tilespmem:v17+s2+$0x0], $0xffff  }
0x1e7: {  	[tilespmem:s23+$0x160] =	vst v8;
	v8 =	vadd.s32 $0x2200, v1;
	v5 =	vld.idx.msk [tilespmem:v5+s2+$0x0], $0xffff  }
0x1e8: {  	[tilespmem:s23+$0x180] =	vst v12;
	v12 =	vadd.s32 $0x2200, v2;
	v11 =	vld.idx.msk [tilespmem:v11+s2+$0x0], $0xffff  }
0x1e9: {  	[tilespmem:s23+$0x370] =	vst v10;
	v10 =	vadd.s32 $0x2200, v3;
	v13 =	vld.idx.msk [tilespmem:v13+s2+$0x0], $0xffff  }
0x1ea: {  	[tilespmem:s23+$0x190] =	vst v16;
	v16 =	vadd.s32 $0x2200, v6;
	v4 =	vld.idx.msk [tilespmem:v4+s2+$0x0], $0xffff  }
0x1eb: {  	[tilespmem:s23+$0x1A0] =	vst v14;
	v14 =	vadd.s32 $0x2200, v7;
	v15 =	vld.idx.msk [tilespmem:v15+s2+$0x0], $0xffff  }
0x1ec: {  	[tilespmem:s23+$0x1B0] =	vst v17;
	v17 =	vadd.s32 $0x2200, v9;
	v8 =	vld.idx.msk [tilespmem:v8+s2+$0x0], $0xffff  }
0x1ed: {  	[tilespmem:s23+$0x1C0] =	vst v5;
	v5 =	vadd.s32 $0x2280, v0;
	v12 =	vld.idx.msk [tilespmem:v12+s2+$0x0], $0xffff  }
0x1ee: {  	[tilespmem:s23+$0x1D0] =	vst v11;
	v11 =	vadd.s32 $0x2280, v1;
	v10 =	vld.idx.msk [tilespmem:v10+s2+$0x0], $0xffff  }
0x1ef: {  	[tilespmem:s23+$0x1E0] =	vst v13;
	v13 =	vadd.s32 $0x2280, v2;
	v16 =	vld.idx.msk [tilespmem:v16+s2+$0x0], $0xffff  }
0x1f0: {  	[tilespmem:s23+$0x3F0] =	vst v4;
	v4 =	vadd.s32 $0x2280, v3;
	v14 =	vld.idx.msk [tilespmem:v14+s2+$0x0], $0xffff  }
0x1f1: {  	[tilespmem:s23+$0x200] =	vst v15;
	v15 =	vadd.s32 $0x2280, v6;
	v17 =	vld.idx.msk [tilespmem:v17+s2+$0x0], $0xffff  }
0x1f2: {  	[tilespmem:s23+$0x210] =	vst v8;
	v8 =	vadd.s32 $0x2280, v7;
	v5 =	vld.idx.msk [tilespmem:v5+s2+$0x0], $0xffff  }
0x1f3: {  	[tilespmem:s23+$0x220] =	vst v12;
	v12 =	vadd.s32 $0x2280, v9;
	v11 =	vld.idx.msk [tilespmem:v11+s2+$0x0], $0xffff  }
0x1f4: {  	[tilespmem:s23+$0x230] =	vst v10;
	v10 =	vadd.s32 $0x2300, v0;
	v18 =	vld.idx.msk [tilespmem:v13+s2+$0x0], $0xffff  }
0x1f5: {  	v13 =	vadd.s32 $0x2300, v1;
	[tilespmem:s23+$0x240] =	vst v16;
	v4 =	vld.idx.msk [tilespmem:v4+s2+$0x0], $0xffff  }
0x1f6: {  	[tilespmem:s23+$0x250] =	vst v14;
	v16 =	vadd.s32 $0x2300, v2;
	v19 =	vld.idx.msk [tilespmem:v15+s2+$0x0], $0xffff  }
0x1f7: {  	[tilespmem:s23+$0x260] =	vst v17;
	v17 =	vadd.s32 $0x2300, v3;
	v20 =	vld.idx.msk [tilespmem:v8+s2+$0x0], $0xffff  }
0x1f8: {  	v21 =	vadd.s32 $0x2300, v6;
	[tilespmem:s23+$0x280] =	vst v5;
	v15 =	vld.idx.msk [tilespmem:v12+s2+$0x0], $0xffff  }
0x1f9: {  	[tilespmem:s23+$0x290] =	vst v11;
	v14 =	vld.idx.msk [tilespmem:v10+s2+$0x0], $0xffff  }
0x1fa: {  	v13 =	vld.idx.msk [tilespmem:v13+s2+$0x0], $0xffff;
	[tilespmem:s23+$0x2A0] =	vst v18  }
0x1fb: {  	v43 =	vadd.s32 $0x2380, v9;
	v8 =	vadd.s32 $0x2380, v1;
	v10 =	vadd.s32 $0x2380, v0;
	[tilespmem:s23+$0x2B0] =	vst v4;
	v0 =	vld.idx.msk [tilespmem:v16+s2+$0x0], $0xffff  }
0x1fc: {  	v12 =	vadd.s32 $0x2300, v7;
	v11 =	vadd.s32 $0x2300, v9;
	v5 =	vadd.s32 $0x2380, v3;
	[tilespmem:s23+$0x2C0] =	vst v19;
	v16 =	vld.idx.msk [tilespmem:v17+s2+$0x0], $0xffff  }
0x1fd: {  	s25 =	simm.s32 $0x40;
	s26 =	simm.s32 $0x44F0;
	s24 =	simm.s32 $0xF000;
	v3 =	vadd.s32 $0x2380, v6;
	v4 =	vadd.s32 $0x2380, v2;
	v2 =	vadd.s32 $0x2380, v7;
	[tilespmem:s23+$0x2D0] =	vst v20;
	v6 =	vld.idx.msk [tilespmem:v21+s2+$0x0], $0xffff  }
.LBB2_4:
0x1fe: {  	v7 =	vld [tilespmem:s26+$0x0]  }
0x1ff: {  	v9 =	vld [tilespmem:s26+$0xFFFFFFA0]  }
0x200: {  	[tilespmem:s23+$0x300] =	vst v14;
	v14 =	vld [tilespmem:s26+$0xFFFFFFB0]  }
0x201: {  	[tilespmem:s23+$0x2E0] =	vst v15;
	v15 =	vld [tilespmem:s26+$0xFFFFFFD0]  }
0x202: {  	v12 =	vld.idx.msk [tilespmem:v12+s2+$0x0], $0xffff  }
0x203: {  	v17 =	vld [tilespmem:s26+$0xFFFFFFF0]  }
0x204: {  	v18 =	vld [tilespmem:s26+$0xFFFFFF90]  }
0x205: {  	v11 =	vld.idx.msk [tilespmem:v11+s2+$0x0], $0xffff;
	[tilespmem:s23+$0x310] =	vst v13  }
0x206: {  	v10 =	vld.idx.msk [tilespmem:v10+s2+$0x0], $0xffff;
	[tilespmem:s23+$0x320] =	vst v0  }
0x207: {  	v13 =	vld [tilespmem:s26+$0xFFFFFFC0];
	[tilespmem:s23+$0x340] =	vst v6;
	v0 =	vshll.u32 v7, $0x3;
	v6 =	vshll.u32 v9, $0x3;
	v7 =	vand.u32 $0x7F, v7  }
0x208: {  	v19 =	vshll.u32 v14, $0x3;
	v14 =	vand.u32 $0x7F, v14;
	v20 =	vshll.u32 v15, $0x3;
	v23 =	vld.idx.msk [tilespmem:v8+s2+$0x0], $0xffff  }
0x209: {  	[tilespmem:s23+$0x330] =	vst v16;
	v15 =	vand.u32 $0x7F, v15;
	v25 =	vld.idx.msk [tilespmem:v4+s2+$0x0], $0xffff;
	v0 =	vand.u32 $0xFFFFFC00, v0;
	v6 =	vand.u32 $0xFFFFFC00, v6  }
0x20a: {  	v16 =	vld [tilespmem:s26+$0xFFFFFFE0];
	[tilespmem:s23+$0x350] =	vst v12;
	v20 =	vand.u32 $0xFFFFFC00, v20;
	v8 =	vand.u32 $0x7F, v18;
	v18 =	vshll.u32 v18, $0x3  }
0x20b: {  	v22 =	vshll.u32 v17, $0x3;
	[tilespmem:s23+$0x360] =	vst v11;
	v1 =	vor.u32 v7, v0;
	v18 =	vand.u32 $0xFFFFFC00, v18  }
0x20c: {  	[tilespmem:s23+$0x380] =	vst v10;
	v7 =	vand.u32 $0x7F, v9;
	v52 =	vor.u32 v15, v20;
	v15 =	vld.idx.msk [tilespmem:v43+s2+$0x0], $0xffff;
	v8 =	vor.u32 v8, v18  }
0x20d: {  	v17 =	vand.u32 $0x7F, v17;
	v9 =	vand.u32 $0xFFFFFC00, v19;
	v4 =	vor.u32 v7, v6;
	v7 =	vld.idx.msk [tilespmem:v5+s2+$0x0], $0xffff;
	[tilespmem:s24+$0x390] =	vst v23  }
0x20e: {  	v22 =	vand.u32 $0xFFFFFC00, v22;
	v59 =	vor.u32 v14, v9;
	v9 =	vld.idx.msk [tilespmem:v3+s2+$0x0], $0xffff;
	v0 =	vadd.s32 $0x2000, v8;
	[tilespmem:s24+$0x3A0] =	vst v25  }
0x20f: {  	v56 =	vor.u32 v17, v22;
	v14 =	vld.idx.msk [tilespmem:v2+s2+$0x0], $0xffff;
	v19 =	vshll.u32 v13, $0x3;
	v10 =	vadd.s32 $0x2080, v4;
	[tilespmem:$0x1FB80] =	vst v0  }
0x210: {  	v13 =	vand.u32 $0x7F, v13;
	v21 =	vshll.u32 v16, $0x3;
	v19 =	vand.u32 $0xFFFFFC00, v19;
	[tilespmem:$0x1FB90] =	vst v10;
	v24 =	vld.idx.msk [tilespmem:v1+s2+$0x0], $0xffff  }
0x211: {  	v16 =	vand.u32 $0x7F, v16;
	v21 =	vand.u32 $0xFFFFFC00, v21;
	v5 =	vor.u32 v13, v19;
	[tilespmem:s24+$0x3E0] =	vst v15;
	v62 =	vld.idx.msk [tilespmem:v8+s2+$0x0], $0xffff  }
0x212: {  	v58 =	vor.u32 v16, v21;
	[tilespmem:s24+$0x3B0] =	vst v7;
	v23 =	vld.idx.msk [tilespmem:v4+s2+$0x0], $0xffff  }
0x213: {  	v6 =	vor.u32 $0x80, v1;
	v26 =	vld.idx.msk [tilespmem:v59+s2+$0x0], $0xffff;
	[tilespmem:s24+$0x3C0] =	vst v9  }
0x214: {  	s23 =	sadd.s32 $0x400, s23;
	v27 =	vor.u32 $0x80, v8;
	[tilespmem:s24+$0x3D0] =	vst v14;
	v47 =	vld.idx.msk [tilespmem:v56+s2+$0x0], $0xffff  }
0x215: {  	v28 =	vor.u32 $0x80, v4;
	v35 =	vld.idx.msk [tilespmem:v52+s2+$0x0], $0xffff;
	[tilespmem:s23+$0xFFFF8070] =	vst v24  }
0x216: {  	v29 =	vor.u32 $0x80, v59;
	v34 =	vld.idx.msk [tilespmem:v5+s2+$0x0], $0xffff;
	[tilespmem:s23+$0xFFFF8000] =	vst v62  }
0x217: {  	v40 =	vor.u32 $0x80, v56;
	v37 =	vld.idx.msk [tilespmem:v58+s2+$0x0], $0xffff;
	[tilespmem:s23+$0xFFFF8010] =	vst v23  }
0x218: {  	v38 =	vor.u32 $0x80, v52;
	v17 =	vld.idx.msk [tilespmem:v6+s2+$0x0], $0xffff;
	[tilespmem:s23+$0xFFFF8020] =	vst v26  }
0x219: {  	[tilespmem:s23+$0xFFFF8060] =	vst v47;
	v48 =	vld.idx.msk [tilespmem:v27+s2+$0x0], $0xffff  }
0x21a: {  	v33 =	vor.u32 $0x80, v5;
	v50 =	vld.idx.msk [tilespmem:v28+s2+$0x0], $0xffff;
	[tilespmem:s23+$0xFFFF8040] =	vst v35  }
0x21b: {  	v53 =	vld.idx.msk [tilespmem:v29+s2+$0x0], $0xffff;
	[tilespmem:s23+$0xFFFF8030] =	vst v34  }
0x21c: {  	v39 =	vor.u32 $0x80, v58;
	v40 =	vld.idx.msk [tilespmem:v40+s2+$0x0], $0xffff;
	[tilespmem:s23+$0xFFFF8050] =	vst v37  }
0x21d: {  	v7 =	vld.idx.msk [tilespmem:v38+s2+$0x0], $0xffff;
	[tilespmem:s23+$0xFFFF80F0] =	vst v17  }
0x21e: {  	[tilespmem:s23+$0xFFFF8080] =	vst v48  }
0x21f: {  	v63 =	vor.u32 $0x100, v1;
	v6 =	vld.idx.msk [tilespmem:v33+s2+$0x0], $0xffff;
	[tilespmem:s23+$0xFFFF8090] =	vst v50  }
0x220: {  	[tilespmem:s23+$0xFFFF80A0] =	vst v53  }
0x221: {  	v2 =	vld.idx.msk [tilespmem:v39+s2+$0x0], $0xffff;
	[tilespmem:s23+$0xFFFF80E0] =	vst v40  }
0x222: {  	[tilespmem:s23+$0xFFFF80C0] =	vst v7;
	v7 =	vadd.s32 $0x2100, v59  }
0x223: {  	[tilespmem:$0x1FC00] =	vst v7  }
0x224: {  	v41 =	vor.u32 $0x100, v8;
	v46 =	vld.idx.msk [tilespmem:v63+s2+$0x0], $0xffff;
	v7 =	vadd.s32 $0x2100, v5;
	[tilespmem:s23+$0xFFFF80B0] =	vst v6  }
0x225: {  	v42 =	vor.u32 $0x100, v4;
	[tilespmem:$0x1FC10] =	vst v7  }
0x226: {  	v43 =	vor.u32 $0x100, v59;
	v6 =	vadd.s32 $0x2080, v5;
	[tilespmem:s23+$0xFFFF80D0] =	vst v2  }
0x227: {  	v2 =	vadd.s32 $0x2100, v58;
	[tilespmem:$0x1FBA0] =	vst v6  }
0x228: {  	[tilespmem:$0x1FC30] =	vst v2  }
0x229: {  	v9 =	vld.idx.msk [tilespmem:v41+s2+$0x0], $0xffff;
	v6 =	vadd.s32 $0x2080, v52;
	[tilespmem:s23+$0xFFFF8170] =	vst v46  }
0x22a: {  	v10 =	vld.idx.msk [tilespmem:v42+s2+$0x0], $0xffff;
	v2 =	vadd.s32 $0x2100, v56;
	[tilespmem:$0x1FBB0] =	vst v6  }
0x22b: {  	v43 =	vld.idx.msk [tilespmem:v43+s2+$0x0], $0xffff;
	v6 =	vadd.s32 $0x2100, v8;
	[tilespmem:$0x1FC40] =	vst v2  }
0x22c: {  	v2 =	vadd.s32 $0x2180, v8;
	[tilespmem:$0x1FBE0] =	vst v6  }
0x22d: {  	[tilespmem:$0x1FC50] =	vst v2  }
0x22e: {  	v11 =	vor.u32 $0x100, v5;
	[tilespmem:s23+$0xFFFF8100] =	vst v9  }
0x22f: {  	[tilespmem:s23+$0xFFFF8110] =	vst v10  }
0x230: {  	v49 =	vor.u32 $0x180, v1;
	v6 =	vadd.s32 $0x2080, v58;
	[tilespmem:s23+$0xFFFF8120] =	vst v43  }
0x231: {  	v12 =	vor.u32 $0x100, v52;
	v2 =	vadd.s32 $0x2180, v4;
	[tilespmem:$0x1FBC0] =	vst v6  }
0x232: {  	v16 =	vor.u32 $0x100, v56;
	v10 =	vadd.s32 $0x2180, v58;
	[tilespmem:$0x1FC60] =	vst v2  }
0x233: {  	v11 =	vld.idx.msk [tilespmem:v11+s2+$0x0], $0xffff;
	v6 =	vadd.s32 $0x2080, v56;
	[tilespmem:$0x1FCA0] =	vst v10  }
0x234: {  	v2 =	vadd.s32 $0x2180, v59;
	[tilespmem:$0x1FBD0] =	vst v6  }
0x235: {  	v3 =	vld.idx.msk [tilespmem:v49+s2+$0x0], $0xffff;
	v6 =	vadd.s32 $0x2100, v4;
	[tilespmem:$0x1FC70] =	vst v2  }
0x236: {  	v2 =	vld.idx.msk [tilespmem:v12+s2+$0x0], $0xffff;
	v12 =	vadd.s32 $0x2200, v8;
	[tilespmem:$0x1FBF0] =	vst v6  }
0x237: {  	v10 =	vld.idx.msk [tilespmem:v16+s2+$0x0], $0xffff;
	[tilespmem:$0x1FCC0] =	vst v12  }
0x238: {  	v12 =	vadd.s32 $0x2180, v56;
	[tilespmem:s23+$0xFFFF8130] =	vst v11  }
0x239: {  	v0 =	vor.u32 $0x200, v1;
	[tilespmem:$0x1FCB0] =	vst v12  }
0x23a: {  	v13 =	vor.u32 $0x100, v58;
	[tilespmem:s23+$0xFFFF81F0] =	vst v3;
	v3 =	vadd.s32 $0x2100, v52  }
0x23b: {  	[tilespmem:$0x1FC20] =	vst v3  }
0x23c: {  	v21 =	vor.u32 $0x180, v59;
	v3 =	vadd.s32 $0x2180, v5;
	[tilespmem:s23+$0xFFFF8160] =	vst v10  }
0x23d: {  	v18 =	vor.u32 $0x180, v8;
	[tilespmem:$0x1FC80] =	vst v3  }
0x23e: {  	v0 =	vld.idx.msk [tilespmem:v0+s2+$0x0], $0xffff;
	v3 =	vadd.s32 $0x2180, v52;
	[tilespmem:s23+$0xFFFF8140] =	vst v2  }
0x23f: {  	v24 =	vor.u32 $0x180, v52;
	[tilespmem:$0x1FC90] =	vst v3;
	v3 =	vld.idx.msk [tilespmem:v13+s2+$0x0], $0xffff;
	v13 =	vadd.s32 $0x2200, v4  }
0x240: {  	v19 =	vor.u32 $0x180, v4;
	v7 =	vld [tilespmem:$0x1FBB0];
	[tilespmem:$0x1FCD0] =	vst v13;
	v13 =	vadd.s32 $0x2200, v59  }
0x241: {  	v9 =	vor.u32 $0x280, v1;
	v16 =	vld.idx.msk [tilespmem:v21+s2+$0x0], $0xffff;
	[tilespmem:$0x1FCE0] =	vst v13;
	v13 =	vadd.s32 $0x2200, v5  }
0x242: {  	v22 =	vor.u32 $0x180, v5;
	v12 =	vld.idx.msk [tilespmem:v18+s2+$0x0], $0xffff;
	[tilespmem:$0x1FCF0] =	vst v13  }
0x243: {  	v14 =	vor.u32 $0x200, v8;
	v6 =	vld [tilespmem:$0x1FB80];
	[tilespmem:s23+$0xFFFF8270] =	vst v0;
	v0 =	vadd.s32 $0x2280, v5  }
0x244: {  	v30 =	vor.u32 $0x180, v58;
	v18 =	vld.idx.msk [tilespmem:v24+s2+$0x0], $0xffff;
	[tilespmem:$0x1FD60] =	vst v0;
	v0 =	vadd.s32 $0x2280, v52  }
0x245: {  	v31 =	vor.u32 $0x180, v56;
	v13 =	vld.idx.msk [tilespmem:v19+s2+$0x0], $0xffff;
	[tilespmem:$0x1FD70] =	vst v0;
	v0 =	vadd.s32 $0x2280, v58  }
0x246: {  	v32 =	vor.u32 $0x200, v4;
	[tilespmem:$0x1FD80] =	vst v0;
	v0 =	vld.idx.msk [tilespmem:v9+s2+$0x0], $0xffff  }
0x247: {  	v36 =	vor.u32 $0x200, v59;
	[tilespmem:s23+$0xFFFF8180] =	vst v12;
	v9 =	vld.idx.msk [tilespmem:v22+s2+$0x0], $0xffff  }
0x248: {  	v14 =	vld.idx.msk [tilespmem:v14+s2+$0x0], $0xffff;
	v19 =	vor.u32 $0x300, v1;
	[tilespmem:s23+$0xFFFF8150] =	vst v3  }
0x249: {  	v15 =	vor.u32 $0x200, v5;
	[tilespmem:s23+$0xFFFF81A0] =	vst v16;
	v30 =	vld.idx.msk [tilespmem:v30+s2+$0x0], $0xffff  }
0x24a: {  	v44 =	vor.u32 $0x200, v52;
	[tilespmem:s23+$0xFFFF8190] =	vst v13;
	v13 =	vld.idx.msk [tilespmem:v31+s2+$0x0], $0xffff  }
0x24b: {  	v45 =	vor.u32 $0x200, v58;
	v16 =	vld.idx.msk [tilespmem:v32+s2+$0x0], $0xffff;
	[tilespmem:s23+$0xFFFF82F0] =	vst v0  }
0x24c: {  	v17 =	vor.u32 $0x200, v56;
	[tilespmem:s23+$0xFFFF81B0] =	vst v9;
	v9 =	vld.idx.msk [tilespmem:v36+s2+$0x0], $0xffff  }
0x24d: {  	v20 =	vor.u32 $0x280, v8;
	[tilespmem:s23+$0xFFFF81C0] =	vst v18;
	v0 =	vld.idx.msk [tilespmem:v19+s2+$0x0], $0xffff  }
0x24e: {  	v51 =	vor.u32 $0x280, v4;
	[tilespmem:s23+$0xFFFF8200] =	vst v14;
	v15 =	vld.idx.msk [tilespmem:v15+s2+$0x0], $0xffff  }
0x24f: {  	v23 =	vor.u32 $0x280, v59;
	[tilespmem:s23+$0xFFFF81D0] =	vst v30;
	v19 =	vld.idx.msk [tilespmem:v44+s2+$0x0], $0xffff  }
0x250: {  	v18 =	vor.u32 $0x380, v1;
	[tilespmem:s23+$0xFFFF81E0] =	vst v13;
	v13 =	vld.idx.msk [tilespmem:v45+s2+$0x0], $0xffff  }
0x251: {  	v25 =	vor.u32 $0x280, v5;
	[tilespmem:s23+$0xFFFF8210] =	vst v16;
	v14 =	vld.idx.msk [tilespmem:v17+s2+$0x0], $0xffff  }
0x252: {  	v54 =	vor.u32 $0x280, v52;
	v16 =	vld.idx.msk [tilespmem:v20+s2+$0x0], $0xffff;
	[tilespmem:s23+$0xFFFF8220] =	vst v9  }
0x253: {  	v26 =	vor.u32 $0x280, v58;
	v9 =	vld.idx.msk [tilespmem:v51+s2+$0x0], $0xffff;
	[tilespmem:s23+$0xFFFF8370] =	vst v0  }
0x254: {  	v27 =	vor.u32 $0x280, v56;
	[tilespmem:s23+$0xFFFF8230] =	vst v15;
	v15 =	vld.idx.msk [tilespmem:v23+s2+$0x0], $0xffff  }
0x255: {  	v55 =	vor.u32 $0x300, v8;
	[tilespmem:s23+$0xFFFF8240] =	vst v19;
	v0 =	vld.idx.msk [tilespmem:v18+s2+$0x0], $0xffff  }
0x256: {  	v28 =	vor.u32 $0x300, v4;
	v18 =	vld.idx.msk [tilespmem:v25+s2+$0x0], $0xffff;
	[tilespmem:s23+$0xFFFF8250] =	vst v13  }
0x257: {  	v57 =	vor.u32 $0x300, v59;
	v13 =	vld.idx.msk [tilespmem:v54+s2+$0x0], $0xffff;
	[tilespmem:s23+$0xFFFF8260] =	vst v14  }
0x258: {  	v17 =	vadd.s32 $0x2000, v1;
	[tilespmem:s23+$0xFFFF8280] =	vst v16;
	v14 =	vld.idx.msk [tilespmem:v26+s2+$0x0], $0xffff  }
0x259: {  	v29 =	vor.u32 $0x300, v5;
	v16 =	vld.idx.msk [tilespmem:v27+s2+$0x0], $0xffff;
	[tilespmem:s23+$0xFFFF8290] =	vst v9  }
0x25a: {  	v34 =	vor.u32 $0x300, v52;
	v9 =	vld.idx.msk [tilespmem:v55+s2+$0x0], $0xffff;
	[tilespmem:s23+$0xFFFF82A0] =	vst v15  }
0x25b: {  	v35 =	vor.u32 $0x300, v58;
	v15 =	vld.idx.msk [tilespmem:v28+s2+$0x0], $0xffff;
	[tilespmem:s23+$0xFFFF83F0] =	vst v0  }
0x25c: {  	v33 =	vor.u32 $0x300, v56;
	[tilespmem:s23+$0xFFFF82B0] =	vst v18;
	v18 =	vld.idx.msk [tilespmem:v57+s2+$0x0], $0xffff  }
0x25d: {  	v60 =	vor.u32 $0x380, v8;
	[tilespmem:s23+$0xFFFF82C0] =	vst v13;
	v0 =	vld.idx.msk [tilespmem:v17+s2+$0x0], $0xffff  }
0x25e: {  	v62 =	vor.u32 $0x380, v4;
	v13 =	vld.idx.msk [tilespmem:v29+s2+$0x0], $0xffff;
	[tilespmem:s23+$0xFFFF82D0] =	vst v14  }
0x25f: {  	v37 =	vor.u32 $0x380, v59;
	v14 =	vld.idx.msk [tilespmem:v34+s2+$0x0], $0xffff;
	[tilespmem:s23+$0xFFFF82E0] =	vst v16  }
0x260: {  	v17 =	vadd.s32 $0x2080, v1;
	v16 =	vld.idx.msk [tilespmem:v35+s2+$0x0], $0xffff;
	[tilespmem:s23+$0xFFFF8300] =	vst v9  }
0x261: {  	v61 =	vor.u32 $0x380, v5;
	v9 =	vld.idx.msk [tilespmem:v33+s2+$0x0], $0xffff;
	[tilespmem:s23+$0xFFFF8310] =	vst v15  }
0x262: {  	v63 =	vor.u32 $0x380, v52;
	v15 =	vld.idx.msk [tilespmem:v60+s2+$0x0], $0xffff;
	[tilespmem:s23+$0xFFFF8320] =	vst v18  }
0x263: {  	v38 =	vor.u32 $0x380, v58;
	v18 =	vld.idx.msk [tilespmem:v62+s2+$0x0], $0xffff;
	[tilespmem:s23+$0x70] =	vst v0  }
0x264: {  	v46 =	vor.u32 $0x380, v56;
	[tilespmem:s23+$0xFFFF8330] =	vst v13;
	v13 =	vld.idx.msk [tilespmem:v37+s2+$0x0], $0xffff  }
0x265: {  	v0 =	vld.idx.msk [tilespmem:v17+s2+$0x0], $0xffff  }
0x266: {  	[tilespmem:s23+$0xFFFF8340] =	vst v14;
	v14 =	vld.idx.msk [tilespmem:v61+s2+$0x0], $0xffff  }
0x267: {  	v47 =	vadd.s32 $0x2000, v4;
	[tilespmem:s23+$0xFFFF8350] =	vst v16;
	v16 =	vld.idx.msk [tilespmem:v63+s2+$0x0], $0xffff  }
0x268: {  	v48 =	vadd.s32 $0x2000, v59;
	[tilespmem:s23+$0xFFFF8360] =	vst v9;
	v9 =	vld.idx.msk [tilespmem:v38+s2+$0x0], $0xffff  }
0x269: {  	v17 =	vadd.s32 $0x2100, v1;
	[tilespmem:s23+$0xFFFF8380] =	vst v15;
	v15 =	vld.idx.msk [tilespmem:v46+s2+$0x0], $0xffff  }
0x26a: {  	v49 =	vadd.s32 $0x2000, v5;
	[tilespmem:s23+$0xFFFF8390] =	vst v18;
	v18 =	vld.idx.msk [tilespmem:v6+s2+$0x0], $0xffff  }
0x26b: {  	v39 =	vadd.s32 $0x2000, v52;
	v6 =	vld [tilespmem:$0x1FB90];
	[tilespmem:s23+$0xFFFF83A0] =	vst v13  }
0x26c: {  	v50 =	vadd.s32 $0x2000, v58;
	v13 =	vld.idx.msk [tilespmem:v47+s2+$0x0], $0xffff;
	[tilespmem:s23+$0xF0] =	vst v0  }
0x26d: {  	v53 =	vadd.s32 $0x2000, v56;
	[tilespmem:s23+$0xFFFF83B0] =	vst v14;
	v14 =	vld.idx.msk [tilespmem:v48+s2+$0x0], $0xffff  }
0x26e: {  	v41 =	vadd.s32 $0x2080, v8;
	[tilespmem:s23+$0xFFFF83C0] =	vst v16;
	v0 =	vld.idx.msk [tilespmem:v17+s2+$0x0], $0xffff  }
0x26f: {  	v16 =	vld.idx.msk [tilespmem:v49+s2+$0x0], $0xffff;
	[tilespmem:s23+$0xFFFF83D0] =	vst v9  }
0x270: {  	v42 =	vadd.s32 $0x2080, v59;
	v9 =	vld.idx.msk [tilespmem:v39+s2+$0x0], $0xffff;
	[tilespmem:s23+$0xFFFF83E0] =	vst v15  }
0x271: {  	v15 =	vld.idx.msk [tilespmem:v50+s2+$0x0], $0xffff;
	[tilespmem:s23+$0x0] =	vst v18  }
0x272: {  	v17 =	vadd.s32 $0x2180, v1;
	[tilespmem:s23+$0x10] =	vst v13;
	v13 =	vld.idx.msk [tilespmem:v53+s2+$0x0], $0xffff  }
0x273: {  	v18 =	vld.idx.msk [tilespmem:v41+s2+$0x0], $0xffff  }
0x274: {  	[tilespmem:s23+$0x20] =	vst v14;
	v14 =	vld.idx.msk [tilespmem:v6+s2+$0x0], $0xffff  }
0x275: {  	[tilespmem:s23+$0x30] =	vst v16;
	v16 =	vld.idx.msk [tilespmem:v42+s2+$0x0], $0xffff  }
0x276: {  	[tilespmem:s23+$0x170] =	vst v0;
	v6 =	vld [tilespmem:$0x1FBA0]  }
0x277: {  	[tilespmem:s23+$0x40] =	vst v9;
	v0 =	vld.idx.msk [tilespmem:v17+s2+$0x0], $0xffff  }
0x278: {  	v9 =	vld.idx.msk [tilespmem:v7+s2+$0x0], $0xffff  }
0x279: {  	v7 =	vld [tilespmem:$0x1FBC0]  }
0x27a: {  	v17 =	vadd.s32 $0x2200, v1;
	[tilespmem:s23+$0x50] =	vst v15;
	v15 =	vld [tilespmem:$0x1FBE0]  }
0x27b: {  	[tilespmem:s23+$0x90] =	vst v14;
	v14 =	vld [tilespmem:$0x1FBD0]  }
0x27c: {  	[tilespmem:s23+$0xA0] =	vst v16;
	v16 =	vld [tilespmem:$0x1FBF0]  }
0x27d: {  	[tilespmem:s23+$0x1F0] =	vst v0  }
0x27e: {  	[tilespmem:s23+$0xC0] =	vst v9;
	v9 =	vld [tilespmem:$0x1FC10]  }
0x27f: {  	v0 =	vld.idx.msk [tilespmem:v17+s2+$0x0], $0xffff  }
0x280: {  	[tilespmem:s23+$0x60] =	vst v13;
	v13 =	vadd.s32 $0x2280, v1;
	v6 =	vld.idx.msk [tilespmem:v6+s2+$0x0], $0xffff  }
0x281: {  	[tilespmem:s23+$0x80] =	vst v18;
	v7 =	vld.idx.msk [tilespmem:v7+s2+$0x0], $0xffff  }
0x282: {  	v15 =	vld.idx.msk [tilespmem:v15+s2+$0x0], $0xffff  }
0x283: {  	v14 =	vld.idx.msk [tilespmem:v14+s2+$0x0], $0xffff  }
0x284: {  	[tilespmem:s23+$0x270] =	vst v0;
	v16 =	vld.idx.msk [tilespmem:v16+s2+$0x0], $0xffff  }
0x285: {  	v0 =	vld.idx.msk [tilespmem:v13+s2+$0x0], $0xffff  }
0x286: {  	[tilespmem:s23+$0xB0] =	vst v6;
	v6 =	vld [tilespmem:$0x1FC00]  }
0x287: {  	v13 =	vld [tilespmem:$0x1FC20];
	[tilespmem:s23+$0xD0] =	vst v7;
	v7 =	vadd.s32 $0x2300, v1  }
0x288: {  	v9 =	vld.idx.msk [tilespmem:v9+s2+$0x0], $0xffff;
	[tilespmem:s23+$0x100] =	vst v15  }
0x289: {  	v15 =	vld [tilespmem:$0x1FC40];
	[tilespmem:s23+$0xE0] =	vst v14  }
0x28a: {  	v14 =	vld [tilespmem:$0x1FC30];
	[tilespmem:s23+$0x110] =	vst v16  }
0x28b: {  	v16 =	vld [tilespmem:$0x1FC50];
	[tilespmem:s23+$0x2F0] =	vst v0  }
0x28c: {  	v0 =	vld.idx.msk [tilespmem:v7+s2+$0x0], $0xffff  }
0x28d: {  	v1 =	vadd.s32 $0x2380, v1;
	v7 =	vld [tilespmem:$0x1FC70]  }
0x28e: {  	[tilespmem:s23+$0x130] =	vst v9;
	v9 =	vld [tilespmem:$0x1FC80]  }
0x28f: {  	v6 =	vld.idx.msk [tilespmem:v6+s2+$0x0], $0xffff  }
0x290: {  	v13 =	vld.idx.msk [tilespmem:v13+s2+$0x0], $0xffff  }
0x291: {  	v15 =	vld.idx.msk [tilespmem:v15+s2+$0x0], $0xffff;
	[tilespmem:s23+$0x370] =	vst v0  }
0x292: {  	v0 =	vld.idx.msk [tilespmem:v1+s2+$0x0], $0xffff  }
0x293: {  	v1 =	vld [tilespmem:$0x1FCC0]  }
0x294: {  	v11 =	vadd.s32 $0x2200, v52;
	v14 =	vld.idx.msk [tilespmem:v14+s2+$0x0], $0xffff  }
0x295: {  	[tilespmem:$0x1FD00] =	vst v11;
	v16 =	vld.idx.msk [tilespmem:v16+s2+$0x0], $0xffff  }
0x296: {  	[tilespmem:s23+$0x140] =	vst v13;
	v13 =	vld [tilespmem:$0x1FC90]  }
0x297: {  	v11 =	vadd.s32 $0x2200, v58;
	[tilespmem:s23+$0x120] =	vst v6;
	v6 =	vld [tilespmem:$0x1FC60]  }
0x298: {  	[tilespmem:$0x1FD10] =	vst v11;
	v7 =	vld.idx.msk [tilespmem:v7+s2+$0x0], $0xffff  }
0x299: {  	v11 =	vadd.s32 $0x2200, v56;
	[tilespmem:s23+$0x160] =	vst v15;
	v15 =	vld [tilespmem:$0x1FCB0]  }
0x29a: {  	[tilespmem:$0x1FD20] =	vst v11;
	v9 =	vld.idx.msk [tilespmem:v9+s2+$0x0], $0xffff  }
0x29b: {  	[tilespmem:s23+$0x3F0] =	vst v0;
	v0 =	vld [tilespmem:$0x1FD20]  }
0x29c: {  	[tilespmem:s23+$0x150] =	vst v14;
	v14 =	vld [tilespmem:$0x1FCA0]  }
0x29d: {  	[tilespmem:s23+$0x1A0] =	vst v7;
	v7 =	vld [tilespmem:$0x1FCE0]  }
0x29e: {  	[tilespmem:s23+$0x180] =	vst v16;
	v13 =	vld.idx.msk [tilespmem:v13+s2+$0x0], $0xffff  }
0x29f: {  	[tilespmem:s23+$0x1B0] =	vst v9;
	v9 =	vld [tilespmem:$0x1FCF0]  }
0x2a0: {  	v1 =	vld.idx.msk [tilespmem:v1+s2+$0x0], $0xffff  }
0x2a1: {  	v15 =	vld.idx.msk [tilespmem:v15+s2+$0x0], $0xffff  }
0x2a2: {  	v6 =	vld.idx.msk [tilespmem:v6+s2+$0x0], $0xffff  }
0x2a3: {  	v11 =	vadd.s32 $0x2280, v8;
	[tilespmem:s23+$0x1C0] =	vst v13;
	v13 =	vld [tilespmem:$0x1FD00]  }
0x2a4: {  	[tilespmem:$0x1FD30] =	vst v11  }
0x2a5: {  	[tilespmem:s23+$0x200] =	vst v1;
	v1 =	vld [tilespmem:$0x1FD30]  }
0x2a6: {  	v14 =	vld.idx.msk [tilespmem:v14+s2+$0x0], $0xffff;
	[tilespmem:s23+$0x1E0] =	vst v15  }
0x2a7: {  	v0 =	vld.idx.msk [tilespmem:v0+s2+$0x0], $0xffff  }
0x2a8: {  	v11 =	vadd.s32 $0x2280, v4;
	[tilespmem:s23+$0x190] =	vst v6;
	v6 =	vld [tilespmem:$0x1FCD0]  }
0x2a9: {  	v2 =	vadd.s32 $0x2300, v8;
	[tilespmem:$0x1FD40] =	vst v11;
	v7 =	vld.idx.msk [tilespmem:v7+s2+$0x0], $0xffff  }
0x2aa: {  	[tilespmem:$0x1FDA0] =	vst v2;
	v2 =	vadd.s32 $0x2280, v56;
	v9 =	vld.idx.msk [tilespmem:v9+s2+$0x0], $0xffff  }
0x2ab: {  	[tilespmem:$0x1FD90] =	vst v2;
	v13 =	vld.idx.msk [tilespmem:v13+s2+$0x0], $0xffff  }
0x2ac: {  	v11 =	vadd.s32 $0x2280, v59;
	[tilespmem:s23+$0x260] =	vst v0;
	v0 =	vld [tilespmem:$0x1FD90]  }
0x2ad: {  	[tilespmem:$0x1FD50] =	vst v11  }
0x2ae: {  	[tilespmem:s23+$0x1D0] =	vst v14;
	v14 =	vld [tilespmem:$0x1FD10]  }
0x2af: {  	[tilespmem:s23+$0x220] =	vst v7;
	v7 =	vld [tilespmem:$0x1FD50]  }
0x2b0: {  	[tilespmem:s23+$0x240] =	vst v13;
	v13 =	vld [tilespmem:$0x1FD70]  }
0x2b1: {  	[tilespmem:s23+$0x230] =	vst v9;
	v9 =	vld [tilespmem:$0x1FD60]  }
0x2b2: {  	v6 =	vld.idx.msk [tilespmem:v6+s2+$0x0], $0xffff  }
0x2b3: {  	v1 =	vld.idx.msk [tilespmem:v1+s2+$0x0], $0xffff  }
0x2b4: {  	v15 =	vld.idx.msk [tilespmem:v0+s2+$0x0], $0xffff  }
0x2b5: {  	v0 =	vld [tilespmem:$0x1FDA0]  }
0x2b6: {  	v14 =	vld.idx.msk [tilespmem:v14+s2+$0x0], $0xffff  }
0x2b7: {  	[tilespmem:s23+$0x210] =	vst v6;
	v6 =	vld [tilespmem:$0x1FD40]  }
0x2b8: {  	v17 =	vld.idx.msk [tilespmem:v13+s2+$0x0], $0xffff  }
0x2b9: {  	v13 =	vld [tilespmem:$0x1FD80]  }
0x2ba: {  	v2 =	vadd.s32 $0x2300, v59  }
0x2bb: {  	[tilespmem:$0x1FDB0] =	vst v2  }
0x2bc: {  	[tilespmem:s23+$0x280] =	vst v1;
	v9 =	vld.idx.msk [tilespmem:v9+s2+$0x0], $0xffff  }
0x2bd: {  	[tilespmem:s23+$0x250] =	vst v14;
	v14 =	vld.idx.msk [tilespmem:v0+s2+$0x0], $0xffff  }
0x2be: {  	v22 =	vadd.s32 $0x2300, v5;
	v0 =	vld [tilespmem:$0x1FDB0]  }
0x2bf: {  	v24 =	vadd.s32 $0x2300, v52;
	v6 =	vld.idx.msk [tilespmem:v6+s2+$0x0], $0xffff  }
0x2c0: {  	s25 =	sadd.s32 $0x8, s25;
	v40 =	vadd.s32 $0x2300, v4;
	v7 =	vld.idx.msk [tilespmem:v7+s2+$0x0], $0xffff  }
0x2c1: {  	p0 =	slt.u32 s25, $0x78;
	v18 =	vld.idx.msk [tilespmem:v13+s2+$0x0], $0xffff  }
.Ltmp1:
0x2c2: {  	[tilespmem:s23+$0x2B0] =	vst v9;
	(pc) =	sbr.rel @p0 .LBB2_4-.Ltmp1, $4  }
0x2c3: {  	v16 =	vld.idx.msk [tilespmem:v22+s2+$0x0], $0xffff;
	[tilespmem:s23+$0x2C0] =	vst v17  }
0x2c4: {  	v43 =	vadd.s32 $0x2380, v56;
	v10 =	vadd.s32 $0x2380, v8;
	v8 =	vadd.s32 $0x2380, v4;
	[tilespmem:s23+$0x290] =	vst v6;
	v6 =	vld.idx.msk [tilespmem:v24+s2+$0x0], $0xffff  }
0x2c5: {  	v4 =	vadd.s32 $0x2380, v59;
	v12 =	vadd.s32 $0x2300, v58;
	v11 =	vadd.s32 $0x2300, v56;
	[tilespmem:s23+$0x2A0] =	vst v7;
	v13 =	vld.idx.msk [tilespmem:v40+s2+$0x0], $0xffff  }
0x2c6: {  	s26 =	sadd.s32 $0x80, s26;
	s24 =	smov.u32 s23;
	v2 =	vadd.s32 $0x2380, v58;
	v3 =	vadd.s32 $0x2380, v52;
	v5 =	vadd.s32 $0x2380, v5;
	v0 =	vld.idx.msk [tilespmem:v0+s2+$0x0], $0xffff;
	[tilespmem:s23+$0x2D0] =	vst v18  }
0x2c7: {  	_ =	sdelay $0x2  }
0x2c8: {  	[tilespmem:s23+$0x2E0] =	vst v15  }
0x2c9: {  	[tilespmem:s23+$0x300] =	vst v14;
	v1 =	vld.idx.msk [tilespmem:v12+s2+$0x0], $0xffff  }
0x2ca: {  	v7 =	vld.idx.msk [tilespmem:v11+s2+$0x0], $0xffff;
	[tilespmem:s23+$0x330] =	vst v16  }
0x2cb: {  	[tilespmem:s23+$0x320] =	vst v0;
	v0 =	vld.idx.msk [tilespmem:v10+s2+$0x0], $0xffff  }
0x2cc: {  	v5 =	vld.idx.msk [tilespmem:v5+s2+$0x0], $0xffff;
	[tilespmem:s23+$0x310] =	vst v13  }
0x2cd: {  	[tilespmem:s23+$0x340] =	vst v6;
	v8 =	vld.idx.msk [tilespmem:v8+s2+$0x0], $0xffff  }
0x2ce: {  	v4 =	vld.idx.msk [tilespmem:v4+s2+$0x0], $0xffff;
	[tilespmem:s23+$0x350] =	vst v1  }
0x2cf: {  	v1 =	vld.idx.msk [tilespmem:v3+s2+$0x0], $0xffff;
	[tilespmem:s23+$0x360] =	vst v7  }
0x2d0: {  	[tilespmem:s23+$0x380] =	vst v0;
	v0 =	vld.idx.msk [tilespmem:v2+s2+$0x0], $0xffff  }
0x2d1: {  	[tilespmem:s24+$0x3B0] =	vst v5;
	v2 =	vld.idx.msk [tilespmem:v43+s2+$0x0], $0xffff  }
0x2d2: {  	[tilespmem:s24+$0x390] =	vst v8  }
0x2d3: {  	[tilespmem:s24+$0x3A0] =	vst v4  }
0x2d4: {  	[tilespmem:s24+$0x3C0] =	vst v1  }
0x2d5: {  	[tilespmem:s24+$0x3D0] =	vst v0  }
0x2d6: {  	[tilespmem:s24+$0x3E0] =	vst v2  }
0x2d7: {  	[hbm4b:s6+s2] =	stream.linear.scatter [tilespmem:s15], [sflag:$0x1], $0x2000, $0x38;
	[tilespmem:$0x15000] =	vst v63  }
0x2d8: {  	s30 =	sadd.s32 $0x1000, s6;
	s31 =	simm.s32 $0x4870  }
0x2d9: {  	[hbm4b:s30+s2] =	stream.linear.scatter [tilespmem:s16], [sflag:$0x1], $0x2000, $0x38;
	[tilespmem:$0x15000] =	vst v63  }
0x2da: {  	v0 =	vld [tilespmem:s31+$0x0];
	_ =	sdelay $0x2  }
0x2db: {  	v1 =	vld [tilespmem:s31+$0xFFFFFFA0]  }
0x2dc: {  	v3 =	vld [tilespmem:s31+$0xFFFFFFB0]  }
0x2dd: {  	v5 =	vld [tilespmem:s31+$0xFFFFFF90];
	v2 =	vshll.u32 v0, $0x3  }
0x2de: {  	v0 =	vand.u32 $0x7F, v0;
	v2 =	vand.u32 $0xFFFFFC00, v2  }
0x2df: {  	v4 =	vor.u32 v0, v2  }
0x2e0: {  	v2 =	vld [tilespmem:s31+$0xFFFFFFC0];
	v0 =	vshll.u32 v1, $0x3  }
0x2e1: {  	v7 =	vld [tilespmem:s31+$0xFFFFFFE0];
	v8 =	vand.u32 $0xFFFFFC00, v0;
	v0 =	vshll.u32 v3, $0x3  }
0x2e2: {  	v6 =	vld [tilespmem:s31+$0xFFFFFFD0];
	v9 =	vand.u32 $0xFFFFFC00, v0;
	v0 =	vshll.u32 v5, $0x3  }
0x2e3: {  	v1 =	vand.u32 $0x7F, v1;
	v5 =	vand.u32 $0x7F, v5;
	v0 =	vand.u32 $0xFFFFFC00, v0  }
0x2e4: {  	v11 =	vor.u32 $0x80, v4;
	v3 =	vand.u32 $0x7F, v3;
	v0 =	vor.u32 v5, v0;
	v10 =	vld.idx.msk [tilespmem:v4+s2+$0x0], $0xffff  }
0x2e5: {  	v12 =	vld [tilespmem:s31+$0xFFFFFFF0];
	v1 =	vor.u32 v1, v8;
	v13 =	vshll.u32 v2, $0x3;
	v8 =	vand.u32 $0x7F, v2  }
0x2e6: {  	v2 =	vor.u32 v3, v9;
	v9 =	vshll.u32 v7, $0x3;
	v7 =	vand.u32 $0x7F, v7  }
0x2e7: {  	v5 =	vand.u32 $0xFFFFFC00, v13;
	v13 =	vshll.u32 v6, $0x3;
	v6 =	vand.u32 $0x7F, v6  }
0x2e8: {  	s23 =	simm.s32 $0x11000;
	v13 =	vand.u32 $0xFFFFFC00, v13;
	v3 =	vor.u32 v8, v5;
	v5 =	vand.u32 $0xFFFFFC00, v9  }
0x2e9: {  	v6 =	vor.u32 v6, v13;
	v7 =	vor.u32 v7, v5;
	v5 =	vld.idx.msk [tilespmem:v0+s2+$0x0], $0xffff;
	[tilespmem:s23+$0xFFFF8070] =	vst v10  }
0x2ea: {  	v9 =	vshll.u32 v12, $0x3;
	v8 =	vld.idx.msk [tilespmem:v11+s2+$0x0], $0xffff  }
0x2eb: {  	v9 =	vand.u32 $0xFFFFFC00, v9;
	v13 =	vor.u32 $0x80, v0;
	v10 =	vand.u32 $0x7F, v12;
	v11 =	vld.idx.msk [tilespmem:v1+s2+$0x0], $0xffff  }
0x2ec: {  	v9 =	vor.u32 v10, v9;
	v10 =	vld.idx.msk [tilespmem:v2+s2+$0x0], $0xffff  }
0x2ed: {  	v12 =	vor.u32 $0x100, v4;
	v14 =	vld.idx.msk [tilespmem:v3+s2+$0x0], $0xffff  }
0x2ee: {  	v16 =	vld.idx.msk [tilespmem:v6+s2+$0x0], $0xffff  }
0x2ef: {  	v15 =	vor.u32 $0x80, v1;
	v18 =	vld.idx.msk [tilespmem:v7+s2+$0x0], $0xffff;
	[tilespmem:s23+$0xFFFF8000] =	vst v5  }
0x2f0: {  	v17 =	vor.u32 $0x80, v2;
	v13 =	vld.idx.msk [tilespmem:v13+s2+$0x0], $0xffff;
	[tilespmem:s23+$0xFFFF80F0] =	vst v8  }
0x2f1: {  	v8 =	vor.u32 $0x80, v3;
	[tilespmem:s23+$0xFFFF8010] =	vst v11;
	v11 =	vld.idx.msk [tilespmem:v9+s2+$0x0], $0xffff  }
0x2f2: {  	[tilespmem:s23+$0xFFFF8020] =	vst v10;
	v5 =	vld.idx.msk [tilespmem:v12+s2+$0x0], $0xffff;
	v12 =	vor.u32 $0x80, v6  }
0x2f3: {  	[tilespmem:s23+$0xFFFF8030] =	vst v14;
	v14 =	vor.u32 $0x80, v7  }
0x2f4: {  	v10 =	vor.u32 $0x180, v4;
	v15 =	vld.idx.msk [tilespmem:v15+s2+$0x0], $0xffff;
	[tilespmem:s23+$0xFFFF8040] =	vst v16  }
0x2f5: {  	v17 =	vld.idx.msk [tilespmem:v17+s2+$0x0], $0xffff;
	v16 =	vor.u32 $0x80, v9;
	[tilespmem:s23+$0xFFFF8050] =	vst v18  }
0x2f6: {  	v18 =	vor.u32 $0x100, v0;
	[tilespmem:s23+$0xFFFF8080] =	vst v13;
	v8 =	vld.idx.msk [tilespmem:v8+s2+$0x0], $0xffff  }
0x2f7: {  	[tilespmem:s23+$0xFFFF8060] =	vst v11;
	v11 =	vor.u32 $0x100, v2;
	v12 =	vld.idx.msk [tilespmem:v12+s2+$0x0], $0xffff  }
0x2f8: {  	[tilespmem:s23+$0xFFFF8170] =	vst v5;
	v5 =	vor.u32 $0x100, v1;
	v14 =	vld.idx.msk [tilespmem:v14+s2+$0x0], $0xffff  }
0x2f9: {  	v13 =	vor.u32 $0x100, v3;
	[tilespmem:s23+$0xFFFF8090] =	vst v15;
	v10 =	vld.idx.msk [tilespmem:v10+s2+$0x0], $0xffff  }
0x2fa: {  	[tilespmem:s23+$0xFFFF80A0] =	vst v17;
	v17 =	vor.u32 $0x100, v6;
	v15 =	vld.idx.msk [tilespmem:v16+s2+$0x0], $0xffff  }
0x2fb: {  	v16 =	vor.u32 $0x200, v4;
	v18 =	vld.idx.msk [tilespmem:v18+s2+$0x0], $0xffff  }
0x2fc: {  	[tilespmem:s23+$0xFFFF80B0] =	vst v8;
	v8 =	vor.u32 $0x100, v7;
	v11 =	vld.idx.msk [tilespmem:v11+s2+$0x0], $0xffff  }
0x2fd: {  	v5 =	vld.idx.msk [tilespmem:v5+s2+$0x0], $0xffff;
	[tilespmem:s23+$0xFFFF80C0] =	vst v12;
	v12 =	vor.u32 $0x100, v9  }
0x2fe: {  	v13 =	vld.idx.msk [tilespmem:v13+s2+$0x0], $0xffff;
	[tilespmem:s23+$0xFFFF81F0] =	vst v10;
	v10 =	vor.u32 $0x180, v0  }
0x2ff: {  	[tilespmem:s23+$0xFFFF80D0] =	vst v14;
	v14 =	vor.u32 $0x180, v1;
	v17 =	vld.idx.msk [tilespmem:v17+s2+$0x0], $0xffff  }
0x300: {  	[tilespmem:s23+$0xFFFF80E0] =	vst v15;
	v15 =	vor.u32 $0x180, v2;
	v16 =	vld.idx.msk [tilespmem:v16+s2+$0x0], $0xffff  }
0x301: {  	[tilespmem:s23+$0xFFFF8100] =	vst v18;
	v18 =	vor.u32 $0x280, v4;
	v8 =	vld.idx.msk [tilespmem:v8+s2+$0x0], $0xffff  }
0x302: {  	[tilespmem:s23+$0xFFFF8120] =	vst v11;
	v11 =	vor.u32 $0x180, v6;
	v12 =	vld.idx.msk [tilespmem:v12+s2+$0x0], $0xffff  }
0x303: {  	[tilespmem:s23+$0xFFFF8110] =	vst v5;
	v5 =	vor.u32 $0x180, v3;
	v10 =	vld.idx.msk [tilespmem:v10+s2+$0x0], $0xffff  }
0x304: {  	[tilespmem:s23+$0xFFFF8130] =	vst v13;
	v13 =	vor.u32 $0x180, v7;
	v14 =	vld.idx.msk [tilespmem:v14+s2+$0x0], $0xffff  }
0x305: {  	v15 =	vld.idx.msk [tilespmem:v15+s2+$0x0], $0xffff;
	[tilespmem:s23+$0xFFFF8270] =	vst v16;
	v16 =	vor.u32 $0x180, v9  }
0x306: {  	[tilespmem:s23+$0xFFFF8140] =	vst v17;
	v17 =	vor.u32 $0x200, v0;
	v18 =	vld.idx.msk [tilespmem:v18+s2+$0x0], $0xffff  }
0x307: {  	[tilespmem:s23+$0xFFFF8150] =	vst v8;
	v8 =	vor.u32 $0x200, v1;
	v11 =	vld.idx.msk [tilespmem:v11+s2+$0x0], $0xffff  }
0x308: {  	v5 =	vld.idx.msk [tilespmem:v5+s2+$0x0], $0xffff;
	[tilespmem:s23+$0xFFFF8160] =	vst v12;
	v12 =	vor.u32 $0x300, v4  }
0x309: {  	v13 =	vld.idx.msk [tilespmem:v13+s2+$0x0], $0xffff;
	[tilespmem:s23+$0xFFFF8180] =	vst v10;
	v10 =	vor.u32 $0x200, v2  }
0x30a: {  	[tilespmem:s23+$0xFFFF8190] =	vst v14;
	v14 =	vor.u32 $0x200, v3;
	v16 =	vld.idx.msk [tilespmem:v16+s2+$0x0], $0xffff  }
0x30b: {  	[tilespmem:s23+$0xFFFF81A0] =	vst v15;
	v15 =	vor.u32 $0x200, v6;
	v17 =	vld.idx.msk [tilespmem:v17+s2+$0x0], $0xffff  }
0x30c: {  	[tilespmem:s23+$0xFFFF82F0] =	vst v18;
	v18 =	vor.u32 $0x200, v7;
	v8 =	vld.idx.msk [tilespmem:v8+s2+$0x0], $0xffff  }
0x30d: {  	[tilespmem:s23+$0xFFFF81C0] =	vst v11;
	v11 =	vor.u32 $0x280, v0;
	v12 =	vld.idx.msk [tilespmem:v12+s2+$0x0], $0xffff  }
0x30e: {  	[tilespmem:s23+$0xFFFF81B0] =	vst v5;
	v5 =	vor.u32 $0x200, v9;
	v10 =	vld.idx.msk [tilespmem:v10+s2+$0x0], $0xffff  }
0x30f: {  	[tilespmem:s23+$0xFFFF81D0] =	vst v13;
	v13 =	vor.u32 $0x380, v4;
	v14 =	vld.idx.msk [tilespmem:v14+s2+$0x0], $0xffff  }
0x310: {  	v15 =	vld.idx.msk [tilespmem:v15+s2+$0x0], $0xffff;
	[tilespmem:s23+$0xFFFF81E0] =	vst v16;
	v16 =	vor.u32 $0x280, v1  }
0x311: {  	[tilespmem:s23+$0xFFFF8200] =	vst v17;
	v17 =	vor.u32 $0x280, v2;
	v18 =	vld.idx.msk [tilespmem:v18+s2+$0x0], $0xffff  }
0x312: {  	[tilespmem:s23+$0xFFFF8210] =	vst v8;
	v8 =	vor.u32 $0x280, v3;
	v11 =	vld.idx.msk [tilespmem:v11+s2+$0x0], $0xffff  }
0x313: {  	v5 =	vld.idx.msk [tilespmem:v5+s2+$0x0], $0xffff;
	[tilespmem:s23+$0xFFFF8370] =	vst v12;
	v12 =	vor.u32 $0x280, v6  }
0x314: {  	[tilespmem:s23+$0xFFFF8220] =	vst v10;
	v10 =	vor.u32 $0x280, v7;
	v13 =	vld.idx.msk [tilespmem:v13+s2+$0x0], $0xffff  }
0x315: {  	[tilespmem:s23+$0xFFFF8230] =	vst v14;
	v14 =	vor.u32 $0x280, v9;
	v16 =	vld.idx.msk [tilespmem:v16+s2+$0x0], $0xffff  }
0x316: {  	[tilespmem:s23+$0xFFFF8240] =	vst v15;
	v15 =	vadd.s32 $0x2000, v4;
	v17 =	vld.idx.msk [tilespmem:v17+s2+$0x0], $0xffff  }
0x317: {  	[tilespmem:s23+$0xFFFF8250] =	vst v18;
	v18 =	vor.u32 $0x300, v0;
	v8 =	vld.idx.msk [tilespmem:v8+s2+$0x0], $0xffff  }
0x318: {  	[tilespmem:s23+$0xFFFF8280] =	vst v11;
	v11 =	vor.u32 $0x300, v2;
	v12 =	vld.idx.msk [tilespmem:v12+s2+$0x0], $0xffff  }
0x319: {  	[tilespmem:s23+$0xFFFF8260] =	vst v5;
	v5 =	vor.u32 $0x300, v1;
	v10 =	vld.idx.msk [tilespmem:v10+s2+$0x0], $0xffff  }
0x31a: {  	[tilespmem:s23+$0xFFFF83F0] =	vst v13;
	v13 =	vor.u32 $0x300, v3;
	v14 =	vld.idx.msk [tilespmem:v14+s2+$0x0], $0xffff  }
0x31b: {  	[tilespmem:s23+$0xFFFF8290] =	vst v16;
	v16 =	vor.u32 $0x300, v6;
	v15 =	vld.idx.msk [tilespmem:v15+s2+$0x0], $0xffff  }
0x31c: {  	[tilespmem:s23+$0xFFFF82A0] =	vst v17;
	v17 =	vor.u32 $0x300, v7;
	v18 =	vld.idx.msk [tilespmem:v18+s2+$0x0], $0xffff  }
0x31d: {  	[tilespmem:s23+$0xFFFF82B0] =	vst v8;
	v8 =	vadd.s32 $0x2080, v4;
	v11 =	vld.idx.msk [tilespmem:v11+s2+$0x0], $0xffff  }
0x31e: {  	v5 =	vld.idx.msk [tilespmem:v5+s2+$0x0], $0xffff;
	[tilespmem:s23+$0xFFFF82C0] =	vst v12;
	v12 =	vor.u32 $0x300, v9  }
0x31f: {  	[tilespmem:s23+$0xFFFF82D0] =	vst v10;
	v10 =	vor.u32 $0x380, v0;
	v13 =	vld.idx.msk [tilespmem:v13+s2+$0x0], $0xffff  }
0x320: {  	[tilespmem:s23+$0xFFFF82E0] =	vst v14;
	v14 =	vor.u32 $0x380, v1;
	v16 =	vld.idx.msk [tilespmem:v16+s2+$0x0], $0xffff  }
0x321: {  	[tilespmem:s23+$0x70] =	vst v15;
	v15 =	vor.u32 $0x380, v2;
	v17 =	vld.idx.msk [tilespmem:v17+s2+$0x0], $0xffff  }
0x322: {  	[tilespmem:s23+$0xFFFF8300] =	vst v18;
	v18 =	vor.u32 $0x380, v3;
	v8 =	vld.idx.msk [tilespmem:v8+s2+$0x0], $0xffff  }
0x323: {  	[tilespmem:s23+$0xFFFF8310] =	vst v5;
	v5 =	vor.u32 $0x380, v6;
	v12 =	vld.idx.msk [tilespmem:v12+s2+$0x0], $0xffff  }
0x324: {  	[tilespmem:s23+$0xFFFF8320] =	vst v11;
	v11 =	vadd.s32 $0x2100, v4;
	v10 =	vld.idx.msk [tilespmem:v10+s2+$0x0], $0xffff  }
0x325: {  	[tilespmem:s23+$0xFFFF8330] =	vst v13;
	v13 =	vor.u32 $0x380, v7;
	v14 =	vld.idx.msk [tilespmem:v14+s2+$0x0], $0xffff  }
0x326: {  	[tilespmem:s23+$0xFFFF8340] =	vst v16;
	v16 =	vor.u32 $0x380, v9;
	v15 =	vld.idx.msk [tilespmem:v15+s2+$0x0], $0xffff  }
0x327: {  	[tilespmem:s23+$0xFFFF8350] =	vst v17;
	v17 =	vadd.s32 $0x2000, v0;
	v18 =	vld.idx.msk [tilespmem:v18+s2+$0x0], $0xffff  }
0x328: {  	[tilespmem:s23+$0xF0] =	vst v8;
	v8 =	vadd.s32 $0x2000, v1;
	v5 =	vld.idx.msk [tilespmem:v5+s2+$0x0], $0xffff  }
0x329: {  	[tilespmem:s23+$0xFFFF8360] =	vst v12;
	v12 =	vadd.s32 $0x2000, v2;
	v11 =	vld.idx.msk [tilespmem:v11+s2+$0x0], $0xffff  }
0x32a: {  	[tilespmem:s23+$0xFFFF8380] =	vst v10;
	v10 =	vadd.s32 $0x2000, v3;
	v13 =	vld.idx.msk [tilespmem:v13+s2+$0x0], $0xffff  }
0x32b: {  	[tilespmem:s23+$0xFFFF8390] =	vst v14;
	v14 =	vld.idx.msk [tilespmem:v16+s2+$0x0], $0xffff;
	v16 =	vadd.s32 $0x2180, v4  }
0x32c: {  	[tilespmem:s23+$0xFFFF83A0] =	vst v15;
	v15 =	vadd.s32 $0x2000, v6;
	v17 =	vld.idx.msk [tilespmem:v17+s2+$0x0], $0xffff  }
0x32d: {  	[tilespmem:s23+$0xFFFF83B0] =	vst v18;
	v18 =	vadd.s32 $0x2000, v7;
	v8 =	vld.idx.msk [tilespmem:v8+s2+$0x0], $0xffff  }
0x32e: {  	[tilespmem:s23+$0xFFFF83C0] =	vst v5;
	v5 =	vadd.s32 $0x2000, v9;
	v12 =	vld.idx.msk [tilespmem:v12+s2+$0x0], $0xffff  }
0x32f: {  	[tilespmem:s23+$0x170] =	vst v11;
	v11 =	vadd.s32 $0x2080, v0;
	v10 =	vld.idx.msk [tilespmem:v10+s2+$0x0], $0xffff  }
0x330: {  	[tilespmem:s23+$0xFFFF83D0] =	vst v13;
	v13 =	vadd.s32 $0x2080, v1;
	v16 =	vld.idx.msk [tilespmem:v16+s2+$0x0], $0xffff  }
0x331: {  	[tilespmem:s23+$0xFFFF83E0] =	vst v14;
	v14 =	vadd.s32 $0x2080, v2;
	v15 =	vld.idx.msk [tilespmem:v15+s2+$0x0], $0xffff  }
0x332: {  	[tilespmem:s23+$0x0] =	vst v17;
	v17 =	vld.idx.msk [tilespmem:v18+s2+$0x0], $0xffff;
	v18 =	vadd.s32 $0x2200, v4  }
0x333: {  	[tilespmem:s23+$0x10] =	vst v8;
	v8 =	vadd.s32 $0x2080, v3;
	v5 =	vld.idx.msk [tilespmem:v5+s2+$0x0], $0xffff  }
0x334: {  	[tilespmem:s23+$0x20] =	vst v12;
	v12 =	vadd.s32 $0x2080, v6;
	v11 =	vld.idx.msk [tilespmem:v11+s2+$0x0], $0xffff  }
0x335: {  	[tilespmem:s23+$0x30] =	vst v10;
	v10 =	vadd.s32 $0x2080, v7;
	v13 =	vld.idx.msk [tilespmem:v13+s2+$0x0], $0xffff  }
0x336: {  	[tilespmem:s23+$0x1F0] =	vst v16;
	v16 =	vadd.s32 $0x2080, v9;
	v14 =	vld.idx.msk [tilespmem:v14+s2+$0x0], $0xffff  }
0x337: {  	[tilespmem:s23+$0x40] =	vst v15;
	v15 =	vadd.s32 $0x2100, v0;
	v18 =	vld.idx.msk [tilespmem:v18+s2+$0x0], $0xffff  }
0x338: {  	[tilespmem:s23+$0x50] =	vst v17;
	v17 =	vadd.s32 $0x2100, v1;
	v8 =	vld.idx.msk [tilespmem:v8+s2+$0x0], $0xffff  }
0x339: {  	v12 =	vld.idx.msk [tilespmem:v12+s2+$0x0], $0xffff;
	[tilespmem:s23+$0x60] =	vst v5;
	v5 =	vadd.s32 $0x2280, v4  }
0x33a: {  	[tilespmem:s23+$0x80] =	vst v11;
	v11 =	vadd.s32 $0x2100, v2;
	v10 =	vld.idx.msk [tilespmem:v10+s2+$0x0], $0xffff  }
0x33b: {  	[tilespmem:s23+$0x90] =	vst v13;
	v13 =	vadd.s32 $0x2100, v3;
	v16 =	vld.idx.msk [tilespmem:v16+s2+$0x0], $0xffff  }
0x33c: {  	[tilespmem:s23+$0xA0] =	vst v14;
	v14 =	vadd.s32 $0x2100, v6;
	v15 =	vld.idx.msk [tilespmem:v15+s2+$0x0], $0xffff  }
0x33d: {  	[tilespmem:s23+$0x270] =	vst v18;
	v18 =	vadd.s32 $0x2100, v7;
	v17 =	vld.idx.msk [tilespmem:v17+s2+$0x0], $0xffff  }
0x33e: {  	[tilespmem:s23+$0xB0] =	vst v8;
	v8 =	vadd.s32 $0x2100, v9;
	v5 =	vld.idx.msk [tilespmem:v5+s2+$0x0], $0xffff  }
0x33f: {  	[tilespmem:s23+$0xC0] =	vst v12;
	v12 =	vadd.s32 $0x2180, v0;
	v11 =	vld.idx.msk [tilespmem:v11+s2+$0x0], $0xffff  }
0x340: {  	v13 =	vld.idx.msk [tilespmem:v13+s2+$0x0], $0xffff;
	[tilespmem:s23+$0xD0] =	vst v10;
	v10 =	vadd.s32 $0x2300, v4  }
0x341: {  	[tilespmem:s23+$0xE0] =	vst v16;
	v16 =	vadd.s32 $0x2180, v1;
	v14 =	vld.idx.msk [tilespmem:v14+s2+$0x0], $0xffff  }
0x342: {  	[tilespmem:s23+$0x100] =	vst v15;
	v15 =	vadd.s32 $0x2180, v2;
	v18 =	vld.idx.msk [tilespmem:v18+s2+$0x0], $0xffff  }
0x343: {  	[tilespmem:s23+$0x110] =	vst v17;
	v17 =	vadd.s32 $0x2180, v3;
	v8 =	vld.idx.msk [tilespmem:v8+s2+$0x0], $0xffff  }
0x344: {  	[tilespmem:s23+$0x2F0] =	vst v5;
	v5 =	vadd.s32 $0x2180, v6;
	v12 =	vld.idx.msk [tilespmem:v12+s2+$0x0], $0xffff  }
0x345: {  	[tilespmem:s23+$0x120] =	vst v11;
	v11 =	vadd.s32 $0x2180, v7;
	v10 =	vld.idx.msk [tilespmem:v10+s2+$0x0], $0xffff  }
0x346: {  	[tilespmem:s23+$0x130] =	vst v13;
	v13 =	vadd.s32 $0x2180, v9;
	v16 =	vld.idx.msk [tilespmem:v16+s2+$0x0], $0xffff  }
0x347: {  	v4 =	vadd.s32 $0x2380, v4;
	[tilespmem:s23+$0x140] =	vst v14;
	v14 =	vld.idx.msk [tilespmem:v15+s2+$0x0], $0xffff  }
0x348: {  	v15 =	vadd.s32 $0x2200, v0;
	[tilespmem:s23+$0x150] =	vst v18;
	v17 =	vld.idx.msk [tilespmem:v17+s2+$0x0], $0xffff  }
0x349: {  	[tilespmem:s23+$0x160] =	vst v8;
	v8 =	vadd.s32 $0x2200, v1;
	v5 =	vld.idx.msk [tilespmem:v5+s2+$0x0], $0xffff  }
0x34a: {  	[tilespmem:s23+$0x180] =	vst v12;
	v12 =	vadd.s32 $0x2200, v2;
	v11 =	vld.idx.msk [tilespmem:v11+s2+$0x0], $0xffff  }
0x34b: {  	[tilespmem:s23+$0x370] =	vst v10;
	v10 =	vadd.s32 $0x2200, v3;
	v13 =	vld.idx.msk [tilespmem:v13+s2+$0x0], $0xffff  }
0x34c: {  	[tilespmem:s23+$0x190] =	vst v16;
	v16 =	vadd.s32 $0x2200, v6;
	v4 =	vld.idx.msk [tilespmem:v4+s2+$0x0], $0xffff  }
0x34d: {  	[tilespmem:s23+$0x1A0] =	vst v14;
	v14 =	vadd.s32 $0x2200, v7;
	v15 =	vld.idx.msk [tilespmem:v15+s2+$0x0], $0xffff  }
0x34e: {  	[tilespmem:s23+$0x1B0] =	vst v17;
	v17 =	vadd.s32 $0x2200, v9;
	v8 =	vld.idx.msk [tilespmem:v8+s2+$0x0], $0xffff  }
0x34f: {  	[tilespmem:s23+$0x1C0] =	vst v5;
	v5 =	vadd.s32 $0x2280, v0;
	v12 =	vld.idx.msk [tilespmem:v12+s2+$0x0], $0xffff  }
0x350: {  	[tilespmem:s23+$0x1D0] =	vst v11;
	v11 =	vadd.s32 $0x2280, v1;
	v10 =	vld.idx.msk [tilespmem:v10+s2+$0x0], $0xffff  }
0x351: {  	[tilespmem:s23+$0x1E0] =	vst v13;
	v13 =	vadd.s32 $0x2280, v2;
	v16 =	vld.idx.msk [tilespmem:v16+s2+$0x0], $0xffff  }
0x352: {  	[tilespmem:s23+$0x3F0] =	vst v4;
	v4 =	vadd.s32 $0x2280, v3;
	v14 =	vld.idx.msk [tilespmem:v14+s2+$0x0], $0xffff  }
0x353: {  	[tilespmem:s23+$0x200] =	vst v15;
	v15 =	vadd.s32 $0x2280, v6;
	v17 =	vld.idx.msk [tilespmem:v17+s2+$0x0], $0xffff  }
0x354: {  	[tilespmem:s23+$0x210] =	vst v8;
	v8 =	vadd.s32 $0x2280, v7;
	v5 =	vld.idx.msk [tilespmem:v5+s2+$0x0], $0xffff  }
0x355: {  	[tilespmem:s23+$0x220] =	vst v12;
	v12 =	vadd.s32 $0x2280, v9;
	v11 =	vld.idx.msk [tilespmem:v11+s2+$0x0], $0xffff  }
0x356: {  	[tilespmem:s23+$0x230] =	vst v10;
	v10 =	vadd.s32 $0x2300, v0;
	v18 =	vld.idx.msk [tilespmem:v13+s2+$0x0], $0xffff  }
0x357: {  	v13 =	vadd.s32 $0x2300, v1;
	[tilespmem:s23+$0x240] =	vst v16;
	v4 =	vld.idx.msk [tilespmem:v4+s2+$0x0], $0xffff  }
0x358: {  	[tilespmem:s23+$0x250] =	vst v14;
	v16 =	vadd.s32 $0x2300, v2;
	v19 =	vld.idx.msk [tilespmem:v15+s2+$0x0], $0xffff  }
0x359: {  	[tilespmem:s23+$0x260] =	vst v17;
	v17 =	vadd.s32 $0x2300, v3;
	v20 =	vld.idx.msk [tilespmem:v8+s2+$0x0], $0xffff  }
0x35a: {  	v21 =	vadd.s32 $0x2300, v6;
	[tilespmem:s23+$0x280] =	vst v5;
	v15 =	vld.idx.msk [tilespmem:v12+s2+$0x0], $0xffff  }
0x35b: {  	[tilespmem:s23+$0x290] =	vst v11;
	v14 =	vld.idx.msk [tilespmem:v10+s2+$0x0], $0xffff  }
0x35c: {  	v13 =	vld.idx.msk [tilespmem:v13+s2+$0x0], $0xffff;
	[tilespmem:s23+$0x2A0] =	vst v18  }
0x35d: {  	v43 =	vadd.s32 $0x2380, v9;
	v8 =	vadd.s32 $0x2380, v1;
	v10 =	vadd.s32 $0x2380, v0;
	[tilespmem:s23+$0x2B0] =	vst v4;
	v0 =	vld.idx.msk [tilespmem:v16+s2+$0x0], $0xffff  }
0x35e: {  	v12 =	vadd.s32 $0x2300, v7;
	v11 =	vadd.s32 $0x2300, v9;
	v5 =	vadd.s32 $0x2380, v3;
	[tilespmem:s23+$0x2C0] =	vst v19;
	v16 =	vld.idx.msk [tilespmem:v17+s2+$0x0], $0xffff  }
0x35f: {  	s25 =	simm.s32 $0x80;
	s26 =	simm.s32 $0x48F0;
	s24 =	simm.s32 $0x11000;
	v3 =	vadd.s32 $0x2380, v6;
	v4 =	vadd.s32 $0x2380, v2;
	v2 =	vadd.s32 $0x2380, v7;
	[tilespmem:s23+$0x2D0] =	vst v20;
	v6 =	vld.idx.msk [tilespmem:v21+s2+$0x0], $0xffff  }
.LBB2_6:
0x360: {  	v7 =	vld [tilespmem:s26+$0x0]  }
0x361: {  	v9 =	vld [tilespmem:s26+$0xFFFFFFA0]  }
0x362: {  	[tilespmem:s23+$0x300] =	vst v14;
	v14 =	vld [tilespmem:s26+$0xFFFFFFB0]  }
0x363: {  	[tilespmem:s23+$0x2E0] =	vst v15;
	v15 =	vld [tilespmem:s26+$0xFFFFFFD0]  }
0x364: {  	v12 =	vld.idx.msk [tilespmem:v12+s2+$0x0], $0xffff  }
0x365: {  	v17 =	vld [tilespmem:s26+$0xFFFFFFF0]  }
0x366: {  	v18 =	vld [tilespmem:s26+$0xFFFFFF90]  }
0x367: {  	v11 =	vld.idx.msk [tilespmem:v11+s2+$0x0], $0xffff;
	[tilespmem:s23+$0x310] =	vst v13  }
0x368: {  	v10 =	vld.idx.msk [tilespmem:v10+s2+$0x0], $0xffff;
	[tilespmem:s23+$0x320] =	vst v0  }
0x369: {  	v13 =	vld [tilespmem:s26+$0xFFFFFFC0];
	[tilespmem:s23+$0x340] =	vst v6;
	v0 =	vshll.u32 v7, $0x3;
	v6 =	vshll.u32 v9, $0x3;
	v7 =	vand.u32 $0x7F, v7  }
0x36a: {  	v19 =	vshll.u32 v14, $0x3;
	v14 =	vand.u32 $0x7F, v14;
	v20 =	vshll.u32 v15, $0x3;
	v23 =	vld.idx.msk [tilespmem:v8+s2+$0x0], $0xffff  }
0x36b: {  	[tilespmem:s23+$0x330] =	vst v16;
	v15 =	vand.u32 $0x7F, v15;
	v25 =	vld.idx.msk [tilespmem:v4+s2+$0x0], $0xffff;
	v0 =	vand.u32 $0xFFFFFC00, v0;
	v6 =	vand.u32 $0xFFFFFC00, v6  }
0x36c: {  	v16 =	vld [tilespmem:s26+$0xFFFFFFE0];
	[tilespmem:s23+$0x350] =	vst v12;
	v20 =	vand.u32 $0xFFFFFC00, v20;
	v8 =	vand.u32 $0x7F, v18;
	v18 =	vshll.u32 v18, $0x3  }
0x36d: {  	v22 =	vshll.u32 v17, $0x3;
	[tilespmem:s23+$0x360] =	vst v11;
	v1 =	vor.u32 v7, v0;
	v18 =	vand.u32 $0xFFFFFC00, v18  }
0x36e: {  	[tilespmem:s23+$0x380] =	vst v10;
	v7 =	vand.u32 $0x7F, v9;
	v52 =	vor.u32 v15, v20;
	v15 =	vld.idx.msk [tilespmem:v43+s2+$0x0], $0xffff;
	v8 =	vor.u32 v8, v18  }
0x36f: {  	v17 =	vand.u32 $0x7F, v17;
	v9 =	vand.u32 $0xFFFFFC00, v19;
	v4 =	vor.u32 v7, v6;
	v7 =	vld.idx.msk [tilespmem:v5+s2+$0x0], $0xffff;
	[tilespmem:s24+$0x390] =	vst v23  }
0x370: {  	v22 =	vand.u32 $0xFFFFFC00, v22;
	v59 =	vor.u32 v14, v9;
	v9 =	vld.idx.msk [tilespmem:v3+s2+$0x0], $0xffff;
	v0 =	vadd.s32 $0x2000, v8;
	[tilespmem:s24+$0x3A0] =	vst v25  }
0x371: {  	v56 =	vor.u32 v17, v22;
	v14 =	vld.idx.msk [tilespmem:v2+s2+$0x0], $0xffff;
	v19 =	vshll.u32 v13, $0x3;
	v10 =	vadd.s32 $0x2080, v4;
	[tilespmem:$0x1F940] =	vst v0  }
0x372: {  	v13 =	vand.u32 $0x7F, v13;
	v21 =	vshll.u32 v16, $0x3;
	v19 =	vand.u32 $0xFFFFFC00, v19;
	[tilespmem:$0x1F950] =	vst v10;
	v24 =	vld.idx.msk [tilespmem:v1+s2+$0x0], $0xffff  }
0x373: {  	v16 =	vand.u32 $0x7F, v16;
	v21 =	vand.u32 $0xFFFFFC00, v21;
	v5 =	vor.u32 v13, v19;
	[tilespmem:s24+$0x3E0] =	vst v15;
	v62 =	vld.idx.msk [tilespmem:v8+s2+$0x0], $0xffff  }
0x374: {  	v58 =	vor.u32 v16, v21;
	[tilespmem:s24+$0x3B0] =	vst v7;
	v23 =	vld.idx.msk [tilespmem:v4+s2+$0x0], $0xffff  }
0x375: {  	v6 =	vor.u32 $0x80, v1;
	v26 =	vld.idx.msk [tilespmem:v59+s2+$0x0], $0xffff;
	[tilespmem:s24+$0x3C0] =	vst v9  }
0x376: {  	s23 =	sadd.s32 $0x400, s23;
	v27 =	vor.u32 $0x80, v8;
	[tilespmem:s24+$0x3D0] =	vst v14;
	v47 =	vld.idx.msk [tilespmem:v56+s2+$0x0], $0xffff  }
0x377: {  	v28 =	vor.u32 $0x80, v4;
	v35 =	vld.idx.msk [tilespmem:v52+s2+$0x0], $0xffff;
	[tilespmem:s23+$0xFFFF8070] =	vst v24  }
0x378: {  	v29 =	vor.u32 $0x80, v59;
	v34 =	vld.idx.msk [tilespmem:v5+s2+$0x0], $0xffff;
	[tilespmem:s23+$0xFFFF8000] =	vst v62  }
0x379: {  	v40 =	vor.u32 $0x80, v56;
	v37 =	vld.idx.msk [tilespmem:v58+s2+$0x0], $0xffff;
	[tilespmem:s23+$0xFFFF8010] =	vst v23  }
0x37a: {  	v38 =	vor.u32 $0x80, v52;
	v17 =	vld.idx.msk [tilespmem:v6+s2+$0x0], $0xffff;
	[tilespmem:s23+$0xFFFF8020] =	vst v26  }
0x37b: {  	[tilespmem:s23+$0xFFFF8060] =	vst v47;
	v48 =	vld.idx.msk [tilespmem:v27+s2+$0x0], $0xffff  }
0x37c: {  	v33 =	vor.u32 $0x80, v5;
	v50 =	vld.idx.msk [tilespmem:v28+s2+$0x0], $0xffff;
	[tilespmem:s23+$0xFFFF8040] =	vst v35  }
0x37d: {  	v53 =	vld.idx.msk [tilespmem:v29+s2+$0x0], $0xffff;
	[tilespmem:s23+$0xFFFF8030] =	vst v34  }
0x37e: {  	v39 =	vor.u32 $0x80, v58;
	v40 =	vld.idx.msk [tilespmem:v40+s2+$0x0], $0xffff;
	[tilespmem:s23+$0xFFFF8050] =	vst v37  }
0x37f: {  	v7 =	vld.idx.msk [tilespmem:v38+s2+$0x0], $0xffff;
	[tilespmem:s23+$0xFFFF80F0] =	vst v17  }
0x380: {  	[tilespmem:s23+$0xFFFF8080] =	vst v48  }
0x381: {  	v63 =	vor.u32 $0x100, v1;
	v6 =	vld.idx.msk [tilespmem:v33+s2+$0x0], $0xffff;
	[tilespmem:s23+$0xFFFF8090] =	vst v50  }
0x382: {  	[tilespmem:s23+$0xFFFF80A0] =	vst v53  }
0x383: {  	v2 =	vld.idx.msk [tilespmem:v39+s2+$0x0], $0xffff;
	[tilespmem:s23+$0xFFFF80E0] =	vst v40  }
0x384: {  	[tilespmem:s23+$0xFFFF80C0] =	vst v7;
	v7 =	vadd.s32 $0x2100, v59  }
0x385: {  	[tilespmem:$0x1F9C0] =	vst v7  }
0x386: {  	v41 =	vor.u32 $0x100, v8;
	v46 =	vld.idx.msk [tilespmem:v63+s2+$0x0], $0xffff;
	v7 =	vadd.s32 $0x2100, v5;
	[tilespmem:s23+$0xFFFF80B0] =	vst v6  }
0x387: {  	v42 =	vor.u32 $0x100, v4;
	[tilespmem:$0x1F9D0] =	vst v7  }
0x388: {  	v43 =	vor.u32 $0x100, v59;
	v6 =	vadd.s32 $0x2080, v5;
	[tilespmem:s23+$0xFFFF80D0] =	vst v2  }
0x389: {  	v2 =	vadd.s32 $0x2100, v58;
	[tilespmem:$0x1F960] =	vst v6  }
0x38a: {  	[tilespmem:$0x1F9F0] =	vst v2  }
0x38b: {  	v9 =	vld.idx.msk [tilespmem:v41+s2+$0x0], $0xffff;
	v6 =	vadd.s32 $0x2080, v52;
	[tilespmem:s23+$0xFFFF8170] =	vst v46  }
0x38c: {  	v10 =	vld.idx.msk [tilespmem:v42+s2+$0x0], $0xffff;
	v2 =	vadd.s32 $0x2100, v56;
	[tilespmem:$0x1F970] =	vst v6  }
0x38d: {  	v43 =	vld.idx.msk [tilespmem:v43+s2+$0x0], $0xffff;
	v6 =	vadd.s32 $0x2100, v8;
	[tilespmem:$0x1FA00] =	vst v2  }
0x38e: {  	v2 =	vadd.s32 $0x2180, v8;
	[tilespmem:$0x1F9A0] =	vst v6  }
0x38f: {  	[tilespmem:$0x1FA10] =	vst v2  }
0x390: {  	v11 =	vor.u32 $0x100, v5;
	[tilespmem:s23+$0xFFFF8100] =	vst v9  }
0x391: {  	[tilespmem:s23+$0xFFFF8110] =	vst v10  }
0x392: {  	v49 =	vor.u32 $0x180, v1;
	v6 =	vadd.s32 $0x2080, v58;
	[tilespmem:s23+$0xFFFF8120] =	vst v43  }
0x393: {  	v12 =	vor.u32 $0x100, v52;
	v2 =	vadd.s32 $0x2180, v4;
	[tilespmem:$0x1F980] =	vst v6  }
0x394: {  	v16 =	vor.u32 $0x100, v56;
	v10 =	vadd.s32 $0x2180, v58;
	[tilespmem:$0x1FA20] =	vst v2  }
0x395: {  	v11 =	vld.idx.msk [tilespmem:v11+s2+$0x0], $0xffff;
	v6 =	vadd.s32 $0x2080, v56;
	[tilespmem:$0x1FA60] =	vst v10  }
0x396: {  	v2 =	vadd.s32 $0x2180, v59;
	[tilespmem:$0x1F990] =	vst v6  }
0x397: {  	v3 =	vld.idx.msk [tilespmem:v49+s2+$0x0], $0xffff;
	v6 =	vadd.s32 $0x2100, v4;
	[tilespmem:$0x1FA30] =	vst v2  }
0x398: {  	v2 =	vld.idx.msk [tilespmem:v12+s2+$0x0], $0xffff;
	v12 =	vadd.s32 $0x2200, v8;
	[tilespmem:$0x1F9B0] =	vst v6  }
0x399: {  	v10 =	vld.idx.msk [tilespmem:v16+s2+$0x0], $0xffff;
	[tilespmem:$0x1FA80] =	vst v12  }
0x39a: {  	v12 =	vadd.s32 $0x2180, v56;
	[tilespmem:s23+$0xFFFF8130] =	vst v11  }
0x39b: {  	v0 =	vor.u32 $0x200, v1;
	[tilespmem:$0x1FA70] =	vst v12  }
0x39c: {  	v13 =	vor.u32 $0x100, v58;
	[tilespmem:s23+$0xFFFF81F0] =	vst v3;
	v3 =	vadd.s32 $0x2100, v52  }
0x39d: {  	[tilespmem:$0x1F9E0] =	vst v3  }
0x39e: {  	v21 =	vor.u32 $0x180, v59;
	v3 =	vadd.s32 $0x2180, v5;
	[tilespmem:s23+$0xFFFF8160] =	vst v10  }
0x39f: {  	v18 =	vor.u32 $0x180, v8;
	[tilespmem:$0x1FA40] =	vst v3  }
0x3a0: {  	v0 =	vld.idx.msk [tilespmem:v0+s2+$0x0], $0xffff;
	v3 =	vadd.s32 $0x2180, v52;
	[tilespmem:s23+$0xFFFF8140] =	vst v2  }
0x3a1: {  	v24 =	vor.u32 $0x180, v52;
	[tilespmem:$0x1FA50] =	vst v3;
	v3 =	vld.idx.msk [tilespmem:v13+s2+$0x0], $0xffff;
	v13 =	vadd.s32 $0x2200, v4  }
0x3a2: {  	v19 =	vor.u32 $0x180, v4;
	v7 =	vld [tilespmem:$0x1F970];
	[tilespmem:$0x1FA90] =	vst v13;
	v13 =	vadd.s32 $0x2200, v59  }
0x3a3: {  	v9 =	vor.u32 $0x280, v1;
	v16 =	vld.idx.msk [tilespmem:v21+s2+$0x0], $0xffff;
	[tilespmem:$0x1FAA0] =	vst v13;
	v13 =	vadd.s32 $0x2200, v5  }
0x3a4: {  	v22 =	vor.u32 $0x180, v5;
	v12 =	vld.idx.msk [tilespmem:v18+s2+$0x0], $0xffff;
	[tilespmem:$0x1FAB0] =	vst v13  }
0x3a5: {  	v14 =	vor.u32 $0x200, v8;
	v6 =	vld [tilespmem:$0x1F940];
	[tilespmem:s23+$0xFFFF8270] =	vst v0;
	v0 =	vadd.s32 $0x2280, v5  }
0x3a6: {  	v30 =	vor.u32 $0x180, v58;
	v18 =	vld.idx.msk [tilespmem:v24+s2+$0x0], $0xffff;
	[tilespmem:$0x1FB20] =	vst v0;
	v0 =	vadd.s32 $0x2280, v52  }
0x3a7: {  	v31 =	vor.u32 $0x180, v56;
	v13 =	vld.idx.msk [tilespmem:v19+s2+$0x0], $0xffff;
	[tilespmem:$0x1FB30] =	vst v0;
	v0 =	vadd.s32 $0x2280, v58  }
0x3a8: {  	v32 =	vor.u32 $0x200, v4;
	[tilespmem:$0x1FB40] =	vst v0;
	v0 =	vld.idx.msk [tilespmem:v9+s2+$0x0], $0xffff  }
0x3a9: {  	v36 =	vor.u32 $0x200, v59;
	[tilespmem:s23+$0xFFFF8180] =	vst v12;
	v9 =	vld.idx.msk [tilespmem:v22+s2+$0x0], $0xffff  }
0x3aa: {  	v14 =	vld.idx.msk [tilespmem:v14+s2+$0x0], $0xffff;
	v19 =	vor.u32 $0x300, v1;
	[tilespmem:s23+$0xFFFF8150] =	vst v3  }
0x3ab: {  	v15 =	vor.u32 $0x200, v5;
	[tilespmem:s23+$0xFFFF81A0] =	vst v16;
	v30 =	vld.idx.msk [tilespmem:v30+s2+$0x0], $0xffff  }
0x3ac: {  	v44 =	vor.u32 $0x200, v52;
	[tilespmem:s23+$0xFFFF8190] =	vst v13;
	v13 =	vld.idx.msk [tilespmem:v31+s2+$0x0], $0xffff  }
0x3ad: {  	v45 =	vor.u32 $0x200, v58;
	v16 =	vld.idx.msk [tilespmem:v32+s2+$0x0], $0xffff;
	[tilespmem:s23+$0xFFFF82F0] =	vst v0  }
0x3ae: {  	v17 =	vor.u32 $0x200, v56;
	[tilespmem:s23+$0xFFFF81B0] =	vst v9;
	v9 =	vld.idx.msk [tilespmem:v36+s2+$0x0], $0xffff  }
0x3af: {  	v20 =	vor.u32 $0x280, v8;
	[tilespmem:s23+$0xFFFF81C0] =	vst v18;
	v0 =	vld.idx.msk [tilespmem:v19+s2+$0x0], $0xffff  }
0x3b0: {  	v51 =	vor.u32 $0x280, v4;
	[tilespmem:s23+$0xFFFF8200] =	vst v14;
	v15 =	vld.idx.msk [tilespmem:v15+s2+$0x0], $0xffff  }
0x3b1: {  	v23 =	vor.u32 $0x280, v59;
	[tilespmem:s23+$0xFFFF81D0] =	vst v30;
	v19 =	vld.idx.msk [tilespmem:v44+s2+$0x0], $0xffff  }
0x3b2: {  	v18 =	vor.u32 $0x380, v1;
	[tilespmem:s23+$0xFFFF81E0] =	vst v13;
	v13 =	vld.idx.msk [tilespmem:v45+s2+$0x0], $0xffff  }
0x3b3: {  	v25 =	vor.u32 $0x280, v5;
	[tilespmem:s23+$0xFFFF8210] =	vst v16;
	v14 =	vld.idx.msk [tilespmem:v17+s2+$0x0], $0xffff  }
0x3b4: {  	v54 =	vor.u32 $0x280, v52;
	v16 =	vld.idx.msk [tilespmem:v20+s2+$0x0], $0xffff;
	[tilespmem:s23+$0xFFFF8220] =	vst v9  }
0x3b5: {  	v26 =	vor.u32 $0x280, v58;
	v9 =	vld.idx.msk [tilespmem:v51+s2+$0x0], $0xffff;
	[tilespmem:s23+$0xFFFF8370] =	vst v0  }
0x3b6: {  	v27 =	vor.u32 $0x280, v56;
	[tilespmem:s23+$0xFFFF8230] =	vst v15;
	v15 =	vld.idx.msk [tilespmem:v23+s2+$0x0], $0xffff  }
0x3b7: {  	v55 =	vor.u32 $0x300, v8;
	[tilespmem:s23+$0xFFFF8240] =	vst v19;
	v0 =	vld.idx.msk [tilespmem:v18+s2+$0x0], $0xffff  }
0x3b8: {  	v28 =	vor.u32 $0x300, v4;
	v18 =	vld.idx.msk [tilespmem:v25+s2+$0x0], $0xffff;
	[tilespmem:s23+$0xFFFF8250] =	vst v13  }
0x3b9: {  	v57 =	vor.u32 $0x300, v59;
	v13 =	vld.idx.msk [tilespmem:v54+s2+$0x0], $0xffff;
	[tilespmem:s23+$0xFFFF8260] =	vst v14  }
0x3ba: {  	v17 =	vadd.s32 $0x2000, v1;
	[tilespmem:s23+$0xFFFF8280] =	vst v16;
	v14 =	vld.idx.msk [tilespmem:v26+s2+$0x0], $0xffff  }
0x3bb: {  	v29 =	vor.u32 $0x300, v5;
	v16 =	vld.idx.msk [tilespmem:v27+s2+$0x0], $0xffff;
	[tilespmem:s23+$0xFFFF8290] =	vst v9  }
0x3bc: {  	v34 =	vor.u32 $0x300, v52;
	v9 =	vld.idx.msk [tilespmem:v55+s2+$0x0], $0xffff;
	[tilespmem:s23+$0xFFFF82A0] =	vst v15  }
0x3bd: {  	v35 =	vor.u32 $0x300, v58;
	v15 =	vld.idx.msk [tilespmem:v28+s2+$0x0], $0xffff;
	[tilespmem:s23+$0xFFFF83F0] =	vst v0  }
0x3be: {  	v33 =	vor.u32 $0x300, v56;
	[tilespmem:s23+$0xFFFF82B0] =	vst v18;
	v18 =	vld.idx.msk [tilespmem:v57+s2+$0x0], $0xffff  }
0x3bf: {  	v60 =	vor.u32 $0x380, v8;
	[tilespmem:s23+$0xFFFF82C0] =	vst v13;
	v0 =	vld.idx.msk [tilespmem:v17+s2+$0x0], $0xffff  }
0x3c0: {  	v62 =	vor.u32 $0x380, v4;
	v13 =	vld.idx.msk [tilespmem:v29+s2+$0x0], $0xffff;
	[tilespmem:s23+$0xFFFF82D0] =	vst v14  }
0x3c1: {  	v37 =	vor.u32 $0x380, v59;
	v14 =	vld.idx.msk [tilespmem:v34+s2+$0x0], $0xffff;
	[tilespmem:s23+$0xFFFF82E0] =	vst v16  }
0x3c2: {  	v17 =	vadd.s32 $0x2080, v1;
	v16 =	vld.idx.msk [tilespmem:v35+s2+$0x0], $0xffff;
	[tilespmem:s23+$0xFFFF8300] =	vst v9  }
0x3c3: {  	v61 =	vor.u32 $0x380, v5;
	v9 =	vld.idx.msk [tilespmem:v33+s2+$0x0], $0xffff;
	[tilespmem:s23+$0xFFFF8310] =	vst v15  }
0x3c4: {  	v63 =	vor.u32 $0x380, v52;
	v15 =	vld.idx.msk [tilespmem:v60+s2+$0x0], $0xffff;
	[tilespmem:s23+$0xFFFF8320] =	vst v18  }
0x3c5: {  	v38 =	vor.u32 $0x380, v58;
	v18 =	vld.idx.msk [tilespmem:v62+s2+$0x0], $0xffff;
	[tilespmem:s23+$0x70] =	vst v0  }
0x3c6: {  	v46 =	vor.u32 $0x380, v56;
	[tilespmem:s23+$0xFFFF8330] =	vst v13;
	v13 =	vld.idx.msk [tilespmem:v37+s2+$0x0], $0xffff  }
0x3c7: {  	v0 =	vld.idx.msk [tilespmem:v17+s2+$0x0], $0xffff  }
0x3c8: {  	[tilespmem:s23+$0xFFFF8340] =	vst v14;
	v14 =	vld.idx.msk [tilespmem:v61+s2+$0x0], $0xffff  }
0x3c9: {  	v47 =	vadd.s32 $0x2000, v4;
	[tilespmem:s23+$0xFFFF8350] =	vst v16;
	v16 =	vld.idx.msk [tilespmem:v63+s2+$0x0], $0xffff  }
0x3ca: {  	v48 =	vadd.s32 $0x2000, v59;
	[tilespmem:s23+$0xFFFF8360] =	vst v9;
	v9 =	vld.idx.msk [tilespmem:v38+s2+$0x0], $0xffff  }
0x3cb: {  	v17 =	vadd.s32 $0x2100, v1;
	[tilespmem:s23+$0xFFFF8380] =	vst v15;
	v15 =	vld.idx.msk [tilespmem:v46+s2+$0x0], $0xffff  }
0x3cc: {  	v49 =	vadd.s32 $0x2000, v5;
	[tilespmem:s23+$0xFFFF8390] =	vst v18;
	v18 =	vld.idx.msk [tilespmem:v6+s2+$0x0], $0xffff  }
0x3cd: {  	v39 =	vadd.s32 $0x2000, v52;
	v6 =	vld [tilespmem:$0x1F950];
	[tilespmem:s23+$0xFFFF83A0] =	vst v13  }
0x3ce: {  	v50 =	vadd.s32 $0x2000, v58;
	v13 =	vld.idx.msk [tilespmem:v47+s2+$0x0], $0xffff;
	[tilespmem:s23+$0xF0] =	vst v0  }
0x3cf: {  	v53 =	vadd.s32 $0x2000, v56;
	[tilespmem:s23+$0xFFFF83B0] =	vst v14;
	v14 =	vld.idx.msk [tilespmem:v48+s2+$0x0], $0xffff  }
0x3d0: {  	v41 =	vadd.s32 $0x2080, v8;
	[tilespmem:s23+$0xFFFF83C0] =	vst v16;
	v0 =	vld.idx.msk [tilespmem:v17+s2+$0x0], $0xffff  }
0x3d1: {  	v16 =	vld.idx.msk [tilespmem:v49+s2+$0x0], $0xffff;
	[tilespmem:s23+$0xFFFF83D0] =	vst v9  }
0x3d2: {  	v42 =	vadd.s32 $0x2080, v59;
	v9 =	vld.idx.msk [tilespmem:v39+s2+$0x0], $0xffff;
	[tilespmem:s23+$0xFFFF83E0] =	vst v15  }
0x3d3: {  	v15 =	vld.idx.msk [tilespmem:v50+s2+$0x0], $0xffff;
	[tilespmem:s23+$0x0] =	vst v18  }
0x3d4: {  	v17 =	vadd.s32 $0x2180, v1;
	[tilespmem:s23+$0x10] =	vst v13;
	v13 =	vld.idx.msk [tilespmem:v53+s2+$0x0], $0xffff  }
0x3d5: {  	v18 =	vld.idx.msk [tilespmem:v41+s2+$0x0], $0xffff  }
0x3d6: {  	[tilespmem:s23+$0x20] =	vst v14;
	v14 =	vld.idx.msk [tilespmem:v6+s2+$0x0], $0xffff  }
0x3d7: {  	[tilespmem:s23+$0x30] =	vst v16;
	v16 =	vld.idx.msk [tilespmem:v42+s2+$0x0], $0xffff  }
0x3d8: {  	[tilespmem:s23+$0x170] =	vst v0;
	v6 =	vld [tilespmem:$0x1F960]  }
0x3d9: {  	[tilespmem:s23+$0x40] =	vst v9;
	v0 =	vld.idx.msk [tilespmem:v17+s2+$0x0], $0xffff  }
0x3da: {  	v9 =	vld.idx.msk [tilespmem:v7+s2+$0x0], $0xffff  }
0x3db: {  	v7 =	vld [tilespmem:$0x1F980]  }
0x3dc: {  	v17 =	vadd.s32 $0x2200, v1;
	[tilespmem:s23+$0x50] =	vst v15;
	v15 =	vld [tilespmem:$0x1F9A0]  }
0x3dd: {  	[tilespmem:s23+$0x90] =	vst v14;
	v14 =	vld [tilespmem:$0x1F990]  }
0x3de: {  	[tilespmem:s23+$0xA0] =	vst v16;
	v16 =	vld [tilespmem:$0x1F9B0]  }
0x3df: {  	[tilespmem:s23+$0x1F0] =	vst v0  }
0x3e0: {  	[tilespmem:s23+$0xC0] =	vst v9;
	v9 =	vld [tilespmem:$0x1F9D0]  }
0x3e1: {  	v0 =	vld.idx.msk [tilespmem:v17+s2+$0x0], $0xffff  }
0x3e2: {  	[tilespmem:s23+$0x60] =	vst v13;
	v13 =	vadd.s32 $0x2280, v1;
	v6 =	vld.idx.msk [tilespmem:v6+s2+$0x0], $0xffff  }
0x3e3: {  	[tilespmem:s23+$0x80] =	vst v18;
	v7 =	vld.idx.msk [tilespmem:v7+s2+$0x0], $0xffff  }
0x3e4: {  	v15 =	vld.idx.msk [tilespmem:v15+s2+$0x0], $0xffff  }
0x3e5: {  	v14 =	vld.idx.msk [tilespmem:v14+s2+$0x0], $0xffff  }
0x3e6: {  	[tilespmem:s23+$0x270] =	vst v0;
	v16 =	vld.idx.msk [tilespmem:v16+s2+$0x0], $0xffff  }
0x3e7: {  	v0 =	vld.idx.msk [tilespmem:v13+s2+$0x0], $0xffff  }
0x3e8: {  	[tilespmem:s23+$0xB0] =	vst v6;
	v6 =	vld [tilespmem:$0x1F9C0]  }
0x3e9: {  	v13 =	vld [tilespmem:$0x1F9E0];
	[tilespmem:s23+$0xD0] =	vst v7;
	v7 =	vadd.s32 $0x2300, v1  }
0x3ea: {  	v9 =	vld.idx.msk [tilespmem:v9+s2+$0x0], $0xffff;
	[tilespmem:s23+$0x100] =	vst v15  }
0x3eb: {  	v15 =	vld [tilespmem:$0x1FA00];
	[tilespmem:s23+$0xE0] =	vst v14  }
0x3ec: {  	v14 =	vld [tilespmem:$0x1F9F0];
	[tilespmem:s23+$0x110] =	vst v16  }
0x3ed: {  	v16 =	vld [tilespmem:$0x1FA10];
	[tilespmem:s23+$0x2F0] =	vst v0  }
0x3ee: {  	v0 =	vld.idx.msk [tilespmem:v7+s2+$0x0], $0xffff  }
0x3ef: {  	v1 =	vadd.s32 $0x2380, v1;
	v7 =	vld [tilespmem:$0x1FA30]  }
0x3f0: {  	[tilespmem:s23+$0x130] =	vst v9;
	v9 =	vld [tilespmem:$0x1FA40]  }
0x3f1: {  	v6 =	vld.idx.msk [tilespmem:v6+s2+$0x0], $0xffff  }
0x3f2: {  	v13 =	vld.idx.msk [tilespmem:v13+s2+$0x0], $0xffff  }
0x3f3: {  	v15 =	vld.idx.msk [tilespmem:v15+s2+$0x0], $0xffff;
	[tilespmem:s23+$0x370] =	vst v0  }
0x3f4: {  	v0 =	vld.idx.msk [tilespmem:v1+s2+$0x0], $0xffff  }
0x3f5: {  	v1 =	vld [tilespmem:$0x1FA80]  }
0x3f6: {  	v11 =	vadd.s32 $0x2200, v52;
	v14 =	vld.idx.msk [tilespmem:v14+s2+$0x0], $0xffff  }
0x3f7: {  	[tilespmem:$0x1FAC0] =	vst v11;
	v16 =	vld.idx.msk [tilespmem:v16+s2+$0x0], $0xffff  }
0x3f8: {  	[tilespmem:s23+$0x140] =	vst v13;
	v13 =	vld [tilespmem:$0x1FA50]  }
0x3f9: {  	v11 =	vadd.s32 $0x2200, v58;
	[tilespmem:s23+$0x120] =	vst v6;
	v6 =	vld [tilespmem:$0x1FA20]  }
0x3fa: {  	[tilespmem:$0x1FAD0] =	vst v11;
	v7 =	vld.idx.msk [tilespmem:v7+s2+$0x0], $0xffff  }
0x3fb: {  	v11 =	vadd.s32 $0x2200, v56;
	[tilespmem:s23+$0x160] =	vst v15;
	v15 =	vld [tilespmem:$0x1FA70]  }
0x3fc: {  	[tilespmem:$0x1FAE0] =	vst v11;
	v9 =	vld.idx.msk [tilespmem:v9+s2+$0x0], $0xffff  }
0x3fd: {  	[tilespmem:s23+$0x3F0] =	vst v0;
	v0 =	vld [tilespmem:$0x1FAE0]  }
0x3fe: {  	[tilespmem:s23+$0x150] =	vst v14;
	v14 =	vld [tilespmem:$0x1FA60]  }
0x3ff: {  	[tilespmem:s23+$0x1A0] =	vst v7;
	v7 =	vld [tilespmem:$0x1FAA0]  }
0x400: {  	[tilespmem:s23+$0x180] =	vst v16;
	v13 =	vld.idx.msk [tilespmem:v13+s2+$0x0], $0xffff  }
0x401: {  	[tilespmem:s23+$0x1B0] =	vst v9;
	v9 =	vld [tilespmem:$0x1FAB0]  }
0x402: {  	v1 =	vld.idx.msk [tilespmem:v1+s2+$0x0], $0xffff  }
0x403: {  	v15 =	vld.idx.msk [tilespmem:v15+s2+$0x0], $0xffff  }
0x404: {  	v6 =	vld.idx.msk [tilespmem:v6+s2+$0x0], $0xffff  }
0x405: {  	v11 =	vadd.s32 $0x2280, v8;
	[tilespmem:s23+$0x1C0] =	vst v13;
	v13 =	vld [tilespmem:$0x1FAC0]  }
0x406: {  	[tilespmem:$0x1FAF0] =	vst v11  }
0x407: {  	[tilespmem:s23+$0x200] =	vst v1;
	v1 =	vld [tilespmem:$0x1FAF0]  }
0x408: {  	v14 =	vld.idx.msk [tilespmem:v14+s2+$0x0], $0xffff;
	[tilespmem:s23+$0x1E0] =	vst v15  }
0x409: {  	v0 =	vld.idx.msk [tilespmem:v0+s2+$0x0], $0xffff  }
0x40a: {  	v11 =	vadd.s32 $0x2280, v4;
	[tilespmem:s23+$0x190] =	vst v6;
	v6 =	vld [tilespmem:$0x1FA90]  }
0x40b: {  	v2 =	vadd.s32 $0x2300, v8;
	[tilespmem:$0x1FB00] =	vst v11;
	v7 =	vld.idx.msk [tilespmem:v7+s2+$0x0], $0xffff  }
0x40c: {  	[tilespmem:$0x1FB60] =	vst v2;
	v2 =	vadd.s32 $0x2280, v56;
	v9 =	vld.idx.msk [tilespmem:v9+s2+$0x0], $0xffff  }
0x40d: {  	[tilespmem:$0x1FB50] =	vst v2;
	v13 =	vld.idx.msk [tilespmem:v13+s2+$0x0], $0xffff  }
0x40e: {  	v11 =	vadd.s32 $0x2280, v59;
	[tilespmem:s23+$0x260] =	vst v0;
	v0 =	vld [tilespmem:$0x1FB50]  }
0x40f: {  	[tilespmem:$0x1FB10] =	vst v11  }
0x410: {  	[tilespmem:s23+$0x1D0] =	vst v14;
	v14 =	vld [tilespmem:$0x1FAD0]  }
0x411: {  	[tilespmem:s23+$0x220] =	vst v7;
	v7 =	vld [tilespmem:$0x1FB10]  }
0x412: {  	[tilespmem:s23+$0x240] =	vst v13;
	v13 =	vld [tilespmem:$0x1FB30]  }
0x413: {  	[tilespmem:s23+$0x230] =	vst v9;
	v9 =	vld [tilespmem:$0x1FB20]  }
0x414: {  	v6 =	vld.idx.msk [tilespmem:v6+s2+$0x0], $0xffff  }
0x415: {  	v1 =	vld.idx.msk [tilespmem:v1+s2+$0x0], $0xffff  }
0x416: {  	v15 =	vld.idx.msk [tilespmem:v0+s2+$0x0], $0xffff  }
0x417: {  	v0 =	vld [tilespmem:$0x1FB60]  }
0x418: {  	v14 =	vld.idx.msk [tilespmem:v14+s2+$0x0], $0xffff  }
0x419: {  	[tilespmem:s23+$0x210] =	vst v6;
	v6 =	vld [tilespmem:$0x1FB00]  }
0x41a: {  	v17 =	vld.idx.msk [tilespmem:v13+s2+$0x0], $0xffff  }
0x41b: {  	v13 =	vld [tilespmem:$0x1FB40]  }
0x41c: {  	v2 =	vadd.s32 $0x2300, v59  }
0x41d: {  	[tilespmem:$0x1FB70] =	vst v2  }
0x41e: {  	[tilespmem:s23+$0x280] =	vst v1;
	v9 =	vld.idx.msk [tilespmem:v9+s2+$0x0], $0xffff  }
0x41f: {  	[tilespmem:s23+$0x250] =	vst v14;
	v14 =	vld.idx.msk [tilespmem:v0+s2+$0x0], $0xffff  }
0x420: {  	v22 =	vadd.s32 $0x2300, v5;
	v0 =	vld [tilespmem:$0x1FB70]  }
0x421: {  	v24 =	vadd.s32 $0x2300, v52;
	v6 =	vld.idx.msk [tilespmem:v6+s2+$0x0], $0xffff  }
0x422: {  	s25 =	sadd.s32 $0x8, s25;
	v40 =	vadd.s32 $0x2300, v4;
	v7 =	vld.idx.msk [tilespmem:v7+s2+$0x0], $0xffff  }
0x423: {  	p0 =	slt.u32 s25, $0xB8;
	v18 =	vld.idx.msk [tilespmem:v13+s2+$0x0], $0xffff  }
.Ltmp2:
0x424: {  	[tilespmem:s23+$0x2B0] =	vst v9;
	(pc) =	sbr.rel @p0 .LBB2_6-.Ltmp2, $4  }
0x425: {  	v16 =	vld.idx.msk [tilespmem:v22+s2+$0x0], $0xffff;
	[tilespmem:s23+$0x2C0] =	vst v17  }
0x426: {  	v43 =	vadd.s32 $0x2380, v56;
	v10 =	vadd.s32 $0x2380, v8;
	v8 =	vadd.s32 $0x2380, v4;
	[tilespmem:s23+$0x290] =	vst v6;
	v6 =	vld.idx.msk [tilespmem:v24+s2+$0x0], $0xffff  }
0x427: {  	v4 =	vadd.s32 $0x2380, v59;
	v12 =	vadd.s32 $0x2300, v58;
	v11 =	vadd.s32 $0x2300, v56;
	[tilespmem:s23+$0x2A0] =	vst v7;
	v13 =	vld.idx.msk [tilespmem:v40+s2+$0x0], $0xffff  }
0x428: {  	s26 =	sadd.s32 $0x80, s26;
	s24 =	smov.u32 s23;
	v2 =	vadd.s32 $0x2380, v58;
	v3 =	vadd.s32 $0x2380, v52;
	v5 =	vadd.s32 $0x2380, v5;
	v0 =	vld.idx.msk [tilespmem:v0+s2+$0x0], $0xffff;
	[tilespmem:s23+$0x2D0] =	vst v18  }
0x429: {  	_ =	sdelay $0x2  }
0x42a: {  	[tilespmem:s23+$0x2E0] =	vst v15  }
0x42b: {  	[tilespmem:s23+$0x300] =	vst v14;
	v1 =	vld.idx.msk [tilespmem:v12+s2+$0x0], $0xffff  }
0x42c: {  	v7 =	vld.idx.msk [tilespmem:v11+s2+$0x0], $0xffff;
	[tilespmem:s23+$0x330] =	vst v16  }
0x42d: {  	[tilespmem:s23+$0x320] =	vst v0;
	v0 =	vld.idx.msk [tilespmem:v10+s2+$0x0], $0xffff  }
0x42e: {  	v5 =	vld.idx.msk [tilespmem:v5+s2+$0x0], $0xffff;
	[tilespmem:s23+$0x310] =	vst v13  }
0x42f: {  	[tilespmem:s23+$0x340] =	vst v6;
	v8 =	vld.idx.msk [tilespmem:v8+s2+$0x0], $0xffff  }
0x430: {  	v4 =	vld.idx.msk [tilespmem:v4+s2+$0x0], $0xffff;
	[tilespmem:s23+$0x350] =	vst v1  }
0x431: {  	v1 =	vld.idx.msk [tilespmem:v3+s2+$0x0], $0xffff;
	[tilespmem:s23+$0x360] =	vst v7  }
0x432: {  	[tilespmem:s23+$0x380] =	vst v0;
	v0 =	vld.idx.msk [tilespmem:v2+s2+$0x0], $0xffff  }
0x433: {  	[tilespmem:s24+$0x3B0] =	vst v5;
	v2 =	vld.idx.msk [tilespmem:v43+s2+$0x0], $0xffff  }
0x434: {  	[tilespmem:s24+$0x390] =	vst v8  }
0x435: {  	[tilespmem:s24+$0x3A0] =	vst v4  }
0x436: {  	[tilespmem:s24+$0x3C0] =	vst v1  }
0x437: {  	[tilespmem:s24+$0x3D0] =	vst v0  }
0x438: {  	[tilespmem:s24+$0x3E0] =	vst v2  }
0x439: {  	[hbm4b:s7+s2] =	stream.linear.scatter [tilespmem:s17], [sflag:$0x1], $0x2000, $0x38;
	[tilespmem:$0x15000] =	vst v63  }
0x43a: {  	s30 =	sadd.s32 $0x1000, s7;
	s31 =	simm.s32 $0x4C70  }
0x43b: {  	[hbm4b:s30+s2] =	stream.linear.scatter [tilespmem:s18], [sflag:$0x1], $0x2000, $0x38;
	[tilespmem:$0x15000] =	vst v63  }
0x43c: {  	v0 =	vld [tilespmem:s31+$0x0];
	_ =	sdelay $0x2  }
0x43d: {  	v1 =	vld [tilespmem:s31+$0xFFFFFFA0]  }
0x43e: {  	v3 =	vld [tilespmem:s31+$0xFFFFFFB0]  }
0x43f: {  	v5 =	vld [tilespmem:s31+$0xFFFFFF90];
	v2 =	vshll.u32 v0, $0x3  }
0x440: {  	v0 =	vand.u32 $0x7F, v0;
	v2 =	vand.u32 $0xFFFFFC00, v2  }
0x441: {  	v4 =	vor.u32 v0, v2  }
0x442: {  	v2 =	vld [tilespmem:s31+$0xFFFFFFC0];
	v0 =	vshll.u32 v1, $0x3  }
0x443: {  	v7 =	vld [tilespmem:s31+$0xFFFFFFE0];
	v8 =	vand.u32 $0xFFFFFC00, v0;
	v0 =	vshll.u32 v3, $0x3  }
0x444: {  	v6 =	vld [tilespmem:s31+$0xFFFFFFD0];
	v9 =	vand.u32 $0xFFFFFC00, v0;
	v0 =	vshll.u32 v5, $0x3  }
0x445: {  	v1 =	vand.u32 $0x7F, v1;
	v5 =	vand.u32 $0x7F, v5;
	v0 =	vand.u32 $0xFFFFFC00, v0  }
0x446: {  	v11 =	vor.u32 $0x80, v4;
	v3 =	vand.u32 $0x7F, v3;
	v0 =	vor.u32 v5, v0;
	v10 =	vld.idx.msk [tilespmem:v4+s2+$0x0], $0xffff  }
0x447: {  	v12 =	vld [tilespmem:s31+$0xFFFFFFF0];
	v1 =	vor.u32 v1, v8;
	v13 =	vshll.u32 v2, $0x3;
	v8 =	vand.u32 $0x7F, v2  }
0x448: {  	v2 =	vor.u32 v3, v9;
	v9 =	vshll.u32 v7, $0x3;
	v7 =	vand.u32 $0x7F, v7  }
0x449: {  	v5 =	vand.u32 $0xFFFFFC00, v13;
	v13 =	vshll.u32 v6, $0x3;
	v6 =	vand.u32 $0x7F, v6  }
0x44a: {  	s23 =	simm.s32 $0x13000;
	v13 =	vand.u32 $0xFFFFFC00, v13;
	v3 =	vor.u32 v8, v5;
	v5 =	vand.u32 $0xFFFFFC00, v9  }
0x44b: {  	v6 =	vor.u32 v6, v13;
	v7 =	vor.u32 v7, v5;
	v5 =	vld.idx.msk [tilespmem:v0+s2+$0x0], $0xffff;
	[tilespmem:s23+$0xFFFF8070] =	vst v10  }
0x44c: {  	v9 =	vshll.u32 v12, $0x3;
	v8 =	vld.idx.msk [tilespmem:v11+s2+$0x0], $0xffff  }
0x44d: {  	v9 =	vand.u32 $0xFFFFFC00, v9;
	v13 =	vor.u32 $0x80, v0;
	v10 =	vand.u32 $0x7F, v12;
	v11 =	vld.idx.msk [tilespmem:v1+s2+$0x0], $0xffff  }
0x44e: {  	v9 =	vor.u32 v10, v9;
	v10 =	vld.idx.msk [tilespmem:v2+s2+$0x0], $0xffff  }
0x44f: {  	v12 =	vor.u32 $0x100, v4;
	v14 =	vld.idx.msk [tilespmem:v3+s2+$0x0], $0xffff  }
0x450: {  	v16 =	vld.idx.msk [tilespmem:v6+s2+$0x0], $0xffff  }
0x451: {  	v15 =	vor.u32 $0x80, v1;
	v18 =	vld.idx.msk [tilespmem:v7+s2+$0x0], $0xffff;
	[tilespmem:s23+$0xFFFF8000] =	vst v5  }
0x452: {  	v17 =	vor.u32 $0x80, v2;
	v13 =	vld.idx.msk [tilespmem:v13+s2+$0x0], $0xffff;
	[tilespmem:s23+$0xFFFF80F0] =	vst v8  }
0x453: {  	v8 =	vor.u32 $0x80, v3;
	[tilespmem:s23+$0xFFFF8010] =	vst v11;
	v11 =	vld.idx.msk [tilespmem:v9+s2+$0x0], $0xffff  }
0x454: {  	[tilespmem:s23+$0xFFFF8020] =	vst v10;
	v5 =	vld.idx.msk [tilespmem:v12+s2+$0x0], $0xffff;
	v12 =	vor.u32 $0x80, v6  }
0x455: {  	[tilespmem:s23+$0xFFFF8030] =	vst v14;
	v14 =	vor.u32 $0x80, v7  }
0x456: {  	v10 =	vor.u32 $0x180, v4;
	v15 =	vld.idx.msk [tilespmem:v15+s2+$0x0], $0xffff;
	[tilespmem:s23+$0xFFFF8040] =	vst v16  }
0x457: {  	v17 =	vld.idx.msk [tilespmem:v17+s2+$0x0], $0xffff;
	v16 =	vor.u32 $0x80, v9;
	[tilespmem:s23+$0xFFFF8050] =	vst v18  }
0x458: {  	v18 =	vor.u32 $0x100, v0;
	[tilespmem:s23+$0xFFFF8080] =	vst v13;
	v8 =	vld.idx.msk [tilespmem:v8+s2+$0x0], $0xffff  }
0x459: {  	[tilespmem:s23+$0xFFFF8060] =	vst v11;
	v11 =	vor.u32 $0x100, v2;
	v12 =	vld.idx.msk [tilespmem:v12+s2+$0x0], $0xffff  }
0x45a: {  	[tilespmem:s23+$0xFFFF8170] =	vst v5;
	v5 =	vor.u32 $0x100, v1;
	v14 =	vld.idx.msk [tilespmem:v14+s2+$0x0], $0xffff  }
0x45b: {  	v13 =	vor.u32 $0x100, v3;
	[tilespmem:s23+$0xFFFF8090] =	vst v15;
	v10 =	vld.idx.msk [tilespmem:v10+s2+$0x0], $0xffff  }
0x45c: {  	[tilespmem:s23+$0xFFFF80A0] =	vst v17;
	v17 =	vor.u32 $0x100, v6;
	v15 =	vld.idx.msk [tilespmem:v16+s2+$0x0], $0xffff  }
0x45d: {  	v16 =	vor.u32 $0x200, v4;
	v18 =	vld.idx.msk [tilespmem:v18+s2+$0x0], $0xffff  }
0x45e: {  	[tilespmem:s23+$0xFFFF80B0] =	vst v8;
	v8 =	vor.u32 $0x100, v7;
	v11 =	vld.idx.msk [tilespmem:v11+s2+$0x0], $0xffff  }
0x45f: {  	v5 =	vld.idx.msk [tilespmem:v5+s2+$0x0], $0xffff;
	[tilespmem:s23+$0xFFFF80C0] =	vst v12;
	v12 =	vor.u32 $0x100, v9  }
0x460: {  	v13 =	vld.idx.msk [tilespmem:v13+s2+$0x0], $0xffff;
	[tilespmem:s23+$0xFFFF81F0] =	vst v10;
	v10 =	vor.u32 $0x180, v0  }
0x461: {  	[tilespmem:s23+$0xFFFF80D0] =	vst v14;
	v14 =	vor.u32 $0x180, v1;
	v17 =	vld.idx.msk [tilespmem:v17+s2+$0x0], $0xffff  }
0x462: {  	[tilespmem:s23+$0xFFFF80E0] =	vst v15;
	v15 =	vor.u32 $0x180, v2;
	v16 =	vld.idx.msk [tilespmem:v16+s2+$0x0], $0xffff  }
0x463: {  	[tilespmem:s23+$0xFFFF8100] =	vst v18;
	v18 =	vor.u32 $0x280, v4;
	v8 =	vld.idx.msk [tilespmem:v8+s2+$0x0], $0xffff  }
0x464: {  	[tilespmem:s23+$0xFFFF8120] =	vst v11;
	v11 =	vor.u32 $0x180, v6;
	v12 =	vld.idx.msk [tilespmem:v12+s2+$0x0], $0xffff  }
0x465: {  	[tilespmem:s23+$0xFFFF8110] =	vst v5;
	v5 =	vor.u32 $0x180, v3;
	v10 =	vld.idx.msk [tilespmem:v10+s2+$0x0], $0xffff  }
0x466: {  	[tilespmem:s23+$0xFFFF8130] =	vst v13;
	v13 =	vor.u32 $0x180, v7;
	v14 =	vld.idx.msk [tilespmem:v14+s2+$0x0], $0xffff  }
0x467: {  	v15 =	vld.idx.msk [tilespmem:v15+s2+$0x0], $0xffff;
	[tilespmem:s23+$0xFFFF8270] =	vst v16;
	v16 =	vor.u32 $0x180, v9  }
0x468: {  	[tilespmem:s23+$0xFFFF8140] =	vst v17;
	v17 =	vor.u32 $0x200, v0;
	v18 =	vld.idx.msk [tilespmem:v18+s2+$0x0], $0xffff  }
0x469: {  	[tilespmem:s23+$0xFFFF8150] =	vst v8;
	v8 =	vor.u32 $0x200, v1;
	v11 =	vld.idx.msk [tilespmem:v11+s2+$0x0], $0xffff  }
0x46a: {  	v5 =	vld.idx.msk [tilespmem:v5+s2+$0x0], $0xffff;
	[tilespmem:s23+$0xFFFF8160] =	vst v12;
	v12 =	vor.u32 $0x300, v4  }
0x46b: {  	v13 =	vld.idx.msk [tilespmem:v13+s2+$0x0], $0xffff;
	[tilespmem:s23+$0xFFFF8180] =	vst v10;
	v10 =	vor.u32 $0x200, v2  }
0x46c: {  	[tilespmem:s23+$0xFFFF8190] =	vst v14;
	v14 =	vor.u32 $0x200, v3;
	v16 =	vld.idx.msk [tilespmem:v16+s2+$0x0], $0xffff  }
0x46d: {  	[tilespmem:s23+$0xFFFF81A0] =	vst v15;
	v15 =	vor.u32 $0x200, v6;
	v17 =	vld.idx.msk [tilespmem:v17+s2+$0x0], $0xffff  }
0x46e: {  	[tilespmem:s23+$0xFFFF82F0] =	vst v18;
	v18 =	vor.u32 $0x200, v7;
	v8 =	vld.idx.msk [tilespmem:v8+s2+$0x0], $0xffff  }
0x46f: {  	[tilespmem:s23+$0xFFFF81C0] =	vst v11;
	v11 =	vor.u32 $0x280, v0;
	v12 =	vld.idx.msk [tilespmem:v12+s2+$0x0], $0xffff  }
0x470: {  	[tilespmem:s23+$0xFFFF81B0] =	vst v5;
	v5 =	vor.u32 $0x200, v9;
	v10 =	vld.idx.msk [tilespmem:v10+s2+$0x0], $0xffff  }
0x471: {  	[tilespmem:s23+$0xFFFF81D0] =	vst v13;
	v13 =	vor.u32 $0x380, v4;
	v14 =	vld.idx.msk [tilespmem:v14+s2+$0x0], $0xffff  }
0x472: {  	v15 =	vld.idx.msk [tilespmem:v15+s2+$0x0], $0xffff;
	[tilespmem:s23+$0xFFFF81E0] =	vst v16;
	v16 =	vor.u32 $0x280, v1  }
0x473: {  	[tilespmem:s23+$0xFFFF8200] =	vst v17;
	v17 =	vor.u32 $0x280, v2;
	v18 =	vld.idx.msk [tilespmem:v18+s2+$0x0], $0xffff  }
0x474: {  	[tilespmem:s23+$0xFFFF8210] =	vst v8;
	v8 =	vor.u32 $0x280, v3;
	v11 =	vld.idx.msk [tilespmem:v11+s2+$0x0], $0xffff  }
0x475: {  	v5 =	vld.idx.msk [tilespmem:v5+s2+$0x0], $0xffff;
	[tilespmem:s23+$0xFFFF8370] =	vst v12;
	v12 =	vor.u32 $0x280, v6  }
0x476: {  	[tilespmem:s23+$0xFFFF8220] =	vst v10;
	v10 =	vor.u32 $0x280, v7;
	v13 =	vld.idx.msk [tilespmem:v13+s2+$0x0], $0xffff  }
0x477: {  	[tilespmem:s23+$0xFFFF8230] =	vst v14;
	v14 =	vor.u32 $0x280, v9;
	v16 =	vld.idx.msk [tilespmem:v16+s2+$0x0], $0xffff  }
0x478: {  	[tilespmem:s23+$0xFFFF8240] =	vst v15;
	v15 =	vadd.s32 $0x2000, v4;
	v17 =	vld.idx.msk [tilespmem:v17+s2+$0x0], $0xffff  }
0x479: {  	[tilespmem:s23+$0xFFFF8250] =	vst v18;
	v18 =	vor.u32 $0x300, v0;
	v8 =	vld.idx.msk [tilespmem:v8+s2+$0x0], $0xffff  }
0x47a: {  	[tilespmem:s23+$0xFFFF8280] =	vst v11;
	v11 =	vor.u32 $0x300, v2;
	v12 =	vld.idx.msk [tilespmem:v12+s2+$0x0], $0xffff  }
0x47b: {  	[tilespmem:s23+$0xFFFF8260] =	vst v5;
	v5 =	vor.u32 $0x300, v1;
	v10 =	vld.idx.msk [tilespmem:v10+s2+$0x0], $0xffff  }
0x47c: {  	[tilespmem:s23+$0xFFFF83F0] =	vst v13;
	v13 =	vor.u32 $0x300, v3;
	v14 =	vld.idx.msk [tilespmem:v14+s2+$0x0], $0xffff  }
0x47d: {  	[tilespmem:s23+$0xFFFF8290] =	vst v16;
	v16 =	vor.u32 $0x300, v6;
	v15 =	vld.idx.msk [tilespmem:v15+s2+$0x0], $0xffff  }
0x47e: {  	[tilespmem:s23+$0xFFFF82A0] =	vst v17;
	v17 =	vor.u32 $0x300, v7;
	v18 =	vld.idx.msk [tilespmem:v18+s2+$0x0], $0xffff  }
0x47f: {  	[tilespmem:s23+$0xFFFF82B0] =	vst v8;
	v8 =	vadd.s32 $0x2080, v4;
	v11 =	vld.idx.msk [tilespmem:v11+s2+$0x0], $0xffff  }
0x480: {  	v5 =	vld.idx.msk [tilespmem:v5+s2+$0x0], $0xffff;
	[tilespmem:s23+$0xFFFF82C0] =	vst v12;
	v12 =	vor.u32 $0x300, v9  }
0x481: {  	[tilespmem:s23+$0xFFFF82D0] =	vst v10;
	v10 =	vor.u32 $0x380, v0;
	v13 =	vld.idx.msk [tilespmem:v13+s2+$0x0], $0xffff  }
0x482: {  	[tilespmem:s23+$0xFFFF82E0] =	vst v14;
	v14 =	vor.u32 $0x380, v1;
	v16 =	vld.idx.msk [tilespmem:v16+s2+$0x0], $0xffff  }
0x483: {  	[tilespmem:s23+$0x70] =	vst v15;
	v15 =	vor.u32 $0x380, v2;
	v17 =	vld.idx.msk [tilespmem:v17+s2+$0x0], $0xffff  }
0x484: {  	[tilespmem:s23+$0xFFFF8300] =	vst v18;
	v18 =	vor.u32 $0x380, v3;
	v8 =	vld.idx.msk [tilespmem:v8+s2+$0x0], $0xffff  }
0x485: {  	[tilespmem:s23+$0xFFFF8310] =	vst v5;
	v5 =	vor.u32 $0x380, v6;
	v12 =	vld.idx.msk [tilespmem:v12+s2+$0x0], $0xffff  }
0x486: {  	[tilespmem:s23+$0xFFFF8320] =	vst v11;
	v11 =	vadd.s32 $0x2100, v4;
	v10 =	vld.idx.msk [tilespmem:v10+s2+$0x0], $0xffff  }
0x487: {  	[tilespmem:s23+$0xFFFF8330] =	vst v13;
	v13 =	vor.u32 $0x380, v7;
	v14 =	vld.idx.msk [tilespmem:v14+s2+$0x0], $0xffff  }
0x488: {  	[tilespmem:s23+$0xFFFF8340] =	vst v16;
	v16 =	vor.u32 $0x380, v9;
	v15 =	vld.idx.msk [tilespmem:v15+s2+$0x0], $0xffff  }
0x489: {  	[tilespmem:s23+$0xFFFF8350] =	vst v17;
	v17 =	vadd.s32 $0x2000, v0;
	v18 =	vld.idx.msk [tilespmem:v18+s2+$0x0], $0xffff  }
0x48a: {  	[tilespmem:s23+$0xF0] =	vst v8;
	v8 =	vadd.s32 $0x2000, v1;
	v5 =	vld.idx.msk [tilespmem:v5+s2+$0x0], $0xffff  }
0x48b: {  	[tilespmem:s23+$0xFFFF8360] =	vst v12;
	v12 =	vadd.s32 $0x2000, v2;
	v11 =	vld.idx.msk [tilespmem:v11+s2+$0x0], $0xffff  }
0x48c: {  	[tilespmem:s23+$0xFFFF8380] =	vst v10;
	v10 =	vadd.s32 $0x2000, v3;
	v13 =	vld.idx.msk [tilespmem:v13+s2+$0x0], $0xffff  }
0x48d: {  	[tilespmem:s23+$0xFFFF8390] =	vst v14;
	v14 =	vld.idx.msk [tilespmem:v16+s2+$0x0], $0xffff;
	v16 =	vadd.s32 $0x2180, v4  }
0x48e: {  	[tilespmem:s23+$0xFFFF83A0] =	vst v15;
	v15 =	vadd.s32 $0x2000, v6;
	v17 =	vld.idx.msk [tilespmem:v17+s2+$0x0], $0xffff  }
0x48f: {  	[tilespmem:s23+$0xFFFF83B0] =	vst v18;
	v18 =	vadd.s32 $0x2000, v7;
	v8 =	vld.idx.msk [tilespmem:v8+s2+$0x0], $0xffff  }
0x490: {  	[tilespmem:s23+$0xFFFF83C0] =	vst v5;
	v5 =	vadd.s32 $0x2000, v9;
	v12 =	vld.idx.msk [tilespmem:v12+s2+$0x0], $0xffff  }
0x491: {  	[tilespmem:s23+$0x170] =	vst v11;
	v11 =	vadd.s32 $0x2080, v0;
	v10 =	vld.idx.msk [tilespmem:v10+s2+$0x0], $0xffff  }
0x492: {  	[tilespmem:s23+$0xFFFF83D0] =	vst v13;
	v13 =	vadd.s32 $0x2080, v1;
	v16 =	vld.idx.msk [tilespmem:v16+s2+$0x0], $0xffff  }
0x493: {  	[tilespmem:s23+$0xFFFF83E0] =	vst v14;
	v14 =	vadd.s32 $0x2080, v2;
	v15 =	vld.idx.msk [tilespmem:v15+s2+$0x0], $0xffff  }
0x494: {  	[tilespmem:s23+$0x0] =	vst v17;
	v17 =	vld.idx.msk [tilespmem:v18+s2+$0x0], $0xffff;
	v18 =	vadd.s32 $0x2200, v4  }
0x495: {  	[tilespmem:s23+$0x10] =	vst v8;
	v8 =	vadd.s32 $0x2080, v3;
	v5 =	vld.idx.msk [tilespmem:v5+s2+$0x0], $0xffff  }
0x496: {  	[tilespmem:s23+$0x20] =	vst v12;
	v12 =	vadd.s32 $0x2080, v6;
	v11 =	vld.idx.msk [tilespmem:v11+s2+$0x0], $0xffff  }
0x497: {  	[tilespmem:s23+$0x30] =	vst v10;
	v10 =	vadd.s32 $0x2080, v7;
	v13 =	vld.idx.msk [tilespmem:v13+s2+$0x0], $0xffff  }
0x498: {  	[tilespmem:s23+$0x1F0] =	vst v16;
	v16 =	vadd.s32 $0x2080, v9;
	v14 =	vld.idx.msk [tilespmem:v14+s2+$0x0], $0xffff  }
0x499: {  	[tilespmem:s23+$0x40] =	vst v15;
	v15 =	vadd.s32 $0x2100, v0;
	v18 =	vld.idx.msk [tilespmem:v18+s2+$0x0], $0xffff  }
0x49a: {  	[tilespmem:s23+$0x50] =	vst v17;
	v17 =	vadd.s32 $0x2100, v1;
	v8 =	vld.idx.msk [tilespmem:v8+s2+$0x0], $0xffff  }
0x49b: {  	v12 =	vld.idx.msk [tilespmem:v12+s2+$0x0], $0xffff;
	[tilespmem:s23+$0x60] =	vst v5;
	v5 =	vadd.s32 $0x2280, v4  }
0x49c: {  	[tilespmem:s23+$0x80] =	vst v11;
	v11 =	vadd.s32 $0x2100, v2;
	v10 =	vld.idx.msk [tilespmem:v10+s2+$0x0], $0xffff  }
0x49d: {  	[tilespmem:s23+$0x90] =	vst v13;
	v13 =	vadd.s32 $0x2100, v3;
	v16 =	vld.idx.msk [tilespmem:v16+s2+$0x0], $0xffff  }
0x49e: {  	[tilespmem:s23+$0xA0] =	vst v14;
	v14 =	vadd.s32 $0x2100, v6;
	v15 =	vld.idx.msk [tilespmem:v15+s2+$0x0], $0xffff  }
0x49f: {  	[tilespmem:s23+$0x270] =	vst v18;
	v18 =	vadd.s32 $0x2100, v7;
	v17 =	vld.idx.msk [tilespmem:v17+s2+$0x0], $0xffff  }
0x4a0: {  	[tilespmem:s23+$0xB0] =	vst v8;
	v8 =	vadd.s32 $0x2100, v9;
	v5 =	vld.idx.msk [tilespmem:v5+s2+$0x0], $0xffff  }
0x4a1: {  	[tilespmem:s23+$0xC0] =	vst v12;
	v12 =	vadd.s32 $0x2180, v0;
	v11 =	vld.idx.msk [tilespmem:v11+s2+$0x0], $0xffff  }
0x4a2: {  	v13 =	vld.idx.msk [tilespmem:v13+s2+$0x0], $0xffff;
	[tilespmem:s23+$0xD0] =	vst v10;
	v10 =	vadd.s32 $0x2300, v4  }
0x4a3: {  	[tilespmem:s23+$0xE0] =	vst v16;
	v16 =	vadd.s32 $0x2180, v1;
	v14 =	vld.idx.msk [tilespmem:v14+s2+$0x0], $0xffff  }
0x4a4: {  	[tilespmem:s23+$0x100] =	vst v15;
	v15 =	vadd.s32 $0x2180, v2;
	v18 =	vld.idx.msk [tilespmem:v18+s2+$0x0], $0xffff  }
0x4a5: {  	[tilespmem:s23+$0x110] =	vst v17;
	v17 =	vadd.s32 $0x2180, v3;
	v8 =	vld.idx.msk [tilespmem:v8+s2+$0x0], $0xffff  }
0x4a6: {  	[tilespmem:s23+$0x2F0] =	vst v5;
	v5 =	vadd.s32 $0x2180, v6;
	v12 =	vld.idx.msk [tilespmem:v12+s2+$0x0], $0xffff  }
0x4a7: {  	[tilespmem:s23+$0x120] =	vst v11;
	v11 =	vadd.s32 $0x2180, v7;
	v10 =	vld.idx.msk [tilespmem:v10+s2+$0x0], $0xffff  }
0x4a8: {  	[tilespmem:s23+$0x130] =	vst v13;
	v13 =	vadd.s32 $0x2180, v9;
	v16 =	vld.idx.msk [tilespmem:v16+s2+$0x0], $0xffff  }
0x4a9: {  	v4 =	vadd.s32 $0x2380, v4;
	[tilespmem:s23+$0x140] =	vst v14;
	v14 =	vld.idx.msk [tilespmem:v15+s2+$0x0], $0xffff  }
0x4aa: {  	v15 =	vadd.s32 $0x2200, v0;
	[tilespmem:s23+$0x150] =	vst v18;
	v17 =	vld.idx.msk [tilespmem:v17+s2+$0x0], $0xffff  }
0x4ab: {  	[tilespmem:s23+$0x160] =	vst v8;
	v8 =	vadd.s32 $0x2200, v1;
	v5 =	vld.idx.msk [tilespmem:v5+s2+$0x0], $0xffff  }
0x4ac: {  	[tilespmem:s23+$0x180] =	vst v12;
	v12 =	vadd.s32 $0x2200, v2;
	v11 =	vld.idx.msk [tilespmem:v11+s2+$0x0], $0xffff  }
0x4ad: {  	[tilespmem:s23+$0x370] =	vst v10;
	v10 =	vadd.s32 $0x2200, v3;
	v13 =	vld.idx.msk [tilespmem:v13+s2+$0x0], $0xffff  }
0x4ae: {  	[tilespmem:s23+$0x190] =	vst v16;
	v16 =	vadd.s32 $0x2200, v6;
	v4 =	vld.idx.msk [tilespmem:v4+s2+$0x0], $0xffff  }
0x4af: {  	[tilespmem:s23+$0x1A0] =	vst v14;
	v14 =	vadd.s32 $0x2200, v7;
	v15 =	vld.idx.msk [tilespmem:v15+s2+$0x0], $0xffff  }
0x4b0: {  	[tilespmem:s23+$0x1B0] =	vst v17;
	v17 =	vadd.s32 $0x2200, v9;
	v8 =	vld.idx.msk [tilespmem:v8+s2+$0x0], $0xffff  }
0x4b1: {  	[tilespmem:s23+$0x1C0] =	vst v5;
	v5 =	vadd.s32 $0x2280, v0;
	v12 =	vld.idx.msk [tilespmem:v12+s2+$0x0], $0xffff  }
0x4b2: {  	[tilespmem:s23+$0x1D0] =	vst v11;
	v11 =	vadd.s32 $0x2280, v1;
	v10 =	vld.idx.msk [tilespmem:v10+s2+$0x0], $0xffff  }
0x4b3: {  	[tilespmem:s23+$0x1E0] =	vst v13;
	v13 =	vadd.s32 $0x2280, v2;
	v16 =	vld.idx.msk [tilespmem:v16+s2+$0x0], $0xffff  }
0x4b4: {  	[tilespmem:s23+$0x3F0] =	vst v4;
	v4 =	vadd.s32 $0x2280, v3;
	v14 =	vld.idx.msk [tilespmem:v14+s2+$0x0], $0xffff  }
0x4b5: {  	[tilespmem:s23+$0x200] =	vst v15;
	v15 =	vadd.s32 $0x2280, v6;
	v17 =	vld.idx.msk [tilespmem:v17+s2+$0x0], $0xffff  }
0x4b6: {  	[tilespmem:s23+$0x210] =	vst v8;
	v8 =	vadd.s32 $0x2280, v7;
	v5 =	vld.idx.msk [tilespmem:v5+s2+$0x0], $0xffff  }
0x4b7: {  	[tilespmem:s23+$0x220] =	vst v12;
	v12 =	vadd.s32 $0x2280, v9;
	v11 =	vld.idx.msk [tilespmem:v11+s2+$0x0], $0xffff  }
0x4b8: {  	[tilespmem:s23+$0x230] =	vst v10;
	v10 =	vadd.s32 $0x2300, v0;
	v18 =	vld.idx.msk [tilespmem:v13+s2+$0x0], $0xffff  }
0x4b9: {  	v13 =	vadd.s32 $0x2300, v1;
	[tilespmem:s23+$0x240] =	vst v16;
	v4 =	vld.idx.msk [tilespmem:v4+s2+$0x0], $0xffff  }
0x4ba: {  	[tilespmem:s23+$0x250] =	vst v14;
	v16 =	vadd.s32 $0x2300, v2;
	v19 =	vld.idx.msk [tilespmem:v15+s2+$0x0], $0xffff  }
0x4bb: {  	[tilespmem:s23+$0x260] =	vst v17;
	v17 =	vadd.s32 $0x2300, v3;
	v20 =	vld.idx.msk [tilespmem:v8+s2+$0x0], $0xffff  }
0x4bc: {  	v21 =	vadd.s32 $0x2300, v6;
	[tilespmem:s23+$0x280] =	vst v5;
	v15 =	vld.idx.msk [tilespmem:v12+s2+$0x0], $0xffff  }
0x4bd: {  	[tilespmem:s23+$0x290] =	vst v11;
	v14 =	vld.idx.msk [tilespmem:v10+s2+$0x0], $0xffff  }
0x4be: {  	v13 =	vld.idx.msk [tilespmem:v13+s2+$0x0], $0xffff;
	[tilespmem:s23+$0x2A0] =	vst v18  }
0x4bf: {  	v43 =	vadd.s32 $0x2380, v9;
	v8 =	vadd.s32 $0x2380, v1;
	v10 =	vadd.s32 $0x2380, v0;
	[tilespmem:s23+$0x2B0] =	vst v4;
	v0 =	vld.idx.msk [tilespmem:v16+s2+$0x0], $0xffff  }
0x4c0: {  	v12 =	vadd.s32 $0x2300, v7;
	v11 =	vadd.s32 $0x2300, v9;
	v5 =	vadd.s32 $0x2380, v3;
	[tilespmem:s23+$0x2C0] =	vst v19;
	v16 =	vld.idx.msk [tilespmem:v17+s2+$0x0], $0xffff  }
0x4c1: {  	s25 =	simm.s32 $0xC0;
	s26 =	simm.s32 $0x4CF0;
	s24 =	simm.s32 $0x13000;
	v3 =	vadd.s32 $0x2380, v6;
	v4 =	vadd.s32 $0x2380, v2;
	v2 =	vadd.s32 $0x2380, v7;
	[tilespmem:s23+$0x2D0] =	vst v20;
	v6 =	vld.idx.msk [tilespmem:v21+s2+$0x0], $0xffff  }
.LBB2_8:
0x4c2: {  	v7 =	vld [tilespmem:s26+$0x0]  }
0x4c3: {  	v9 =	vld [tilespmem:s26+$0xFFFFFFA0]  }
0x4c4: {  	[tilespmem:s23+$0x300] =	vst v14;
	v14 =	vld [tilespmem:s26+$0xFFFFFFB0]  }
0x4c5: {  	[tilespmem:s23+$0x2E0] =	vst v15;
	v15 =	vld [tilespmem:s26+$0xFFFFFFD0]  }
0x4c6: {  	v12 =	vld.idx.msk [tilespmem:v12+s2+$0x0], $0xffff  }
0x4c7: {  	v17 =	vld [tilespmem:s26+$0xFFFFFFF0]  }
0x4c8: {  	v18 =	vld [tilespmem:s26+$0xFFFFFF90]  }
0x4c9: {  	v11 =	vld.idx.msk [tilespmem:v11+s2+$0x0], $0xffff;
	[tilespmem:s23+$0x310] =	vst v13  }
0x4ca: {  	v10 =	vld.idx.msk [tilespmem:v10+s2+$0x0], $0xffff;
	[tilespmem:s23+$0x320] =	vst v0  }
0x4cb: {  	v13 =	vld [tilespmem:s26+$0xFFFFFFC0];
	[tilespmem:s23+$0x340] =	vst v6;
	v0 =	vshll.u32 v7, $0x3;
	v6 =	vshll.u32 v9, $0x3;
	v7 =	vand.u32 $0x7F, v7  }
0x4cc: {  	v19 =	vshll.u32 v14, $0x3;
	v14 =	vand.u32 $0x7F, v14;
	v20 =	vshll.u32 v15, $0x3;
	v23 =	vld.idx.msk [tilespmem:v8+s2+$0x0], $0xffff  }
0x4cd: {  	[tilespmem:s23+$0x330] =	vst v16;
	v15 =	vand.u32 $0x7F, v15;
	v25 =	vld.idx.msk [tilespmem:v4+s2+$0x0], $0xffff;
	v0 =	vand.u32 $0xFFFFFC00, v0;
	v6 =	vand.u32 $0xFFFFFC00, v6  }
0x4ce: {  	v16 =	vld [tilespmem:s26+$0xFFFFFFE0];
	[tilespmem:s23+$0x350] =	vst v12;
	v20 =	vand.u32 $0xFFFFFC00, v20;
	v8 =	vand.u32 $0x7F, v18;
	v18 =	vshll.u32 v18, $0x3  }
0x4cf: {  	v22 =	vshll.u32 v17, $0x3;
	[tilespmem:s23+$0x360] =	vst v11;
	v1 =	vor.u32 v7, v0;
	v18 =	vand.u32 $0xFFFFFC00, v18  }
0x4d0: {  	[tilespmem:s23+$0x380] =	vst v10;
	v7 =	vand.u32 $0x7F, v9;
	v52 =	vor.u32 v15, v20;
	v15 =	vld.idx.msk [tilespmem:v43+s2+$0x0], $0xffff;
	v8 =	vor.u32 v8, v18  }
0x4d1: {  	v17 =	vand.u32 $0x7F, v17;
	v9 =	vand.u32 $0xFFFFFC00, v19;
	v4 =	vor.u32 v7, v6;
	v7 =	vld.idx.msk [tilespmem:v5+s2+$0x0], $0xffff;
	[tilespmem:s24+$0x390] =	vst v23  }
0x4d2: {  	v22 =	vand.u32 $0xFFFFFC00, v22;
	v59 =	vor.u32 v14, v9;
	v9 =	vld.idx.msk [tilespmem:v3+s2+$0x0], $0xffff;
	v0 =	vadd.s32 $0x2000, v8;
	[tilespmem:s24+$0x3A0] =	vst v25  }
0x4d3: {  	v56 =	vor.u32 v17, v22;
	v14 =	vld.idx.msk [tilespmem:v2+s2+$0x0], $0xffff;
	v19 =	vshll.u32 v13, $0x3;
	v10 =	vadd.s32 $0x2080, v4;
	[tilespmem:$0x1F700] =	vst v0  }
0x4d4: {  	v13 =	vand.u32 $0x7F, v13;
	v21 =	vshll.u32 v16, $0x3;
	v19 =	vand.u32 $0xFFFFFC00, v19;
	[tilespmem:$0x1F710] =	vst v10;
	v24 =	vld.idx.msk [tilespmem:v1+s2+$0x0], $0xffff  }
0x4d5: {  	v16 =	vand.u32 $0x7F, v16;
	v21 =	vand.u32 $0xFFFFFC00, v21;
	v5 =	vor.u32 v13, v19;
	[tilespmem:s24+$0x3E0] =	vst v15;
	v62 =	vld.idx.msk [tilespmem:v8+s2+$0x0], $0xffff  }
0x4d6: {  	v58 =	vor.u32 v16, v21;
	[tilespmem:s24+$0x3B0] =	vst v7;
	v23 =	vld.idx.msk [tilespmem:v4+s2+$0x0], $0xffff  }
0x4d7: {  	v6 =	vor.u32 $0x80, v1;
	v26 =	vld.idx.msk [tilespmem:v59+s2+$0x0], $0xffff;
	[tilespmem:s24+$0x3C0] =	vst v9  }
0x4d8: {  	s23 =	sadd.s32 $0x400, s23;
	v27 =	vor.u32 $0x80, v8;
	[tilespmem:s24+$0x3D0] =	vst v14;
	v47 =	vld.idx.msk [tilespmem:v56+s2+$0x0], $0xffff  }
0x4d9: {  	v28 =	vor.u32 $0x80, v4;
	v35 =	vld.idx.msk [tilespmem:v52+s2+$0x0], $0xffff;
	[tilespmem:s23+$0xFFFF8070] =	vst v24  }
0x4da: {  	v29 =	vor.u32 $0x80, v59;
	v34 =	vld.idx.msk [tilespmem:v5+s2+$0x0], $0xffff;
	[tilespmem:s23+$0xFFFF8000] =	vst v62  }
0x4db: {  	v40 =	vor.u32 $0x80, v56;
	v37 =	vld.idx.msk [tilespmem:v58+s2+$0x0], $0xffff;
	[tilespmem:s23+$0xFFFF8010] =	vst v23  }
0x4dc: {  	v38 =	vor.u32 $0x80, v52;
	v17 =	vld.idx.msk [tilespmem:v6+s2+$0x0], $0xffff;
	[tilespmem:s23+$0xFFFF8020] =	vst v26  }
0x4dd: {  	[tilespmem:s23+$0xFFFF8060] =	vst v47;
	v48 =	vld.idx.msk [tilespmem:v27+s2+$0x0], $0xffff  }
0x4de: {  	v33 =	vor.u32 $0x80, v5;
	v50 =	vld.idx.msk [tilespmem:v28+s2+$0x0], $0xffff;
	[tilespmem:s23+$0xFFFF8040] =	vst v35  }
0x4df: {  	v53 =	vld.idx.msk [tilespmem:v29+s2+$0x0], $0xffff;
	[tilespmem:s23+$0xFFFF8030] =	vst v34  }
0x4e0: {  	v39 =	vor.u32 $0x80, v58;
	v40 =	vld.idx.msk [tilespmem:v40+s2+$0x0], $0xffff;
	[tilespmem:s23+$0xFFFF8050] =	vst v37  }
0x4e1: {  	v7 =	vld.idx.msk [tilespmem:v38+s2+$0x0], $0xffff;
	[tilespmem:s23+$0xFFFF80F0] =	vst v17  }
0x4e2: {  	[tilespmem:s23+$0xFFFF8080] =	vst v48  }
0x4e3: {  	v63 =	vor.u32 $0x100, v1;
	v6 =	vld.idx.msk [tilespmem:v33+s2+$0x0], $0xffff;
	[tilespmem:s23+$0xFFFF8090] =	vst v50  }
0x4e4: {  	[tilespmem:s23+$0xFFFF80A0] =	vst v53  }
0x4e5: {  	v2 =	vld.idx.msk [tilespmem:v39+s2+$0x0], $0xffff;
	[tilespmem:s23+$0xFFFF80E0] =	vst v40  }
0x4e6: {  	[tilespmem:s23+$0xFFFF80C0] =	vst v7;
	v7 =	vadd.s32 $0x2100, v59  }
0x4e7: {  	[tilespmem:$0x1F780] =	vst v7  }
0x4e8: {  	v41 =	vor.u32 $0x100, v8;
	v46 =	vld.idx.msk [tilespmem:v63+s2+$0x0], $0xffff;
	v7 =	vadd.s32 $0x2100, v5;
	[tilespmem:s23+$0xFFFF80B0] =	vst v6  }
0x4e9: {  	v42 =	vor.u32 $0x100, v4;
	[tilespmem:$0x1F790] =	vst v7  }
0x4ea: {  	v43 =	vor.u32 $0x100, v59;
	v6 =	vadd.s32 $0x2080, v5;
	[tilespmem:s23+$0xFFFF80D0] =	vst v2  }
0x4eb: {  	v2 =	vadd.s32 $0x2100, v58;
	[tilespmem:$0x1F720] =	vst v6  }
0x4ec: {  	[tilespmem:$0x1F7B0] =	vst v2  }
0x4ed: {  	v9 =	vld.idx.msk [tilespmem:v41+s2+$0x0], $0xffff;
	v6 =	vadd.s32 $0x2080, v52;
	[tilespmem:s23+$0xFFFF8170] =	vst v46  }
0x4ee: {  	v10 =	vld.idx.msk [tilespmem:v42+s2+$0x0], $0xffff;
	v2 =	vadd.s32 $0x2100, v56;
	[tilespmem:$0x1F730] =	vst v6  }
0x4ef: {  	v43 =	vld.idx.msk [tilespmem:v43+s2+$0x0], $0xffff;
	v6 =	vadd.s32 $0x2100, v8;
	[tilespmem:$0x1F7C0] =	vst v2  }
0x4f0: {  	v2 =	vadd.s32 $0x2180, v8;
	[tilespmem:$0x1F760] =	vst v6  }
0x4f1: {  	[tilespmem:$0x1F7D0] =	vst v2  }
0x4f2: {  	v11 =	vor.u32 $0x100, v5;
	[tilespmem:s23+$0xFFFF8100] =	vst v9  }
0x4f3: {  	[tilespmem:s23+$0xFFFF8110] =	vst v10  }
0x4f4: {  	v49 =	vor.u32 $0x180, v1;
	v6 =	vadd.s32 $0x2080, v58;
	[tilespmem:s23+$0xFFFF8120] =	vst v43  }
0x4f5: {  	v12 =	vor.u32 $0x100, v52;
	v2 =	vadd.s32 $0x2180, v4;
	[tilespmem:$0x1F740] =	vst v6  }
0x4f6: {  	v16 =	vor.u32 $0x100, v56;
	v10 =	vadd.s32 $0x2180, v58;
	[tilespmem:$0x1F7E0] =	vst v2  }
0x4f7: {  	v11 =	vld.idx.msk [tilespmem:v11+s2+$0x0], $0xffff;
	v6 =	vadd.s32 $0x2080, v56;
	[tilespmem:$0x1F820] =	vst v10  }
0x4f8: {  	v2 =	vadd.s32 $0x2180, v59;
	[tilespmem:$0x1F750] =	vst v6  }
0x4f9: {  	v3 =	vld.idx.msk [tilespmem:v49+s2+$0x0], $0xffff;
	v6 =	vadd.s32 $0x2100, v4;
	[tilespmem:$0x1F7F0] =	vst v2  }
0x4fa: {  	v2 =	vld.idx.msk [tilespmem:v12+s2+$0x0], $0xffff;
	v12 =	vadd.s32 $0x2200, v8;
	[tilespmem:$0x1F770] =	vst v6  }
0x4fb: {  	v10 =	vld.idx.msk [tilespmem:v16+s2+$0x0], $0xffff;
	[tilespmem:$0x1F840] =	vst v12  }
0x4fc: {  	v12 =	vadd.s32 $0x2180, v56;
	[tilespmem:s23+$0xFFFF8130] =	vst v11  }
0x4fd: {  	v0 =	vor.u32 $0x200, v1;
	[tilespmem:$0x1F830] =	vst v12  }
0x4fe: {  	v13 =	vor.u32 $0x100, v58;
	[tilespmem:s23+$0xFFFF81F0] =	vst v3;
	v3 =	vadd.s32 $0x2100, v52  }
0x4ff: {  	[tilespmem:$0x1F7A0] =	vst v3  }
0x500: {  	v21 =	vor.u32 $0x180, v59;
	v3 =	vadd.s32 $0x2180, v5;
	[tilespmem:s23+$0xFFFF8160] =	vst v10  }
0x501: {  	v18 =	vor.u32 $0x180, v8;
	[tilespmem:$0x1F800] =	vst v3  }
0x502: {  	v0 =	vld.idx.msk [tilespmem:v0+s2+$0x0], $0xffff;
	v3 =	vadd.s32 $0x2180, v52;
	[tilespmem:s23+$0xFFFF8140] =	vst v2  }
0x503: {  	v24 =	vor.u32 $0x180, v52;
	[tilespmem:$0x1F810] =	vst v3;
	v3 =	vld.idx.msk [tilespmem:v13+s2+$0x0], $0xffff;
	v13 =	vadd.s32 $0x2200, v4  }
0x504: {  	v19 =	vor.u32 $0x180, v4;
	v7 =	vld [tilespmem:$0x1F730];
	[tilespmem:$0x1F850] =	vst v13;
	v13 =	vadd.s32 $0x2200, v59  }
0x505: {  	v9 =	vor.u32 $0x280, v1;
	v16 =	vld.idx.msk [tilespmem:v21+s2+$0x0], $0xffff;
	[tilespmem:$0x1F860] =	vst v13;
	v13 =	vadd.s32 $0x2200, v5  }
0x506: {  	v22 =	vor.u32 $0x180, v5;
	v12 =	vld.idx.msk [tilespmem:v18+s2+$0x0], $0xffff;
	[tilespmem:$0x1F870] =	vst v13  }
0x507: {  	v14 =	vor.u32 $0x200, v8;
	v6 =	vld [tilespmem:$0x1F700];
	[tilespmem:s23+$0xFFFF8270] =	vst v0;
	v0 =	vadd.s32 $0x2280, v5  }
0x508: {  	v30 =	vor.u32 $0x180, v58;
	v18 =	vld.idx.msk [tilespmem:v24+s2+$0x0], $0xffff;
	[tilespmem:$0x1F8E0] =	vst v0;
	v0 =	vadd.s32 $0x2280, v52  }
0x509: {  	v31 =	vor.u32 $0x180, v56;
	v13 =	vld.idx.msk [tilespmem:v19+s2+$0x0], $0xffff;
	[tilespmem:$0x1F8F0] =	vst v0;
	v0 =	vadd.s32 $0x2280, v58  }
0x50a: {  	v32 =	vor.u32 $0x200, v4;
	[tilespmem:$0x1F900] =	vst v0;
	v0 =	vld.idx.msk [tilespmem:v9+s2+$0x0], $0xffff  }
0x50b: {  	v36 =	vor.u32 $0x200, v59;
	[tilespmem:s23+$0xFFFF8180] =	vst v12;
	v9 =	vld.idx.msk [tilespmem:v22+s2+$0x0], $0xffff  }
0x50c: {  	v14 =	vld.idx.msk [tilespmem:v14+s2+$0x0], $0xffff;
	v19 =	vor.u32 $0x300, v1;
	[tilespmem:s23+$0xFFFF8150] =	vst v3  }
0x50d: {  	v15 =	vor.u32 $0x200, v5;
	[tilespmem:s23+$0xFFFF81A0] =	vst v16;
	v30 =	vld.idx.msk [tilespmem:v30+s2+$0x0], $0xffff  }
0x50e: {  	v44 =	vor.u32 $0x200, v52;
	[tilespmem:s23+$0xFFFF8190] =	vst v13;
	v13 =	vld.idx.msk [tilespmem:v31+s2+$0x0], $0xffff  }
0x50f: {  	v45 =	vor.u32 $0x200, v58;
	v16 =	vld.idx.msk [tilespmem:v32+s2+$0x0], $0xffff;
	[tilespmem:s23+$0xFFFF82F0] =	vst v0  }
0x510: {  	v17 =	vor.u32 $0x200, v56;
	[tilespmem:s23+$0xFFFF81B0] =	vst v9;
	v9 =	vld.idx.msk [tilespmem:v36+s2+$0x0], $0xffff  }
0x511: {  	v20 =	vor.u32 $0x280, v8;
	[tilespmem:s23+$0xFFFF81C0] =	vst v18;
	v0 =	vld.idx.msk [tilespmem:v19+s2+$0x0], $0xffff  }
0x512: {  	v51 =	vor.u32 $0x280, v4;
	[tilespmem:s23+$0xFFFF8200] =	vst v14;
	v15 =	vld.idx.msk [tilespmem:v15+s2+$0x0], $0xffff  }
0x513: {  	v23 =	vor.u32 $0x280, v59;
	[tilespmem:s23+$0xFFFF81D0] =	vst v30;
	v19 =	vld.idx.msk [tilespmem:v44+s2+$0x0], $0xffff  }
0x514: {  	v18 =	vor.u32 $0x380, v1;
	[tilespmem:s23+$0xFFFF81E0] =	vst v13;
	v13 =	vld.idx.msk [tilespmem:v45+s2+$0x0], $0xffff  }
0x515: {  	v25 =	vor.u32 $0x280, v5;
	[tilespmem:s23+$0xFFFF8210] =	vst v16;
	v14 =	vld.idx.msk [tilespmem:v17+s2+$0x0], $0xffff  }
0x516: {  	v54 =	vor.u32 $0x280, v52;
	v16 =	vld.idx.msk [tilespmem:v20+s2+$0x0], $0xffff;
	[tilespmem:s23+$0xFFFF8220] =	vst v9  }
0x517: {  	v26 =	vor.u32 $0x280, v58;
	v9 =	vld.idx.msk [tilespmem:v51+s2+$0x0], $0xffff;
	[tilespmem:s23+$0xFFFF8370] =	vst v0  }
0x518: {  	v27 =	vor.u32 $0x280, v56;
	[tilespmem:s23+$0xFFFF8230] =	vst v15;
	v15 =	vld.idx.msk [tilespmem:v23+s2+$0x0], $0xffff  }
0x519: {  	v55 =	vor.u32 $0x300, v8;
	[tilespmem:s23+$0xFFFF8240] =	vst v19;
	v0 =	vld.idx.msk [tilespmem:v18+s2+$0x0], $0xffff  }
0x51a: {  	v28 =	vor.u32 $0x300, v4;
	v18 =	vld.idx.msk [tilespmem:v25+s2+$0x0], $0xffff;
	[tilespmem:s23+$0xFFFF8250] =	vst v13  }
0x51b: {  	v57 =	vor.u32 $0x300, v59;
	v13 =	vld.idx.msk [tilespmem:v54+s2+$0x0], $0xffff;
	[tilespmem:s23+$0xFFFF8260] =	vst v14  }
0x51c: {  	v17 =	vadd.s32 $0x2000, v1;
	[tilespmem:s23+$0xFFFF8280] =	vst v16;
	v14 =	vld.idx.msk [tilespmem:v26+s2+$0x0], $0xffff  }
0x51d: {  	v29 =	vor.u32 $0x300, v5;
	v16 =	vld.idx.msk [tilespmem:v27+s2+$0x0], $0xffff;
	[tilespmem:s23+$0xFFFF8290] =	vst v9  }
0x51e: {  	v34 =	vor.u32 $0x300, v52;
	v9 =	vld.idx.msk [tilespmem:v55+s2+$0x0], $0xffff;
	[tilespmem:s23+$0xFFFF82A0] =	vst v15  }
0x51f: {  	v35 =	vor.u32 $0x300, v58;
	v15 =	vld.idx.msk [tilespmem:v28+s2+$0x0], $0xffff;
	[tilespmem:s23+$0xFFFF83F0] =	vst v0  }
0x520: {  	v33 =	vor.u32 $0x300, v56;
	[tilespmem:s23+$0xFFFF82B0] =	vst v18;
	v18 =	vld.idx.msk [tilespmem:v57+s2+$0x0], $0xffff  }
0x521: {  	v60 =	vor.u32 $0x380, v8;
	[tilespmem:s23+$0xFFFF82C0] =	vst v13;
	v0 =	vld.idx.msk [tilespmem:v17+s2+$0x0], $0xffff  }
0x522: {  	v62 =	vor.u32 $0x380, v4;
	v13 =	vld.idx.msk [tilespmem:v29+s2+$0x0], $0xffff;
	[tilespmem:s23+$0xFFFF82D0] =	vst v14  }
0x523: {  	v37 =	vor.u32 $0x380, v59;
	v14 =	vld.idx.msk [tilespmem:v34+s2+$0x0], $0xffff;
	[tilespmem:s23+$0xFFFF82E0] =	vst v16  }
0x524: {  	v17 =	vadd.s32 $0x2080, v1;
	v16 =	vld.idx.msk [tilespmem:v35+s2+$0x0], $0xffff;
	[tilespmem:s23+$0xFFFF8300] =	vst v9  }
0x525: {  	v61 =	vor.u32 $0x380, v5;
	v9 =	vld.idx.msk [tilespmem:v33+s2+$0x0], $0xffff;
	[tilespmem:s23+$0xFFFF8310] =	vst v15  }
0x526: {  	v63 =	vor.u32 $0x380, v52;
	v15 =	vld.idx.msk [tilespmem:v60+s2+$0x0], $0xffff;
	[tilespmem:s23+$0xFFFF8320] =	vst v18  }
0x527: {  	v38 =	vor.u32 $0x380, v58;
	v18 =	vld.idx.msk [tilespmem:v62+s2+$0x0], $0xffff;
	[tilespmem:s23+$0x70] =	vst v0  }
0x528: {  	v46 =	vor.u32 $0x380, v56;
	[tilespmem:s23+$0xFFFF8330] =	vst v13;
	v13 =	vld.idx.msk [tilespmem:v37+s2+$0x0], $0xffff  }
0x529: {  	v0 =	vld.idx.msk [tilespmem:v17+s2+$0x0], $0xffff  }
0x52a: {  	[tilespmem:s23+$0xFFFF8340] =	vst v14;
	v14 =	vld.idx.msk [tilespmem:v61+s2+$0x0], $0xffff  }
0x52b: {  	v47 =	vadd.s32 $0x2000, v4;
	[tilespmem:s23+$0xFFFF8350] =	vst v16;
	v16 =	vld.idx.msk [tilespmem:v63+s2+$0x0], $0xffff  }
0x52c: {  	v48 =	vadd.s32 $0x2000, v59;
	[tilespmem:s23+$0xFFFF8360] =	vst v9;
	v9 =	vld.idx.msk [tilespmem:v38+s2+$0x0], $0xffff  }
0x52d: {  	v17 =	vadd.s32 $0x2100, v1;
	[tilespmem:s23+$0xFFFF8380] =	vst v15;
	v15 =	vld.idx.msk [tilespmem:v46+s2+$0x0], $0xffff  }
0x52e: {  	v49 =	vadd.s32 $0x2000, v5;
	[tilespmem:s23+$0xFFFF8390] =	vst v18;
	v18 =	vld.idx.msk [tilespmem:v6+s2+$0x0], $0xffff  }
0x52f: {  	v39 =	vadd.s32 $0x2000, v52;
	v6 =	vld [tilespmem:$0x1F710];
	[tilespmem:s23+$0xFFFF83A0] =	vst v13  }
0x530: {  	v50 =	vadd.s32 $0x2000, v58;
	v13 =	vld.idx.msk [tilespmem:v47+s2+$0x0], $0xffff;
	[tilespmem:s23+$0xF0] =	vst v0  }
0x531: {  	v53 =	vadd.s32 $0x2000, v56;
	[tilespmem:s23+$0xFFFF83B0] =	vst v14;
	v14 =	vld.idx.msk [tilespmem:v48+s2+$0x0], $0xffff  }
0x532: {  	v41 =	vadd.s32 $0x2080, v8;
	[tilespmem:s23+$0xFFFF83C0] =	vst v16;
	v0 =	vld.idx.msk [tilespmem:v17+s2+$0x0], $0xffff  }
0x533: {  	v16 =	vld.idx.msk [tilespmem:v49+s2+$0x0], $0xffff;
	[tilespmem:s23+$0xFFFF83D0] =	vst v9  }
0x534: {  	v42 =	vadd.s32 $0x2080, v59;
	v9 =	vld.idx.msk [tilespmem:v39+s2+$0x0], $0xffff;
	[tilespmem:s23+$0xFFFF83E0] =	vst v15  }
0x535: {  	v15 =	vld.idx.msk [tilespmem:v50+s2+$0x0], $0xffff;
	[tilespmem:s23+$0x0] =	vst v18  }
0x536: {  	v17 =	vadd.s32 $0x2180, v1;
	[tilespmem:s23+$0x10] =	vst v13;
	v13 =	vld.idx.msk [tilespmem:v53+s2+$0x0], $0xffff  }
0x537: {  	v18 =	vld.idx.msk [tilespmem:v41+s2+$0x0], $0xffff  }
0x538: {  	[tilespmem:s23+$0x20] =	vst v14;
	v14 =	vld.idx.msk [tilespmem:v6+s2+$0x0], $0xffff  }
0x539: {  	[tilespmem:s23+$0x30] =	vst v16;
	v16 =	vld.idx.msk [tilespmem:v42+s2+$0x0], $0xffff  }
0x53a: {  	[tilespmem:s23+$0x170] =	vst v0;
	v6 =	vld [tilespmem:$0x1F720]  }
0x53b: {  	[tilespmem:s23+$0x40] =	vst v9;
	v0 =	vld.idx.msk [tilespmem:v17+s2+$0x0], $0xffff  }
0x53c: {  	v9 =	vld.idx.msk [tilespmem:v7+s2+$0x0], $0xffff  }
0x53d: {  	v7 =	vld [tilespmem:$0x1F740]  }
0x53e: {  	v17 =	vadd.s32 $0x2200, v1;
	[tilespmem:s23+$0x50] =	vst v15;
	v15 =	vld [tilespmem:$0x1F760]  }
0x53f: {  	[tilespmem:s23+$0x90] =	vst v14;
	v14 =	vld [tilespmem:$0x1F750]  }
0x540: {  	[tilespmem:s23+$0xA0] =	vst v16;
	v16 =	vld [tilespmem:$0x1F770]  }
0x541: {  	[tilespmem:s23+$0x1F0] =	vst v0  }
0x542: {  	[tilespmem:s23+$0xC0] =	vst v9;
	v9 =	vld [tilespmem:$0x1F790]  }
0x543: {  	v0 =	vld.idx.msk [tilespmem:v17+s2+$0x0], $0xffff  }
0x544: {  	[tilespmem:s23+$0x60] =	vst v13;
	v13 =	vadd.s32 $0x2280, v1;
	v6 =	vld.idx.msk [tilespmem:v6+s2+$0x0], $0xffff  }
0x545: {  	[tilespmem:s23+$0x80] =	vst v18;
	v7 =	vld.idx.msk [tilespmem:v7+s2+$0x0], $0xffff  }
0x546: {  	v15 =	vld.idx.msk [tilespmem:v15+s2+$0x0], $0xffff  }
0x547: {  	v14 =	vld.idx.msk [tilespmem:v14+s2+$0x0], $0xffff  }
0x548: {  	[tilespmem:s23+$0x270] =	vst v0;
	v16 =	vld.idx.msk [tilespmem:v16+s2+$0x0], $0xffff  }
0x549: {  	v0 =	vld.idx.msk [tilespmem:v13+s2+$0x0], $0xffff  }
0x54a: {  	[tilespmem:s23+$0xB0] =	vst v6;
	v6 =	vld [tilespmem:$0x1F780]  }
0x54b: {  	v13 =	vld [tilespmem:$0x1F7A0];
	[tilespmem:s23+$0xD0] =	vst v7;
	v7 =	vadd.s32 $0x2300, v1  }
0x54c: {  	v9 =	vld.idx.msk [tilespmem:v9+s2+$0x0], $0xffff;
	[tilespmem:s23+$0x100] =	vst v15  }
0x54d: {  	v15 =	vld [tilespmem:$0x1F7C0];
	[tilespmem:s23+$0xE0] =	vst v14  }
0x54e: {  	v14 =	vld [tilespmem:$0x1F7B0];
	[tilespmem:s23+$0x110] =	vst v16  }
0x54f: {  	v16 =	vld [tilespmem:$0x1F7D0];
	[tilespmem:s23+$0x2F0] =	vst v0  }
0x550: {  	v0 =	vld.idx.msk [tilespmem:v7+s2+$0x0], $0xffff  }
0x551: {  	v1 =	vadd.s32 $0x2380, v1;
	v7 =	vld [tilespmem:$0x1F7F0]  }
0x552: {  	[tilespmem:s23+$0x130] =	vst v9;
	v9 =	vld [tilespmem:$0x1F800]  }
0x553: {  	v6 =	vld.idx.msk [tilespmem:v6+s2+$0x0], $0xffff  }
0x554: {  	v13 =	vld.idx.msk [tilespmem:v13+s2+$0x0], $0xffff  }
0x555: {  	v15 =	vld.idx.msk [tilespmem:v15+s2+$0x0], $0xffff;
	[tilespmem:s23+$0x370] =	vst v0  }
0x556: {  	v0 =	vld.idx.msk [tilespmem:v1+s2+$0x0], $0xffff  }
0x557: {  	v1 =	vld [tilespmem:$0x1F840]  }
0x558: {  	v11 =	vadd.s32 $0x2200, v52;
	v14 =	vld.idx.msk [tilespmem:v14+s2+$0x0], $0xffff  }
0x559: {  	[tilespmem:$0x1F880] =	vst v11;
	v16 =	vld.idx.msk [tilespmem:v16+s2+$0x0], $0xffff  }
0x55a: {  	[tilespmem:s23+$0x140] =	vst v13;
	v13 =	vld [tilespmem:$0x1F810]  }
0x55b: {  	v11 =	vadd.s32 $0x2200, v58;
	[tilespmem:s23+$0x120] =	vst v6;
	v6 =	vld [tilespmem:$0x1F7E0]  }
0x55c: {  	[tilespmem:$0x1F890] =	vst v11;
	v7 =	vld.idx.msk [tilespmem:v7+s2+$0x0], $0xffff  }
0x55d: {  	v11 =	vadd.s32 $0x2200, v56;
	[tilespmem:s23+$0x160] =	vst v15;
	v15 =	vld [tilespmem:$0x1F830]  }
0x55e: {  	[tilespmem:$0x1F8A0] =	vst v11;
	v9 =	vld.idx.msk [tilespmem:v9+s2+$0x0], $0xffff  }
0x55f: {  	[tilespmem:s23+$0x3F0] =	vst v0;
	v0 =	vld [tilespmem:$0x1F8A0]  }
0x560: {  	[tilespmem:s23+$0x150] =	vst v14;
	v14 =	vld [tilespmem:$0x1F820]  }
0x561: {  	[tilespmem:s23+$0x1A0] =	vst v7;
	v7 =	vld [tilespmem:$0x1F860]  }
0x562: {  	[tilespmem:s23+$0x180] =	vst v16;
	v13 =	vld.idx.msk [tilespmem:v13+s2+$0x0], $0xffff  }
0x563: {  	[tilespmem:s23+$0x1B0] =	vst v9;
	v9 =	vld [tilespmem:$0x1F870]  }
0x564: {  	v1 =	vld.idx.msk [tilespmem:v1+s2+$0x0], $0xffff  }
0x565: {  	v15 =	vld.idx.msk [tilespmem:v15+s2+$0x0], $0xffff  }
0x566: {  	v6 =	vld.idx.msk [tilespmem:v6+s2+$0x0], $0xffff  }
0x567: {  	v11 =	vadd.s32 $0x2280, v8;
	[tilespmem:s23+$0x1C0] =	vst v13;
	v13 =	vld [tilespmem:$0x1F880]  }
0x568: {  	[tilespmem:$0x1F8B0] =	vst v11  }
0x569: {  	[tilespmem:s23+$0x200] =	vst v1;
	v1 =	vld [tilespmem:$0x1F8B0]  }
0x56a: {  	v14 =	vld.idx.msk [tilespmem:v14+s2+$0x0], $0xffff;
	[tilespmem:s23+$0x1E0] =	vst v15  }
0x56b: {  	v0 =	vld.idx.msk [tilespmem:v0+s2+$0x0], $0xffff  }
0x56c: {  	v11 =	vadd.s32 $0x2280, v4;
	[tilespmem:s23+$0x190] =	vst v6;
	v6 =	vld [tilespmem:$0x1F850]  }
0x56d: {  	v2 =	vadd.s32 $0x2300, v8;
	[tilespmem:$0x1F8C0] =	vst v11;
	v7 =	vld.idx.msk [tilespmem:v7+s2+$0x0], $0xffff  }
0x56e: {  	[tilespmem:$0x1F920] =	vst v2;
	v2 =	vadd.s32 $0x2280, v56;
	v9 =	vld.idx.msk [tilespmem:v9+s2+$0x0], $0xffff  }
0x56f: {  	[tilespmem:$0x1F910] =	vst v2;
	v13 =	vld.idx.msk [tilespmem:v13+s2+$0x0], $0xffff  }
0x570: {  	v11 =	vadd.s32 $0x2280, v59;
	[tilespmem:s23+$0x260] =	vst v0;
	v0 =	vld [tilespmem:$0x1F910]  }
0x571: {  	[tilespmem:$0x1F8D0] =	vst v11  }
0x572: {  	[tilespmem:s23+$0x1D0] =	vst v14;
	v14 =	vld [tilespmem:$0x1F890]  }
0x573: {  	[tilespmem:s23+$0x220] =	vst v7;
	v7 =	vld [tilespmem:$0x1F8D0]  }
0x574: {  	[tilespmem:s23+$0x240] =	vst v13;
	v13 =	vld [tilespmem:$0x1F8F0]  }
0x575: {  	[tilespmem:s23+$0x230] =	vst v9;
	v9 =	vld [tilespmem:$0x1F8E0]  }
0x576: {  	v6 =	vld.idx.msk [tilespmem:v6+s2+$0x0], $0xffff  }
0x577: {  	v1 =	vld.idx.msk [tilespmem:v1+s2+$0x0], $0xffff  }
0x578: {  	v15 =	vld.idx.msk [tilespmem:v0+s2+$0x0], $0xffff  }
0x579: {  	v0 =	vld [tilespmem:$0x1F920]  }
0x57a: {  	v14 =	vld.idx.msk [tilespmem:v14+s2+$0x0], $0xffff  }
0x57b: {  	[tilespmem:s23+$0x210] =	vst v6;
	v6 =	vld [tilespmem:$0x1F8C0]  }
0x57c: {  	v17 =	vld.idx.msk [tilespmem:v13+s2+$0x0], $0xffff  }
0x57d: {  	v13 =	vld [tilespmem:$0x1F900]  }
0x57e: {  	v2 =	vadd.s32 $0x2300, v59  }
0x57f: {  	[tilespmem:$0x1F930] =	vst v2  }
0x580: {  	[tilespmem:s23+$0x280] =	vst v1;
	v9 =	vld.idx.msk [tilespmem:v9+s2+$0x0], $0xffff  }
0x581: {  	[tilespmem:s23+$0x250] =	vst v14;
	v14 =	vld.idx.msk [tilespmem:v0+s2+$0x0], $0xffff  }
0x582: {  	v22 =	vadd.s32 $0x2300, v5;
	v0 =	vld [tilespmem:$0x1F930]  }
0x583: {  	v24 =	vadd.s32 $0x2300, v52;
	v6 =	vld.idx.msk [tilespmem:v6+s2+$0x0], $0xffff  }
0x584: {  	s25 =	sadd.s32 $0x8, s25;
	v40 =	vadd.s32 $0x2300, v4;
	v7 =	vld.idx.msk [tilespmem:v7+s2+$0x0], $0xffff  }
0x585: {  	p0 =	slt.u32 s25, $0xF8;
	v18 =	vld.idx.msk [tilespmem:v13+s2+$0x0], $0xffff  }
.Ltmp3:
0x586: {  	[tilespmem:s23+$0x2B0] =	vst v9;
	(pc) =	sbr.rel @p0 .LBB2_8-.Ltmp3, $4  }
0x587: {  	v16 =	vld.idx.msk [tilespmem:v22+s2+$0x0], $0xffff;
	[tilespmem:s23+$0x2C0] =	vst v17  }
0x588: {  	v43 =	vadd.s32 $0x2380, v56;
	v10 =	vadd.s32 $0x2380, v8;
	v8 =	vadd.s32 $0x2380, v4;
	[tilespmem:s23+$0x290] =	vst v6;
	v6 =	vld.idx.msk [tilespmem:v24+s2+$0x0], $0xffff  }
0x589: {  	v4 =	vadd.s32 $0x2380, v59;
	v12 =	vadd.s32 $0x2300, v58;
	v11 =	vadd.s32 $0x2300, v56;
	[tilespmem:s23+$0x2A0] =	vst v7;
	v13 =	vld.idx.msk [tilespmem:v40+s2+$0x0], $0xffff  }
0x58a: {  	s26 =	sadd.s32 $0x80, s26;
	s24 =	smov.u32 s23;
	v2 =	vadd.s32 $0x2380, v58;
	v3 =	vadd.s32 $0x2380, v52;
	v5 =	vadd.s32 $0x2380, v5;
	v0 =	vld.idx.msk [tilespmem:v0+s2+$0x0], $0xffff;
	[tilespmem:s23+$0x2D0] =	vst v18  }
0x58b: {  	_ =	sdelay $0x2  }
0x58c: {  	[tilespmem:s23+$0x2E0] =	vst v15  }
0x58d: {  	[tilespmem:s23+$0x300] =	vst v14;
	v1 =	vld.idx.msk [tilespmem:v12+s2+$0x0], $0xffff  }
0x58e: {  	v7 =	vld.idx.msk [tilespmem:v11+s2+$0x0], $0xffff;
	[tilespmem:s23+$0x330] =	vst v16  }
0x58f: {  	v60 =	vld.idx.msk [tilespmem:v10+s2+$0x0], $0xffff;
	[tilespmem:s23+$0x340] =	vst v6  }
0x590: {  	v5 =	vld.idx.msk [tilespmem:v5+s2+$0x0], $0xffff;
	[tilespmem:s23+$0x310] =	vst v13  }
0x591: {  	v61 =	vld.idx.msk [tilespmem:v3+s2+$0x0], $0xffff;
	[tilespmem:s23+$0x320] =	vst v0  }
0x592: {  	v8 =	vld.idx.msk [tilespmem:v8+s2+$0x0], $0xffff;
	[tilespmem:s23+$0x350] =	vst v1  }
0x593: {  	v4 =	vld.idx.msk [tilespmem:v4+s2+$0x0], $0xffff;
	[tilespmem:s23+$0x360] =	vst v7  }
0x594: {  	[tilespmem:s23+$0x380] =	vst v60;
	v62 =	vld.idx.msk [tilespmem:v2+s2+$0x0], $0xffff  }
0x595: {  	v63 =	vld.idx.msk [tilespmem:v43+s2+$0x0], $0xffff;
	[tilespmem:s24+$0x3B0] =	vst v5  }
0x596: {  	[tilespmem:s24+$0x3C0] =	vst v61  }
0x597: {  	[tilespmem:s24+$0x390] =	vst v8  }
0x598: {  	[tilespmem:s24+$0x3A0] =	vst v4  }
0x599: {  	[tilespmem:s24+$0x3D0] =	vst v62  }
0x59a: {  	[tilespmem:s24+$0x3E0] =	vst v63  }
0x59b: {  	[hbm4b:s8+s2] =	stream.linear.scatter [tilespmem:s19], [sflag:$0x1], $0x2000, $0x38;
	[tilespmem:$0x15000] =	vst v63  }
0x59c: {  	s31 =	sadd.s32 $0x1000, s8  }
0x59d: {  	[hbm4b:s31+s2] =	stream.linear.scatter [tilespmem:s20], [sflag:$0x1], $0x2000, $0x38;
	[tilespmem:$0x15000] =	vst v63  }
0x59e: {  	_ =	swait.ge [sflag:s21], $0x4000  }
0x59f: {  	[sflag:s21] =	ssyncset.done $0x0  }
0x5a0: {  	[sflag:s21] =	ssyncadd.s32 $0xFFFFC000  }
0x5a1: {  	_ =	swait.ge [sflag:s21], $0x4000  }
0x5a2: {  	[sflag:s21] =	ssyncset.done $0x0  }
0x5a3: {  	s22 =	sadd.s32 $0x1, s22;
	[sflag:s21] =	ssyncadd.s32 $0xFFFFC000  }
0x5a4: {  	p0 =	sne.s32 s22, s9;
	_ =	swait.ge [sflag:s21], $0x4000  }
.Ltmp4:
0x5a5: {  	[sflag:s21] =	ssyncset.done $0x0;
	(pc) =	sbr.rel @p0 .LBB2_1-.Ltmp4, $4  }
0x5a6: {  	[sflag:s21] =	ssyncadd.s32 $0xFFFFC000  }
0x5a7: {  	_ =	swait.ge [sflag:s21], $0x4000  }
0x5a8: {  	[sflag:s21] =	ssyncset.done $0x0  }
0x5a9: {  	[sflag:s21] =	ssyncadd.s32 $0xFFFFC000  }
0x5aa: {  	_ =	sfence.sel $0x180000  }
0x5ab: {  	[bflag:$0x0] =	sbarrier.arrive $0xFFFF  }
0x5ac: {  	p0 =	sne.s32 s0, $0x0;
	_ =	strace $0x90000047  }
0x5ad: {  	s0 =	sadd.s32 @!p0 $0x100000, s1;
	[bflag:$0x2] =	sbarrier.arrive $0xFFFF  }
0x5ae: {  	[sflag:s0] =	ssyncadd.tile.s32 @!p0 $0x1;
	_ =	shalt  }
.Lfunc_end2:
_tile_overlayer_lowered:
.L_overlay_start_2:
0x5af: {  	(tag) =	ssettag $0x2  }
0x5b0: {  	s0 =	rddreg [dreg:$0x0];
	s2 =	stileid.u32  }
0x5b1: {  	s1 =	rddreg [dreg:$0x1];
	p0 =	sne.s32 s2, $0x0  }
0x5b2: {  	s3 =	rddreg [dreg:$0x2];
	[bflag:$0x3] =	sbarrier.arrive $0xFFFF;
	s2 =	simm.s32 @!p0 $0x1C02  }
0x5b3: {  	[timem:s3], [sflag:s2] =	dma.local @!p0 [hbm:s0], s1  }
0x5b4: {  	s0 =	simm.s32 @!p0 $0x2  }
0x5b5: {  	_ =	swait.ge @!p0 [sflag:s0], s1  }
0x5b6: {  	s1 =	ssub.s32 @!p0 $0x0, s1;
	[sflag:s0] =	ssyncset.done @!p0 $0x0  }
0x5b7: {  	[sflag:s0] =	ssyncadd.s32 @!p0 s1  }
0x5b8: {  	[bflag:$0x3] =	sbarrier.arrive $0xFFFF  }
0x5b9: {  	_ =	shalt  }

</sc_bundles>
